<compile_context>
chip_gen: v7x
topology: tpu7x:2x2x1
jax: 0.10.2.dev20260603
libtpu: 0.0.44.dev20260713+nightly
codegen_flags: <defaults>
</compile_context>

<pallas_src>
import functools

import jax
import jax.numpy as jnp
from jax import lax
from jax.experimental import pallas as pl
from jax.experimental.pallas import tpu as pltpu
from jax.experimental.pallas import tpu_sc as plsc

LO = -10.0
HI = 10.0
N_IN = 999999
N_OUT = N_IN + 2
NW = 16
C = 62592
NPAD = NW * C
VPW = C // 16
NCH = C // 128
RB = 16
TAIL = N_IN - (NW - 1) * C
R = 2048
SHIFTS = (0, 11, 22)
_MSB = 0x80000000


def _fwd_key(xv):
    b = plsc.bitcast(xv, jnp.uint32)
    neg = (b >> jnp.uint32(31)) > jnp.uint32(0)
    return jnp.where(neg, ~b, b | jnp.uint32(_MSB))


def _inv_val(k):
    b = jnp.where((k >> jnp.uint32(31)) > jnp.uint32(0),
                  k ^ jnp.uint32(_MSB), ~k)
    f = plsc.bitcast(b, jnp.float32)
    return jnp.float32(LO) + jnp.float32(HI - LO) / (
        jnp.float32(1.0) + jnp.exp(-f))


@functools.partial(
    pl.kernel,
    out_type=jax.ShapeDtypeStruct((N_OUT,), jnp.float32),
    mesh=plsc.VectorSubcoreMesh(
        core_axis_name="c", subcore_axis_name="s", num_cores=1),
    scratch_types=[
        pltpu.HBM((NPAD,), jnp.float32),
        pltpu.HBM((NPAD,), jnp.float32),
        pltpu.VMEM((C,), jnp.float32),
        pltpu.VMEM((RB, 128), jnp.int32),
        pltpu.VMEM((R,), jnp.int32),
        pltpu.VMEM((R,), jnp.int32),
        pltpu.VMEM((R,), jnp.int32),
        pltpu.VMEM((R,), jnp.int32),
        pltpu.VMEM((R,), jnp.int32),
        pltpu.VMEM_SHARED((NW, R), jnp.int32),
        pltpu.SemaphoreType.DMA,
    ],
    compiler_params=pltpu.CompilerParams(needs_layout_passes=False),
)
def _sc_sort(x_hbm, out_hbm, buf_a, buf_b, keys, idxb, rowbuf, hist, offs,
             totb, preb, gshared, sem):
    w = lax.axis_index("s")
    base = pl.multiple_of(w * C, 128)
    ones = jnp.ones((16,), jnp.int32)
    zeros = jnp.zeros((16,), jnp.int32)

    hops = [(None, buf_a), (buf_a, buf_b), (buf_b, None)]

    for p in range(3):
        inb, outb = hops[p]
        sh = jnp.uint32(SHIFTS[p])
        final = p == 2

        if p == 0:
            @pl.when(w < NW - 1)
            def _():
                pltpu.sync_copy(x_hbm.at[pl.ds(base, C)], keys)

            @pl.when(w == NW - 1)
            def _():
                pltpu.sync_copy(x_hbm.at[pl.ds(base, TAIL)],
                                keys.at[pl.ds(0, TAIL)])
        else:
            pltpu.sync_copy(inb.at[pl.ds(base, C)], keys)

        def zbody(j, _):
            hist[pl.ds(j * 16, 16)] = zeros
            return 0

        lax.fori_loop(0, R // 16, zbody, 0)

        if p == 0:
            def hbody(i, _):
                off = i * 16
                xv = keys[pl.ds(off, 16)]
                k = _fwd_key(xv)
                gidx = base + off + lax.iota(jnp.int32, 16)
                k = jnp.where(
                    gidx < N_IN, k,
                    jnp.where(gidx == N_IN, jnp.uint32(0),
                              jnp.uint32(0xFFFFFFFF)))
                keys[pl.ds(off, 16)] = plsc.bitcast(k, jnp.float32)
                d = (k & jnp.uint32(0x7FF)).astype(jnp.int32)
                plsc.addupdate_scatter(hist, [d], ones)
                return 0
        else:
            def hbody(i, _):
                off = i * 16
                k = plsc.bitcast(keys[pl.ds(off, 16)], jnp.uint32)
                d = ((k >> sh) & jnp.uint32(0x7FF)).astype(jnp.int32)
                plsc.addupdate_scatter(hist, [d], ones)
                return 0

        lax.fori_loop(0, VPW, hbody, 0)

        pltpu.sync_copy(hist, gshared.at[w])
        plsc.subcore_barrier()

        def z2body(j, _):
            sl = pl.ds(j * 16, 16)
            totb[sl] = zeros
            preb[sl] = zeros
            return 0

        lax.fori_loop(0, R // 16, z2body, 0)

        def abody(wp, _):
            pltpu.sync_copy(gshared.at[wp], rowbuf)
            lt = (wp < w).astype(jnp.int32)

            def jbody(j, _):
                sl = pl.ds(j * 16, 16)
                g = rowbuf[sl]
                totb[sl] = totb[sl] + g
                preb[sl] = preb[sl] + g * lt
                return 0

            lax.fori_loop(0, R // 16, jbody, 0)
            return 0

        lax.fori_loop(0, NW, abody, 0)

        def cbody(j, carry):
            sl = pl.ds(j * 16, 16)
            tot = totb[sl]
            inc = plsc.cumsum(tot)
            offs[sl] = inc - tot + carry + preb[sl]
            return carry + jnp.max(inc)

        lax.fori_loop(0, R // 16, cbody, jnp.int32(0))

        dst = out_hbm if final else outb

        def sbody(c, _):
            r = lax.rem(c, RB)

            @pl.when(c >= RB)
            def _():
                pltpu.make_async_copy(keys.at[pl.ds(0, 128)],
                                      dst.at[idxb.at[r]], sem).wait()

            coff = c * 128
            for b in range(8):
                off = coff + b * 16
                k = plsc.bitcast(keys[pl.ds(off, 16)], jnp.uint32)
                d = ((k >> sh) & jnp.uint32(0x7FF)).astype(jnp.int32)
                cnt, _m = plsc.scan_count(d)
                start = plsc.load_gather(offs, [d])
                pos = start + cnt - 1
                plsc.addupdate_scatter(offs, [d], ones)
                if final:
                    pos = jnp.minimum(pos, jnp.int32(N_OUT - 1))
                    y = _inv_val(k)
                    y = jnp.where(pos == 0, jnp.float32(LO), y)
                    y = jnp.where(pos == jnp.int32(N_OUT - 1),
                                  jnp.float32(HI), y)
                    keys[pl.ds(off, 16)] = y
                idxb[r, pl.ds(b * 16, 16)] = pos
            pltpu.async_copy(keys.at[pl.ds(coff, 128)], dst.at[idxb.at[r]],
                             sem)
            return 0

        lax.fori_loop(0, NCH, sbody, 0)

        def dbody(r, _):
            pltpu.make_async_copy(keys.at[pl.ds(0, 128)],
                                  dst.at[idxb.at[r]], sem).wait()
            return 0

        lax.fori_loop(0, RB, dbody, 0)
        plsc.subcore_barrier()


def kernel(x):
    return _sc_sort(x)

# --- scband reference (transcript-rebuilt; emitter-appended) ---
"""Pipeline reference for scband-binning-8186207666427 (READ-ONLY COPY).

The authoritative reference and input builder live on the scoring server;
editing this copy changes nothing except your own understanding.
"""

import jax, jax.numpy as jnp
import numpy as np

LO = -10.0
HI = 10.0
N = 1000000


def setup_inputs() -> dict:
    # learned parameter: linspace(-4,4,N+1) with endpoints dropped -> shape [N-1]
    x = jnp.linspace(-4.0, 4.0, N + 1, dtype=jnp.float32)[1:-1]
    return {"x": x}


def reference(x):
    s = jnp.sort(x)
    mid = LO + (HI - LO) * jax.nn.sigmoid(s)
    lo_t = jnp.array([LO], dtype=x.dtype)
    hi_t = jnp.array([HI], dtype=x.dtype)
    return jnp.concatenate([lo_t, mid, hi_t])

if __name__ == "__main__":
    import jax
    _d = setup_inputs()
    print(jax.jit(kernel)(*tuple(_d.values())))

</pallas_src>

<mosaic_0001>
#map = affine_map<(d0, d1) -> (0)>
module attributes {stable_mosaic.version = 14 : i64} {
  func.func @_sc_sort(%arg0: i32, %arg1: i32, %arg2: memref<999999xf32, #tpu.memory_space<hbm>>, %arg3: memref<1000001xf32, #tpu.memory_space<hbm>>, %arg4: memref<1001472xf32, #tpu.memory_space<hbm>>, %arg5: memref<1001472xf32, #tpu.memory_space<hbm>>, %arg6: memref<62592xf32, #tpu.memory_space<vmem>>, %arg7: memref<16x128xi32, #tpu.memory_space<vmem>>, %arg8: memref<2048xi32, #tpu.memory_space<vmem>>, %arg9: memref<2048xi32, #tpu.memory_space<vmem>>, %arg10: memref<2048xi32, #tpu.memory_space<vmem>>, %arg11: memref<2048xi32, #tpu.memory_space<vmem>>, %arg12: memref<2048xi32, #tpu.memory_space<vmem>>, %arg13: memref<16x2048xi32, #tpu.memory_space<vmem_shared>>, %arg14: memref<!tpu.dma_semaphore, #tpu.memory_space<semaphore_mem>>) attributes {dimension_semantics = [#tpu.dimension_semantics<core_parallel>, #tpu.dimension_semantics<subcore_parallel>], iteration_bounds = array<i64: 1, 16>, scalar_prefetch = 0 : i64, scratch_operands = 11 : i64, tpu.core_type = #tpu.core_type<sc_vector_subcore>, window_params = [{transform_indices = #map}, {transform_indices = #map}]} {
    %mul3A = arith.constant 62592 : i32
    %mul3A_0 = arith.muli %arg1, %mul3A : i32
    %multiple_of3A = tpu.assume_multiple %mul3A_0, 128 : i32
    %broadcast_in_dim3A = arith.constant 1 : i32
    %broadcast_in_dim3A_1 = vector.broadcast %broadcast_in_dim3A : i32 to vector<16xi32>
    %broadcast_in_dim3A_2 = arith.constant 0 : i32
    %broadcast_in_dim3A_3 = vector.broadcast %broadcast_in_dim3A_2 : i32 to vector<16xi32>
    %lt3A = arith.constant 15 : i32
    %lt3A_4 = arith.cmpi slt, %arg1, %lt3A : i32
    %convert_element_type3A = arith.extui %lt3A_4 : i1 to i32
    %cond3A = arith.constant 0 : i32
    %cond3A_5 = arith.cmpi ne, %convert_element_type3A, %cond3A : i32
    scf.if %cond3A_5 {
      "tpu.region"() ({
        %run_scoped3A = tpu.sem_alloc : memref<!tpu.dma_semaphore, #tpu.memory_space<semaphore_mem>>
        %dma_start3A = tpu.memref_slice %arg2[%multiple_of3A] : memref<999999xf32, #tpu.memory_space<hbm>> -> memref<62592xf32, #tpu.memory_space<hbm>>
        %dma_start3A_166 = tpu.memref_slice %arg2[%multiple_of3A] : memref<999999xf32, #tpu.memory_space<hbm>> -> memref<62592xf32, #tpu.memory_space<hbm>>
        tpu.enqueue_dma source(%dma_start3A_166 : memref<62592xf32, #tpu.memory_space<hbm>>) target(%arg6 : memref<62592xf32, #tpu.memory_space<vmem>>) target_semaphore(%run_scoped3A : memref<!tpu.dma_semaphore, #tpu.memory_space<semaphore_mem>>)
        %dma_wait3A = tpu.memref_slice %arg2[%multiple_of3A] : memref<999999xf32, #tpu.memory_space<hbm>> -> memref<62592xf32, #tpu.memory_space<hbm>>
        %dma_wait3A_167 = tpu.memref_slice %arg2[%multiple_of3A] : memref<999999xf32, #tpu.memory_space<hbm>> -> memref<62592xf32, #tpu.memory_space<hbm>>
        tpu.wait_dma2 semaphore(%run_scoped3A : memref<!tpu.dma_semaphore, #tpu.memory_space<semaphore_mem>>) src(%dma_wait3A_167 : memref<62592xf32, #tpu.memory_space<hbm>>) dst(%arg6 : memref<62592xf32, #tpu.memory_space<vmem>>)
        tpu.yield
      }) : () -> ()
    } else {
    }
    %eq3A = arith.constant 15 : i32
    %eq3A_6 = arith.cmpi eq, %arg1, %eq3A : i32
    %convert_element_type3A_7 = arith.extui %eq3A_6 : i1 to i32
    %cond3A_8 = arith.constant 0 : i32
    %cond3A_9 = arith.cmpi ne, %convert_element_type3A_7, %cond3A_8 : i32
    scf.if %cond3A_9 {
      "tpu.region"() ({
        %run_scoped3A = tpu.sem_alloc : memref<!tpu.dma_semaphore, #tpu.memory_space<semaphore_mem>>
        %dma_start3A = arith.constant 0 : i32
        %dma_start3A_166 = tpu.memref_slice %arg6[%dma_start3A] : memref<62592xf32, #tpu.memory_space<vmem>> -> memref<61119xf32, #tpu.memory_space<vmem>>
        %dma_start3A_167 = tpu.memref_slice %arg2[%multiple_of3A] : memref<999999xf32, #tpu.memory_space<hbm>> -> memref<61119xf32, #tpu.memory_space<hbm>>
        %dma_start3A_168 = arith.constant 0 : i32
        %dma_start3A_169 = tpu.memref_slice %arg6[%dma_start3A_168] : memref<62592xf32, #tpu.memory_space<vmem>> -> memref<61119xf32, #tpu.memory_space<vmem>>
        %dma_start3A_170 = tpu.memref_slice %arg2[%multiple_of3A] : memref<999999xf32, #tpu.memory_space<hbm>> -> memref<61119xf32, #tpu.memory_space<hbm>>
        tpu.enqueue_dma source(%dma_start3A_170 : memref<61119xf32, #tpu.memory_space<hbm>>) target(%dma_start3A_169 : memref<61119xf32, #tpu.memory_space<vmem>>) target_semaphore(%run_scoped3A : memref<!tpu.dma_semaphore, #tpu.memory_space<semaphore_mem>>)
        %dma_wait3A = arith.constant 0 : i32
        %dma_wait3A_171 = tpu.memref_slice %arg6[%dma_wait3A] : memref<62592xf32, #tpu.memory_space<vmem>> -> memref<61119xf32, #tpu.memory_space<vmem>>
        %dma_wait3A_172 = tpu.memref_slice %arg2[%multiple_of3A] : memref<999999xf32, #tpu.memory_space<hbm>> -> memref<61119xf32, #tpu.memory_space<hbm>>
        %dma_wait3A_173 = arith.constant 0 : i32
        %dma_wait3A_174 = tpu.memref_slice %arg6[%dma_wait3A_173] : memref<62592xf32, #tpu.memory_space<vmem>> -> memref<61119xf32, #tpu.memory_space<vmem>>
        %dma_wait3A_175 = tpu.memref_slice %arg2[%multiple_of3A] : memref<999999xf32, #tpu.memory_space<hbm>> -> memref<61119xf32, #tpu.memory_space<hbm>>
        tpu.wait_dma2 semaphore(%run_scoped3A : memref<!tpu.dma_semaphore, #tpu.memory_space<semaphore_mem>>) src(%dma_wait3A_175 : memref<61119xf32, #tpu.memory_space<hbm>>) dst(%dma_wait3A_174 : memref<61119xf32, #tpu.memory_space<vmem>>)
        tpu.yield
      }) : () -> ()
    } else {
    }
    %scan3A = arith.constant 0 : i32
    %scan3A_10 = arith.constant 0 : i32
    %scan3A_11 = arith.constant 128 : i32
    %scan3A_12 = arith.addi %scan3A_10, %scan3A_11 : i32
    %scan3A_13 = arith.constant 1 : i32
    %scan3A_14 = scf.for %scan3A_166 = %scan3A_10 to %scan3A_12 step %scan3A_13 iter_args(%scan3A_167 = %scan3A) -> (i32)  : i32 {
      %mul3A_168 = arith.constant 16 : i32
      %mul3A_169 = arith.muli %scan3A_166, %mul3A_168 : i32
      %swap3A = arith.index_cast %mul3A_169 : i32 to index
      %swap3A_170 = tpu.vector_load %arg9[%swap3A] {strides = array<i32>} : memref<2048xi32, #tpu.memory_space<vmem>>, vector<16xi32>,
      tpu.vector_store %arg9[%swap3A], %broadcast_in_dim3A_3 {strides = array<i32>} : memref<2048xi32, #tpu.memory_space<vmem>>, vector<16xi32>,
      %scan3A_171 = arith.constant 0 : i32
      scf.yield %scan3A_171 : i32
    }
    %scan3A_15 = arith.constant 128 : i32
    %scan3A_16 = arith.constant 0 : i32
    %scan3A_17 = arith.constant 0 : i32
    %scan3A_18 = arith.constant 3912 : i32
    %scan3A_19 = arith.addi %scan3A_17, %scan3A_18 : i32
    %scan3A_20 = arith.constant 1 : i32
    %scan3A_21 = scf.for %scan3A_166 = %scan3A_17 to %scan3A_19 step %scan3A_20 iter_args(%scan3A_167 = %scan3A_16) -> (i32)  : i32 {
      %mul3A_168 = arith.constant 16 : i32
      %mul3A_169 = arith.muli %scan3A_166, %mul3A_168 : i32
      %get3A = arith.index_cast %mul3A_169 : i32 to index
      %get3A_170 = tpu.vector_load %arg6[%get3A] {strides = array<i32>} : memref<62592xf32, #tpu.memory_space<vmem>>, vector<16xf32>,
      %bitcast3A = vector.bitcast %get3A_170 : vector<16xf32> to vector<16xi32>
      %shift_right_logical3A = arith.constant 31 : i32
      %shift_right_logical3A_171 = vector.broadcast %shift_right_logical3A : i32 to vector<16xi32>
      %shift_right_logical3A_172 = arith.shrui %bitcast3A, %shift_right_logical3A_171 : vector<16xi32>
      %gt3A = arith.constant 0 : i32
      %gt3A_173 = vector.broadcast %gt3A : i32 to vector<16xi32>
      %gt3A_174 = arith.cmpi ugt, %shift_right_logical3A_172, %gt3A_173 : vector<16xi32>
      %not3A = arith.constant dense<-1> : vector<16xi32>
      %not3A_175 = arith.xori %bitcast3A, %not3A : vector<16xi32>
      %or3A = arith.constant -2147483648 : i32
      %or3A_176 = vector.broadcast %or3A : i32 to vector<16xi32>
      %or3A_177 = arith.ori %bitcast3A, %or3A_176 : vector<16xi32>
      %select_n3A = arith.select %gt3A_174, %not3A_175, %or3A_177 : vector<16xi1>, vector<16xi32>
      %add3A = arith.addi %multiple_of3A, %mul3A_169 : i32
      %iota3A = tpu.iota {dimensions = array<i32: 0>} : vector<16xi32>
      %add3A_178 = vector.broadcast %add3A : i32 to vector<16xi32>
      %add3A_179 = arith.addi %add3A_178, %iota3A : vector<16xi32>
      %lt3A_180 = arith.constant 999999 : i32
      %lt3A_181 = vector.broadcast %lt3A_180 : i32 to vector<16xi32>
      %lt3A_182 = arith.cmpi slt, %add3A_179, %lt3A_181 : vector<16xi32>
      %eq3A_183 = arith.constant 999999 : i32
      %eq3A_184 = vector.broadcast %eq3A_183 : i32 to vector<16xi32>
      %eq3A_185 = arith.cmpi eq, %add3A_179, %eq3A_184 : vector<16xi32>
      %jit3A = arith.constant 0 : i32
      %jit3A_186 = arith.constant -1 : i32
      %broadcast_in_dim3A_187 = vector.broadcast %jit3A : i32 to vector<16xi32>
      %broadcast_in_dim3A_188 = vector.broadcast %jit3A_186 : i32 to vector<16xi32>
      %select_n3A_189 = arith.select %eq3A_185, %broadcast_in_dim3A_187, %broadcast_in_dim3A_188 : vector<16xi1>, vector<16xi32>
      %select_n3A_190 = arith.select %lt3A_182, %select_n3A, %select_n3A_189 : vector<16xi1>, vector<16xi32>
      %bitcast3A_191 = vector.bitcast %select_n3A_190 : vector<16xi32> to vector<16xf32>
      %swap3A = arith.index_cast %mul3A_169 : i32 to index
      %swap3A_192 = tpu.vector_load %arg6[%swap3A] {strides = array<i32>} : memref<62592xf32, #tpu.memory_space<vmem>>, vector<16xf32>,
      tpu.vector_store %arg6[%swap3A], %bitcast3A_191 {strides = array<i32>} : memref<62592xf32, #tpu.memory_space<vmem>>, vector<16xf32>,
      %and3A = arith.constant 2047 : i32
      %and3A_193 = vector.broadcast %and3A : i32 to vector<16xi32>
      %and3A_194 = arith.andi %select_n3A_190, %and3A_193 : vector<16xi32>
      tpu.vector_store_idx %arg9[%and3A_194], %broadcast_in_dim3A_1 {add = true} : memref<2048xi32, #tpu.memory_space<vmem>>[vector<16xi32>], vector<16xi32>,
      %scan3A_195 = arith.constant 0 : i32
      scf.yield %scan3A_195 : i32
    }
    %scan3A_22 = arith.constant 3912 : i32
    "tpu.region"() ({
      %run_scoped3A = tpu.sem_alloc : memref<!tpu.dma_semaphore, #tpu.memory_space<semaphore_mem>>
      %dma_start3A = arith.constant 0 : i32
      %dma_start3A_166 = tpu.memref_slice %arg13[%arg1, %dma_start3A] : memref<16x2048xi32, #tpu.memory_space<vmem_shared>> -> memref<1x2048xi32, #tpu.memory_space<vmem_shared>>
      %dma_start3A_167 = tpu.memref_squeeze %dma_start3A_166 : memref<1x2048xi32, #tpu.memory_space<vmem_shared>> -> memref<2048xi32, #tpu.memory_space<vmem_shared>>
      %dma_start3A_168 = arith.constant 0 : i32
      %dma_start3A_169 = tpu.memref_slice %arg13[%arg1, %dma_start3A_168] : memref<16x2048xi32, #tpu.memory_space<vmem_shared>> -> memref<1x2048xi32, #tpu.memory_space<vmem_shared>>
      %dma_start3A_170 = tpu.memref_squeeze %dma_start3A_169 : memref<1x2048xi32, #tpu.memory_space<vmem_shared>> -> memref<2048xi32, #tpu.memory_space<vmem_shared>>
      tpu.enqueue_dma source(%arg9 : memref<2048xi32, #tpu.memory_space<vmem>>) target(%dma_start3A_170 : memref<2048xi32, #tpu.memory_space<vmem_shared>>) target_semaphore(%run_scoped3A : memref<!tpu.dma_semaphore, #tpu.memory_space<semaphore_mem>>)
      %dma_wait3A = arith.constant 0 : i32
      %dma_wait3A_171 = tpu.memref_slice %arg13[%arg1, %dma_wait3A] : memref<16x2048xi32, #tpu.memory_space<vmem_shared>> -> memref<1x2048xi32, #tpu.memory_space<vmem_shared>>
      %dma_wait3A_172 = tpu.memref_squeeze %dma_wait3A_171 : memref<1x2048xi32, #tpu.memory_space<vmem_shared>> -> memref<2048xi32, #tpu.memory_space<vmem_shared>>
      %dma_wait3A_173 = arith.constant 0 : i32
      %dma_wait3A_174 = tpu.memref_slice %arg13[%arg1, %dma_wait3A_173] : memref<16x2048xi32, #tpu.memory_space<vmem_shared>> -> memref<1x2048xi32, #tpu.memory_space<vmem_shared>>
      %dma_wait3A_175 = tpu.memref_squeeze %dma_wait3A_174 : memref<1x2048xi32, #tpu.memory_space<vmem_shared>> -> memref<2048xi32, #tpu.memory_space<vmem_shared>>
      tpu.wait_dma2 semaphore(%run_scoped3A : memref<!tpu.dma_semaphore, #tpu.memory_space<semaphore_mem>>) src(%arg9 : memref<2048xi32, #tpu.memory_space<vmem>>) dst(%dma_wait3A_175 : memref<2048xi32, #tpu.memory_space<vmem_shared>>)
      tpu.yield
    }) : () -> ()
    %barrier3A = arith.constant 0 : index
    tpu.barrier barrier_id(%barrier3A)
    %scan3A_23 = arith.constant 0 : i32
    %scan3A_24 = arith.constant 0 : i32
    %scan3A_25 = arith.constant 128 : i32
    %scan3A_26 = arith.addi %scan3A_24, %scan3A_25 : i32
    %scan3A_27 = arith.constant 1 : i32
    %scan3A_28 = scf.for %scan3A_166 = %scan3A_24 to %scan3A_26 step %scan3A_27 iter_args(%scan3A_167 = %scan3A_23) -> (i32)  : i32 {
      %mul3A_168 = arith.constant 16 : i32
      %mul3A_169 = arith.muli %scan3A_166, %mul3A_168 : i32
      %swap3A = arith.index_cast %mul3A_169 : i32 to index
      %swap3A_170 = tpu.vector_load %arg11[%swap3A] {strides = array<i32>} : memref<2048xi32, #tpu.memory_space<vmem>>, vector<16xi32>,
      tpu.vector_store %arg11[%swap3A], %broadcast_in_dim3A_3 {strides = array<i32>} : memref<2048xi32, #tpu.memory_space<vmem>>, vector<16xi32>,
      %swap3A_171 = arith.index_cast %mul3A_169 : i32 to index
      %swap3A_172 = tpu.vector_load %arg12[%swap3A_171] {strides = array<i32>} : memref<2048xi32, #tpu.memory_space<vmem>>, vector<16xi32>,
      tpu.vector_store %arg12[%swap3A_171], %broadcast_in_dim3A_3 {strides = array<i32>} : memref<2048xi32, #tpu.memory_space<vmem>>, vector<16xi32>,
      %scan3A_173 = arith.constant 0 : i32
      scf.yield %scan3A_173 : i32
    }
    %scan3A_29 = arith.constant 128 : i32
    %scan3A_30 = arith.constant 0 : i32
    %scan3A_31 = arith.constant 0 : i32
    %scan3A_32 = arith.constant 16 : i32
    %scan3A_33 = arith.addi %scan3A_31, %scan3A_32 : i32
    %scan3A_34 = arith.constant 1 : i32
    %scan3A_35 = scf.for %scan3A_166 = %scan3A_31 to %scan3A_33 step %scan3A_34 iter_args(%scan3A_167 = %scan3A_30) -> (i32)  : i32 {
      "tpu.region"() ({
        %run_scoped3A = tpu.sem_alloc : memref<!tpu.dma_semaphore, #tpu.memory_space<semaphore_mem>>
        %dma_start3A = arith.constant 0 : i32
        %dma_start3A_178 = tpu.memref_slice %arg13[%scan3A_166, %dma_start3A] : memref<16x2048xi32, #tpu.memory_space<vmem_shared>> -> memref<1x2048xi32, #tpu.memory_space<vmem_shared>>
        %dma_start3A_179 = tpu.memref_squeeze %dma_start3A_178 : memref<1x2048xi32, #tpu.memory_space<vmem_shared>> -> memref<2048xi32, #tpu.memory_space<vmem_shared>>
        %dma_start3A_180 = arith.constant 0 : i32
        %dma_start3A_181 = tpu.memref_slice %arg13[%scan3A_166, %dma_start3A_180] : memref<16x2048xi32, #tpu.memory_space<vmem_shared>> -> memref<1x2048xi32, #tpu.memory_space<vmem_shared>>
        %dma_start3A_182 = tpu.memref_squeeze %dma_start3A_181 : memref<1x2048xi32, #tpu.memory_space<vmem_shared>> -> memref<2048xi32, #tpu.memory_space<vmem_shared>>
        tpu.enqueue_dma source(%dma_start3A_182 : memref<2048xi32, #tpu.memory_space<vmem_shared>>) target(%arg8 : memref<2048xi32, #tpu.memory_space<vmem>>) target_semaphore(%run_scoped3A : memref<!tpu.dma_semaphore, #tpu.memory_space<semaphore_mem>>)
        %dma_wait3A = arith.constant 0 : i32
        %dma_wait3A_183 = tpu.memref_slice %arg13[%scan3A_166, %dma_wait3A] : memref<16x2048xi32, #tpu.memory_space<vmem_shared>> -> memref<1x2048xi32, #tpu.memory_space<vmem_shared>>
        %dma_wait3A_184 = tpu.memref_squeeze %dma_wait3A_183 : memref<1x2048xi32, #tpu.memory_space<vmem_shared>> -> memref<2048xi32, #tpu.memory_space<vmem_shared>>
        %dma_wait3A_185 = arith.constant 0 : i32
        %dma_wait3A_186 = tpu.memref_slice %arg13[%scan3A_166, %dma_wait3A_185] : memref<16x2048xi32, #tpu.memory_space<vmem_shared>> -> memref<1x2048xi32, #tpu.memory_space<vmem_shared>>
        %dma_wait3A_187 = tpu.memref_squeeze %dma_wait3A_186 : memref<1x2048xi32, #tpu.memory_space<vmem_shared>> -> memref<2048xi32, #tpu.memory_space<vmem_shared>>
        tpu.wait_dma2 semaphore(%run_scoped3A : memref<!tpu.dma_semaphore, #tpu.memory_space<semaphore_mem>>) src(%dma_wait3A_187 : memref<2048xi32, #tpu.memory_space<vmem_shared>>) dst(%arg8 : memref<2048xi32, #tpu.memory_space<vmem>>)
        tpu.yield
      }) : () -> ()
      %lt3A_168 = arith.cmpi slt, %scan3A_166, %arg1 : i32
      %convert_element_type3A_169 = arith.extui %lt3A_168 : i1 to i32
      %scan3A_170 = arith.constant 0 : i32
      %scan3A_171 = arith.constant 0 : i32
      %scan3A_172 = arith.constant 128 : i32
      %scan3A_173 = arith.addi %scan3A_171, %scan3A_172 : i32
      %scan3A_174 = arith.constant 1 : i32
      %scan3A_175 = scf.for %scan3A_178 = %scan3A_171 to %scan3A_173 step %scan3A_174 iter_args(%scan3A_179 = %scan3A_170) -> (i32)  : i32 {
        %mul3A_180 = arith.constant 16 : i32
        %mul3A_181 = arith.muli %scan3A_178, %mul3A_180 : i32
        %get3A = arith.index_cast %mul3A_181 : i32 to index
        %get3A_182 = tpu.vector_load %arg8[%get3A] {strides = array<i32>} : memref<2048xi32, #tpu.memory_space<vmem>>, vector<16xi32>,
        %get3A_183 = arith.index_cast %mul3A_181 : i32 to index
        %get3A_184 = tpu.vector_load %arg11[%get3A_183] {strides = array<i32>} : memref<2048xi32, #tpu.memory_space<vmem>>, vector<16xi32>,
        %add3A = arith.addi %get3A_184, %get3A_182 : vector<16xi32>
        %swap3A = arith.index_cast %mul3A_181 : i32 to index
        %swap3A_185 = tpu.vector_load %arg11[%swap3A] {strides = array<i32>} : memref<2048xi32, #tpu.memory_space<vmem>>, vector<16xi32>,
        tpu.vector_store %arg11[%swap3A], %add3A {strides = array<i32>} : memref<2048xi32, #tpu.memory_space<vmem>>, vector<16xi32>,
        %get3A_186 = arith.index_cast %mul3A_181 : i32 to index
        %get3A_187 = tpu.vector_load %arg12[%get3A_186] {strides = array<i32>} : memref<2048xi32, #tpu.memory_space<vmem>>, vector<16xi32>,
        %mul3A_188 = vector.broadcast %convert_element_type3A_169 : i32 to vector<16xi32>
        %mul3A_189 = arith.muli %get3A_182, %mul3A_188 : vector<16xi32>
        %add3A_190 = arith.addi %get3A_187, %mul3A_189 : vector<16xi32>
        %swap3A_191 = arith.index_cast %mul3A_181 : i32 to index
        %swap3A_192 = tpu.vector_load %arg12[%swap3A_191] {strides = array<i32>} : memref<2048xi32, #tpu.memory_space<vmem>>, vector<16xi32>,
        tpu.vector_store %arg12[%swap3A_191], %add3A_190 {strides = array<i32>} : memref<2048xi32, #tpu.memory_space<vmem>>, vector<16xi32>,
        %scan3A_193 = arith.constant 0 : i32
        scf.yield %scan3A_193 : i32
      }
      %scan3A_176 = arith.constant 128 : i32
      %scan3A_177 = arith.constant 0 : i32
      scf.yield %scan3A_177 : i32
    }
    %scan3A_36 = arith.constant 16 : i32
    %scan3A_37 = arith.constant 0 : i32
    %scan3A_38 = arith.constant 0 : i32
    %scan3A_39 = arith.constant 128 : i32
    %scan3A_40 = arith.addi %scan3A_38, %scan3A_39 : i32
    %scan3A_41 = arith.constant 1 : i32
    %scan3A_42 = scf.for %scan3A_166 = %scan3A_38 to %scan3A_40 step %scan3A_41 iter_args(%scan3A_167 = %scan3A_37) -> (i32)  : i32 {
      %mul3A_168 = arith.constant 16 : i32
      %mul3A_169 = arith.muli %scan3A_166, %mul3A_168 : i32
      %get3A = arith.index_cast %mul3A_169 : i32 to index
      %get3A_170 = tpu.vector_load %arg11[%get3A] {strides = array<i32>} : memref<2048xi32, #tpu.memory_space<vmem>>, vector<16xi32>,
      %broadcast_in_dim3A_171 = arith.constant true
      %broadcast_in_dim3A_172 = vector.broadcast %broadcast_in_dim3A_171 : i1 to vector<16xi1>
      %masked_cumsum3A = tpu.scan <sum>, %get3A_170 masked %broadcast_in_dim3A_172 : vector<16xi32>, vector<16xi1> -> vector<16xi32>
      %sub3A = arith.subi %masked_cumsum3A, %get3A_170 : vector<16xi32>
      %add3A = vector.broadcast %scan3A_167 : i32 to vector<16xi32>
      %add3A_173 = arith.addi %sub3A, %add3A : vector<16xi32>
      %get3A_174 = arith.index_cast %mul3A_169 : i32 to index
      %get3A_175 = tpu.vector_load %arg12[%get3A_174] {strides = array<i32>} : memref<2048xi32, #tpu.memory_space<vmem>>, vector<16xi32>,
      %add3A_176 = arith.addi %add3A_173, %get3A_175 : vector<16xi32>
      %swap3A = arith.index_cast %mul3A_169 : i32 to index
      %swap3A_177 = tpu.vector_load %arg10[%swap3A] {strides = array<i32>} : memref<2048xi32, #tpu.memory_space<vmem>>, vector<16xi32>,
      tpu.vector_store %arg10[%swap3A], %add3A_176 {strides = array<i32>} : memref<2048xi32, #tpu.memory_space<vmem>>, vector<16xi32>,
      %reduce_max3A = arith.constant true
      %reduce_max3A_178 = vector.broadcast %reduce_max3A : i1 to vector<16xi1>
      %reduce_max3A_179 = arith.constant -2147483648 : i32
      %reduce_max3A_180 = vector.broadcast %reduce_max3A_179 : i32 to vector<16xi32>
      %reduce_max3A_181 = arith.xori %masked_cumsum3A, %reduce_max3A_180 : vector<16xi32>
      %reduce_max3A_182 = tpu.scan <max>, %reduce_max3A_181 masked %reduce_max3A_178 : vector<16xi32>, vector<16xi1> -> vector<16xi32>
      %reduce_max3A_183 = arith.xori %reduce_max3A_182, %reduce_max3A_180 : vector<16xi32>
      %reduce_max3A_184 = vector.extract %reduce_max3A_183[15] : i32 from vector<16xi32>
      %add3A_185 = arith.addi %scan3A_167, %reduce_max3A_184 : i32
      scf.yield %add3A_185 : i32
    }
    %scan3A_43 = arith.constant 128 : i32
    %scan3A_44 = arith.constant 0 : i32
    %scan3A_45 = arith.constant 0 : i32
    %scan3A_46 = arith.constant 0 : i32
    %scan3A_47 = arith.constant 489 : i32
    %scan3A_48 = arith.addi %scan3A_46, %scan3A_47 : i32
    %scan3A_49 = arith.constant 1 : i32
    %scan3A_50 = scf.for %scan3A_166 = %scan3A_46 to %scan3A_48 step %scan3A_49 iter_args(%scan3A_167 = %scan3A_45) -> (i32)  : i32 {
      %rem3A = arith.constant 16 : i32
      %rem3A_168 = arith.remsi %scan3A_166, %rem3A : i32
      %ge3A = arith.constant 16 : i32
      %ge3A_169 = arith.cmpi sge, %scan3A_166, %ge3A : i32
      %convert_element_type3A_170 = arith.extui %ge3A_169 : i1 to i32
      %cond3A_171 = arith.constant 0 : i32
      %cond3A_172 = arith.cmpi ne, %convert_element_type3A_170, %cond3A_171 : i32
      scf.if %cond3A_172 {
        %dma_wait3A = arith.constant 0 : i32
        %dma_wait3A_348 = tpu.memref_slice %arg6[%dma_wait3A] : memref<62592xf32, #tpu.memory_space<vmem>> -> memref<128xf32, #tpu.memory_space<vmem>>
        %dma_wait3A_349 = arith.constant 0 : i32
        %dma_wait3A_350 = tpu.memref_slice %arg7[%rem3A_168, %dma_wait3A_349] : memref<16x128xi32, #tpu.memory_space<vmem>> -> memref<1x128xi32, #tpu.memory_space<vmem>>
        %dma_wait3A_351 = tpu.memref_squeeze %dma_wait3A_350 : memref<1x128xi32, #tpu.memory_space<vmem>> -> memref<128xi32, #tpu.memory_space<vmem>>
        %dma_wait3A_352 = arith.constant 0 : i32
        %dma_wait3A_353 = tpu.memref_slice %arg4[%dma_wait3A_352] : memref<1001472xf32, #tpu.memory_space<hbm>> -> memref<1001472xf32, #tpu.memory_space<hbm>>
        tpu.wait_indirect_dma semaphore(%arg14 : memref<!tpu.dma_semaphore, #tpu.memory_space<semaphore_mem>>) src(%dma_wait3A_348 : memref<128xf32, #tpu.memory_space<vmem>>) dst(%dma_wait3A_353 : memref<1001472xf32, #tpu.memory_space<hbm>>)
      } else {
      }
      %mul3A_173 = arith.constant 128 : i32
      %mul3A_174 = arith.muli %scan3A_166, %mul3A_173 : i32
      %add3A = arith.constant 0 : i32
      %add3A_175 = arith.addi %mul3A_174, %add3A : i32
      %get3A = arith.index_cast %add3A_175 : i32 to index
      %get3A_176 = tpu.vector_load %arg6[%get3A] {strides = array<i32>} : memref<62592xf32, #tpu.memory_space<vmem>>, vector<16xf32>,
      %bitcast3A = vector.bitcast %get3A_176 : vector<16xf32> to vector<16xi32>
      %shift_right_logical3A = vector.broadcast %scan3A_44 : i32 to vector<16xi32>
      %shift_right_logical3A_177 = arith.shrui %bitcast3A, %shift_right_logical3A : vector<16xi32>
      %and3A = arith.constant 2047 : i32
      %and3A_178 = vector.broadcast %and3A : i32 to vector<16xi32>
      %and3A_179 = arith.andi %shift_right_logical3A_177, %and3A_178 : vector<16xi32>
      %broadcast_in_dim3A_180 = arith.constant true
      %broadcast_in_dim3A_181 = vector.broadcast %broadcast_in_dim3A_180 : i1 to vector<16xi1>
      %unique3A, %unique3A_182 = tpu.scan_count mask(%broadcast_in_dim3A_181 : vector<16xi1>) value(%and3A_179 : vector<16xi32>) : vector<16xi1>, vector<16xi32>
      %gather3A = tpu.vector_load_idx %arg10[%and3A_179] : memref<2048xi32, #tpu.memory_space<vmem>>[vector<16xi32>], vector<16xi32>,
      %add3A_183 = arith.addi %gather3A, %unique3A_182 : vector<16xi32>
      %sub3A = arith.constant 1 : i32
      %sub3A_184 = vector.broadcast %sub3A : i32 to vector<16xi32>
      %sub3A_185 = arith.subi %add3A_183, %sub3A_184 : vector<16xi32>
      tpu.vector_store_idx %arg10[%and3A_179], %broadcast_in_dim3A_1 {add = true} : memref<2048xi32, #tpu.memory_space<vmem>>[vector<16xi32>], vector<16xi32>,
      %swap3A = arith.index_cast %rem3A_168 : i32 to index
      %swap3A_186 = arith.constant 0 : index
      %swap3A_187 = tpu.vector_load %arg7[%swap3A, %swap3A_186] {strides = array<i32>} : memref<16x128xi32, #tpu.memory_space<vmem>>, vector<16xi32>,
      tpu.vector_store %arg7[%swap3A, %swap3A_186], %sub3A_185 {strides = array<i32>} : memref<16x128xi32, #tpu.memory_space<vmem>>, vector<16xi32>,
      %add3A_188 = arith.constant 16 : i32
      %add3A_189 = arith.addi %mul3A_174, %add3A_188 : i32
      %get3A_190 = arith.index_cast %add3A_189 : i32 to index
      %get3A_191 = tpu.vector_load %arg6[%get3A_190] {strides = array<i32>} : memref<62592xf32, #tpu.memory_space<vmem>>, vector<16xf32>,
      %bitcast3A_192 = vector.bitcast %get3A_191 : vector<16xf32> to vector<16xi32>
      %shift_right_logical3A_193 = vector.broadcast %scan3A_44 : i32 to vector<16xi32>
      %shift_right_logical3A_194 = arith.shrui %bitcast3A_192, %shift_right_logical3A_193 : vector<16xi32>
      %and3A_195 = arith.constant 2047 : i32
      %and3A_196 = vector.broadcast %and3A_195 : i32 to vector<16xi32>
      %and3A_197 = arith.andi %shift_right_logical3A_194, %and3A_196 : vector<16xi32>
      %broadcast_in_dim3A_198 = arith.constant true
      %broadcast_in_dim3A_199 = vector.broadcast %broadcast_in_dim3A_198 : i1 to vector<16xi1>
      %unique3A_200, %unique3A_201 = tpu.scan_count mask(%broadcast_in_dim3A_199 : vector<16xi1>) value(%and3A_197 : vector<16xi32>) : vector<16xi1>, vector<16xi32>
      %gather3A_202 = tpu.vector_load_idx %arg10[%and3A_197] : memref<2048xi32, #tpu.memory_space<vmem>>[vector<16xi32>], vector<16xi32>,
      %add3A_203 = arith.addi %gather3A_202, %unique3A_201 : vector<16xi32>
      %sub3A_204 = arith.constant 1 : i32
      %sub3A_205 = vector.broadcast %sub3A_204 : i32 to vector<16xi32>
      %sub3A_206 = arith.subi %add3A_203, %sub3A_205 : vector<16xi32>
      tpu.vector_store_idx %arg10[%and3A_197], %broadcast_in_dim3A_1 {add = true} : memref<2048xi32, #tpu.memory_space<vmem>>[vector<16xi32>], vector<16xi32>,
      %swap3A_207 = arith.index_cast %rem3A_168 : i32 to index
      %swap3A_208 = arith.constant 16 : index
      %swap3A_209 = tpu.vector_load %arg7[%swap3A_207, %swap3A_208] {strides = array<i32>} : memref<16x128xi32, #tpu.memory_space<vmem>>, vector<16xi32>,
      tpu.vector_store %arg7[%swap3A_207, %swap3A_208], %sub3A_206 {strides = array<i32>} : memref<16x128xi32, #tpu.memory_space<vmem>>, vector<16xi32>,
      %add3A_210 = arith.constant 32 : i32
      %add3A_211 = arith.addi %mul3A_174, %add3A_210 : i32
      %get3A_212 = arith.index_cast %add3A_211 : i32 to index
      %get3A_213 = tpu.vector_load %arg6[%get3A_212] {strides = array<i32>} : memref<62592xf32, #tpu.memory_space<vmem>>, vector<16xf32>,
      %bitcast3A_214 = vector.bitcast %get3A_213 : vector<16xf32> to vector<16xi32>
      %shift_right_logical3A_215 = vector.broadcast %scan3A_44 : i32 to vector<16xi32>
      %shift_right_logical3A_216 = arith.shrui %bitcast3A_214, %shift_right_logical3A_215 : vector<16xi32>
      %and3A_217 = arith.constant 2047 : i32
      %and3A_218 = vector.broadcast %and3A_217 : i32 to vector<16xi32>
      %and3A_219 = arith.andi %shift_right_logical3A_216, %and3A_218 : vector<16xi32>
      %broadcast_in_dim3A_220 = arith.constant true
      %broadcast_in_dim3A_221 = vector.broadcast %broadcast_in_dim3A_220 : i1 to vector<16xi1>
      %unique3A_222, %unique3A_223 = tpu.scan_count mask(%broadcast_in_dim3A_221 : vector<16xi1>) value(%and3A_219 : vector<16xi32>) : vector<16xi1>, vector<16xi32>
      %gather3A_224 = tpu.vector_load_idx %arg10[%and3A_219] : memref<2048xi32, #tpu.memory_space<vmem>>[vector<16xi32>], vector<16xi32>,
      %add3A_225 = arith.addi %gather3A_224, %unique3A_223 : vector<16xi32>
      %sub3A_226 = arith.constant 1 : i32
      %sub3A_227 = vector.broadcast %sub3A_226 : i32 to vector<16xi32>
      %sub3A_228 = arith.subi %add3A_225, %sub3A_227 : vector<16xi32>
      tpu.vector_store_idx %arg10[%and3A_219], %broadcast_in_dim3A_1 {add = true} : memref<2048xi32, #tpu.memory_space<vmem>>[vector<16xi32>], vector<16xi32>,
      %swap3A_229 = arith.index_cast %rem3A_168 : i32 to index
      %swap3A_230 = arith.constant 32 : index
      %swap3A_231 = tpu.vector_load %arg7[%swap3A_229, %swap3A_230] {strides = array<i32>} : memref<16x128xi32, #tpu.memory_space<vmem>>, vector<16xi32>,
      tpu.vector_store %arg7[%swap3A_229, %swap3A_230], %sub3A_228 {strides = array<i32>} : memref<16x128xi32, #tpu.memory_space<vmem>>, vector<16xi32>,
      %add3A_232 = arith.constant 48 : i32
      %add3A_233 = arith.addi %mul3A_174, %add3A_232 : i32
      %get3A_234 = arith.index_cast %add3A_233 : i32 to index
      %get3A_235 = tpu.vector_load %arg6[%get3A_234] {strides = array<i32>} : memref<62592xf32, #tpu.memory_space<vmem>>, vector<16xf32>,
      %bitcast3A_236 = vector.bitcast %get3A_235 : vector<16xf32> to vector<16xi32>
      %shift_right_logical3A_237 = vector.broadcast %scan3A_44 : i32 to vector<16xi32>
      %shift_right_logical3A_238 = arith.shrui %bitcast3A_236, %shift_right_logical3A_237 : vector<16xi32>
      %and3A_239 = arith.constant 2047 : i32
      %and3A_240 = vector.broadcast %and3A_239 : i32 to vector<16xi32>
      %and3A_241 = arith.andi %shift_right_logical3A_238, %and3A_240 : vector<16xi32>
      %broadcast_in_dim3A_242 = arith.constant true
      %broadcast_in_dim3A_243 = vector.broadcast %broadcast_in_dim3A_242 : i1 to vector<16xi1>
      %unique3A_244, %unique3A_245 = tpu.scan_count mask(%broadcast_in_dim3A_243 : vector<16xi1>) value(%and3A_241 : vector<16xi32>) : vector<16xi1>, vector<16xi32>
      %gather3A_246 = tpu.vector_load_idx %arg10[%and3A_241] : memref<2048xi32, #tpu.memory_space<vmem>>[vector<16xi32>], vector<16xi32>,
      %add3A_247 = arith.addi %gather3A_246, %unique3A_245 : vector<16xi32>
      %sub3A_248 = arith.constant 1 : i32
      %sub3A_249 = vector.broadcast %sub3A_248 : i32 to vector<16xi32>
      %sub3A_250 = arith.subi %add3A_247, %sub3A_249 : vector<16xi32>
      tpu.vector_store_idx %arg10[%and3A_241], %broadcast_in_dim3A_1 {add = true} : memref<2048xi32, #tpu.memory_space<vmem>>[vector<16xi32>], vector<16xi32>,
      %swap3A_251 = arith.index_cast %rem3A_168 : i32 to index
      %swap3A_252 = arith.constant 48 : index
      %swap3A_253 = tpu.vector_load %arg7[%swap3A_251, %swap3A_252] {strides = array<i32>} : memref<16x128xi32, #tpu.memory_space<vmem>>, vector<16xi32>,
      tpu.vector_store %arg7[%swap3A_251, %swap3A_252], %sub3A_250 {strides = array<i32>} : memref<16x128xi32, #tpu.memory_space<vmem>>, vector<16xi32>,
      %add3A_254 = arith.constant 64 : i32
      %add3A_255 = arith.addi %mul3A_174, %add3A_254 : i32
      %get3A_256 = arith.index_cast %add3A_255 : i32 to index
      %get3A_257 = tpu.vector_load %arg6[%get3A_256] {strides = array<i32>} : memref<62592xf32, #tpu.memory_space<vmem>>, vector<16xf32>,
      %bitcast3A_258 = vector.bitcast %get3A_257 : vector<16xf32> to vector<16xi32>
      %shift_right_logical3A_259 = vector.broadcast %scan3A_44 : i32 to vector<16xi32>
      %shift_right_logical3A_260 = arith.shrui %bitcast3A_258, %shift_right_logical3A_259 : vector<16xi32>
      %and3A_261 = arith.constant 2047 : i32
      %and3A_262 = vector.broadcast %and3A_261 : i32 to vector<16xi32>
      %and3A_263 = arith.andi %shift_right_logical3A_260, %and3A_262 : vector<16xi32>
      %broadcast_in_dim3A_264 = arith.constant true
      %broadcast_in_dim3A_265 = vector.broadcast %broadcast_in_dim3A_264 : i1 to vector<16xi1>
      %unique3A_266, %unique3A_267 = tpu.scan_count mask(%broadcast_in_dim3A_265 : vector<16xi1>) value(%and3A_263 : vector<16xi32>) : vector<16xi1>, vector<16xi32>
      %gather3A_268 = tpu.vector_load_idx %arg10[%and3A_263] : memref<2048xi32, #tpu.memory_space<vmem>>[vector<16xi32>], vector<16xi32>,
      %add3A_269 = arith.addi %gather3A_268, %unique3A_267 : vector<16xi32>
      %sub3A_270 = arith.constant 1 : i32
      %sub3A_271 = vector.broadcast %sub3A_270 : i32 to vector<16xi32>
      %sub3A_272 = arith.subi %add3A_269, %sub3A_271 : vector<16xi32>
      tpu.vector_store_idx %arg10[%and3A_263], %broadcast_in_dim3A_1 {add = true} : memref<2048xi32, #tpu.memory_space<vmem>>[vector<16xi32>], vector<16xi32>,
      %swap3A_273 = arith.index_cast %rem3A_168 : i32 to index
      %swap3A_274 = arith.constant 64 : index
      %swap3A_275 = tpu.vector_load %arg7[%swap3A_273, %swap3A_274] {strides = array<i32>} : memref<16x128xi32, #tpu.memory_space<vmem>>, vector<16xi32>,
      tpu.vector_store %arg7[%swap3A_273, %swap3A_274], %sub3A_272 {strides = array<i32>} : memref<16x128xi32, #tpu.memory_space<vmem>>, vector<16xi32>,
      %add3A_276 = arith.constant 80 : i32
      %add3A_277 = arith.addi %mul3A_174, %add3A_276 : i32
      %get3A_278 = arith.index_cast %add3A_277 : i32 to index
      %get3A_279 = tpu.vector_load %arg6[%get3A_278] {strides = array<i32>} : memref<62592xf32, #tpu.memory_space<vmem>>, vector<16xf32>,
      %bitcast3A_280 = vector.bitcast %get3A_279 : vector<16xf32> to vector<16xi32>
      %shift_right_logical3A_281 = vector.broadcast %scan3A_44 : i32 to vector<16xi32>
      %shift_right_logical3A_282 = arith.shrui %bitcast3A_280, %shift_right_logical3A_281 : vector<16xi32>
      %and3A_283 = arith.constant 2047 : i32
      %and3A_284 = vector.broadcast %and3A_283 : i32 to vector<16xi32>
      %and3A_285 = arith.andi %shift_right_logical3A_282, %and3A_284 : vector<16xi32>
      %broadcast_in_dim3A_286 = arith.constant true
      %broadcast_in_dim3A_287 = vector.broadcast %broadcast_in_dim3A_286 : i1 to vector<16xi1>
      %unique3A_288, %unique3A_289 = tpu.scan_count mask(%broadcast_in_dim3A_287 : vector<16xi1>) value(%and3A_285 : vector<16xi32>) : vector<16xi1>, vector<16xi32>
      %gather3A_290 = tpu.vector_load_idx %arg10[%and3A_285] : memref<2048xi32, #tpu.memory_space<vmem>>[vector<16xi32>], vector<16xi32>,
      %add3A_291 = arith.addi %gather3A_290, %unique3A_289 : vector<16xi32>
      %sub3A_292 = arith.constant 1 : i32
      %sub3A_293 = vector.broadcast %sub3A_292 : i32 to vector<16xi32>
      %sub3A_294 = arith.subi %add3A_291, %sub3A_293 : vector<16xi32>
      tpu.vector_store_idx %arg10[%and3A_285], %broadcast_in_dim3A_1 {add = true} : memref<2048xi32, #tpu.memory_space<vmem>>[vector<16xi32>], vector<16xi32>,
      %swap3A_295 = arith.index_cast %rem3A_168 : i32 to index
      %swap3A_296 = arith.constant 80 : index
      %swap3A_297 = tpu.vector_load %arg7[%swap3A_295, %swap3A_296] {strides = array<i32>} : memref<16x128xi32, #tpu.memory_space<vmem>>, vector<16xi32>,
      tpu.vector_store %arg7[%swap3A_295, %swap3A_296], %sub3A_294 {strides = array<i32>} : memref<16x128xi32, #tpu.memory_space<vmem>>, vector<16xi32>,
      %add3A_298 = arith.constant 96 : i32
      %add3A_299 = arith.addi %mul3A_174, %add3A_298 : i32
      %get3A_300 = arith.index_cast %add3A_299 : i32 to index
      %get3A_301 = tpu.vector_load %arg6[%get3A_300] {strides = array<i32>} : memref<62592xf32, #tpu.memory_space<vmem>>, vector<16xf32>,
      %bitcast3A_302 = vector.bitcast %get3A_301 : vector<16xf32> to vector<16xi32>
      %shift_right_logical3A_303 = vector.broadcast %scan3A_44 : i32 to vector<16xi32>
      %shift_right_logical3A_304 = arith.shrui %bitcast3A_302, %shift_right_logical3A_303 : vector<16xi32>
      %and3A_305 = arith.constant 2047 : i32
      %and3A_306 = vector.broadcast %and3A_305 : i32 to vector<16xi32>
      %and3A_307 = arith.andi %shift_right_logical3A_304, %and3A_306 : vector<16xi32>
      %broadcast_in_dim3A_308 = arith.constant true
      %broadcast_in_dim3A_309 = vector.broadcast %broadcast_in_dim3A_308 : i1 to vector<16xi1>
      %unique3A_310, %unique3A_311 = tpu.scan_count mask(%broadcast_in_dim3A_309 : vector<16xi1>) value(%and3A_307 : vector<16xi32>) : vector<16xi1>, vector<16xi32>
      %gather3A_312 = tpu.vector_load_idx %arg10[%and3A_307] : memref<2048xi32, #tpu.memory_space<vmem>>[vector<16xi32>], vector<16xi32>,
      %add3A_313 = arith.addi %gather3A_312, %unique3A_311 : vector<16xi32>
      %sub3A_314 = arith.constant 1 : i32
      %sub3A_315 = vector.broadcast %sub3A_314 : i32 to vector<16xi32>
      %sub3A_316 = arith.subi %add3A_313, %sub3A_315 : vector<16xi32>
      tpu.vector_store_idx %arg10[%and3A_307], %broadcast_in_dim3A_1 {add = true} : memref<2048xi32, #tpu.memory_space<vmem>>[vector<16xi32>], vector<16xi32>,
      %swap3A_317 = arith.index_cast %rem3A_168 : i32 to index
      %swap3A_318 = arith.constant 96 : index
      %swap3A_319 = tpu.vector_load %arg7[%swap3A_317, %swap3A_318] {strides = array<i32>} : memref<16x128xi32, #tpu.memory_space<vmem>>, vector<16xi32>,
      tpu.vector_store %arg7[%swap3A_317, %swap3A_318], %sub3A_316 {strides = array<i32>} : memref<16x128xi32, #tpu.memory_space<vmem>>, vector<16xi32>,
      %add3A_320 = arith.constant 112 : i32
      %add3A_321 = arith.addi %mul3A_174, %add3A_320 : i32
      %get3A_322 = arith.index_cast %add3A_321 : i32 to index
      %get3A_323 = tpu.vector_load %arg6[%get3A_322] {strides = array<i32>} : memref<62592xf32, #tpu.memory_space<vmem>>, vector<16xf32>,
      %bitcast3A_324 = vector.bitcast %get3A_323 : vector<16xf32> to vector<16xi32>
      %shift_right_logical3A_325 = vector.broadcast %scan3A_44 : i32 to vector<16xi32>
      %shift_right_logical3A_326 = arith.shrui %bitcast3A_324, %shift_right_logical3A_325 : vector<16xi32>
      %and3A_327 = arith.constant 2047 : i32
      %and3A_328 = vector.broadcast %and3A_327 : i32 to vector<16xi32>
      %and3A_329 = arith.andi %shift_right_logical3A_326, %and3A_328 : vector<16xi32>
      %broadcast_in_dim3A_330 = arith.constant true
      %broadcast_in_dim3A_331 = vector.broadcast %broadcast_in_dim3A_330 : i1 to vector<16xi1>
      %unique3A_332, %unique3A_333 = tpu.scan_count mask(%broadcast_in_dim3A_331 : vector<16xi1>) value(%and3A_329 : vector<16xi32>) : vector<16xi1>, vector<16xi32>
      %gather3A_334 = tpu.vector_load_idx %arg10[%and3A_329] : memref<2048xi32, #tpu.memory_space<vmem>>[vector<16xi32>], vector<16xi32>,
      %add3A_335 = arith.addi %gather3A_334, %unique3A_333 : vector<16xi32>
      %sub3A_336 = arith.constant 1 : i32
      %sub3A_337 = vector.broadcast %sub3A_336 : i32 to vector<16xi32>
      %sub3A_338 = arith.subi %add3A_335, %sub3A_337 : vector<16xi32>
      tpu.vector_store_idx %arg10[%and3A_329], %broadcast_in_dim3A_1 {add = true} : memref<2048xi32, #tpu.memory_space<vmem>>[vector<16xi32>], vector<16xi32>,
      %swap3A_339 = arith.index_cast %rem3A_168 : i32 to index
      %swap3A_340 = arith.constant 112 : index
      %swap3A_341 = tpu.vector_load %arg7[%swap3A_339, %swap3A_340] {strides = array<i32>} : memref<16x128xi32, #tpu.memory_space<vmem>>, vector<16xi32>,
      tpu.vector_store %arg7[%swap3A_339, %swap3A_340], %sub3A_338 {strides = array<i32>} : memref<16x128xi32, #tpu.memory_space<vmem>>, vector<16xi32>,
      %dma_start3A = tpu.memref_slice %arg6[%mul3A_174] : memref<62592xf32, #tpu.memory_space<vmem>> -> memref<128xf32, #tpu.memory_space<vmem>>
      %dma_start3A_342 = arith.constant 0 : i32
      %dma_start3A_343 = tpu.memref_slice %arg7[%rem3A_168, %dma_start3A_342] : memref<16x128xi32, #tpu.memory_space<vmem>> -> memref<1x128xi32, #tpu.memory_space<vmem>>
      %dma_start3A_344 = tpu.memref_squeeze %dma_start3A_343 : memref<1x128xi32, #tpu.memory_space<vmem>> -> memref<128xi32, #tpu.memory_space<vmem>>
      %dma_start3A_345 = arith.constant 0 : i32
      %dma_start3A_346 = tpu.memref_slice %arg4[%dma_start3A_345] : memref<1001472xf32, #tpu.memory_space<hbm>> -> memref<1001472xf32, #tpu.memory_space<hbm>>
      tpu.enqueue_indirect_dma source(%dma_start3A : memref<128xf32, #tpu.memory_space<vmem>>) target(%dma_start3A_346 : memref<1001472xf32, #tpu.memory_space<hbm>>) offsets(%dma_start3A_344 : memref<128xi32, #tpu.memory_space<vmem>>) semaphore(%arg14 : memref<!tpu.dma_semaphore, #tpu.memory_space<semaphore_mem>>)
      %scan3A_347 = arith.constant 0 : i32
      scf.yield %scan3A_347 : i32
    }
    %scan3A_51 = arith.constant 489 : i32
    %scan3A_52 = arith.constant 0 : i32
    %scan3A_53 = arith.constant 0 : i32
    %scan3A_54 = arith.constant 16 : i32
    %scan3A_55 = arith.addi %scan3A_53, %scan3A_54 : i32
    %scan3A_56 = arith.constant 1 : i32
    %scan3A_57 = scf.for %scan3A_166 = %scan3A_53 to %scan3A_55 step %scan3A_56 iter_args(%scan3A_167 = %scan3A_52) -> (i32)  : i32 {
      %dma_wait3A = arith.constant 0 : i32
      %dma_wait3A_168 = tpu.memref_slice %arg6[%dma_wait3A] : memref<62592xf32, #tpu.memory_space<vmem>> -> memref<128xf32, #tpu.memory_space<vmem>>
      %dma_wait3A_169 = arith.constant 0 : i32
      %dma_wait3A_170 = tpu.memref_slice %arg7[%scan3A_166, %dma_wait3A_169] : memref<16x128xi32, #tpu.memory_space<vmem>> -> memref<1x128xi32, #tpu.memory_space<vmem>>
      %dma_wait3A_171 = tpu.memref_squeeze %dma_wait3A_170 : memref<1x128xi32, #tpu.memory_space<vmem>> -> memref<128xi32, #tpu.memory_space<vmem>>
      %dma_wait3A_172 = arith.constant 0 : i32
      %dma_wait3A_173 = tpu.memref_slice %arg4[%dma_wait3A_172] : memref<1001472xf32, #tpu.memory_space<hbm>> -> memref<1001472xf32, #tpu.memory_space<hbm>>
      tpu.wait_indirect_dma semaphore(%arg14 : memref<!tpu.dma_semaphore, #tpu.memory_space<semaphore_mem>>) src(%dma_wait3A_168 : memref<128xf32, #tpu.memory_space<vmem>>) dst(%dma_wait3A_173 : memref<1001472xf32, #tpu.memory_space<hbm>>)
      %scan3A_174 = arith.constant 0 : i32
      scf.yield %scan3A_174 : i32
    }
    %scan3A_58 = arith.constant 16 : i32
    %barrier3A_59 = arith.constant 0 : index
    tpu.barrier barrier_id(%barrier3A_59)
    "tpu.region"() ({
      %run_scoped3A = tpu.sem_alloc : memref<!tpu.dma_semaphore, #tpu.memory_space<semaphore_mem>>
      %dma_start3A = tpu.memref_slice %arg4[%multiple_of3A] : memref<1001472xf32, #tpu.memory_space<hbm>> -> memref<62592xf32, #tpu.memory_space<hbm>>
      %dma_start3A_166 = tpu.memref_slice %arg4[%multiple_of3A] : memref<1001472xf32, #tpu.memory_space<hbm>> -> memref<62592xf32, #tpu.memory_space<hbm>>
      tpu.enqueue_dma source(%dma_start3A_166 : memref<62592xf32, #tpu.memory_space<hbm>>) target(%arg6 : memref<62592xf32, #tpu.memory_space<vmem>>) target_semaphore(%run_scoped3A : memref<!tpu.dma_semaphore, #tpu.memory_space<semaphore_mem>>)
      %dma_wait3A = tpu.memref_slice %arg4[%multiple_of3A] : memref<1001472xf32, #tpu.memory_space<hbm>> -> memref<62592xf32, #tpu.memory_space<hbm>>
      %dma_wait3A_167 = tpu.memref_slice %arg4[%multiple_of3A] : memref<1001472xf32, #tpu.memory_space<hbm>> -> memref<62592xf32, #tpu.memory_space<hbm>>
      tpu.wait_dma2 semaphore(%run_scoped3A : memref<!tpu.dma_semaphore, #tpu.memory_space<semaphore_mem>>) src(%dma_wait3A_167 : memref<62592xf32, #tpu.memory_space<hbm>>) dst(%arg6 : memref<62592xf32, #tpu.memory_space<vmem>>)
      tpu.yield
    }) : () -> ()
    %scan3A_60 = arith.constant 0 : i32
    %scan3A_61 = arith.constant 0 : i32
    %scan3A_62 = arith.constant 128 : i32
    %scan3A_63 = arith.addi %scan3A_61, %scan3A_62 : i32
    %scan3A_64 = arith.constant 1 : i32
    %scan3A_65 = scf.for %scan3A_166 = %scan3A_61 to %scan3A_63 step %scan3A_64 iter_args(%scan3A_167 = %scan3A_60) -> (i32)  : i32 {
      %mul3A_168 = arith.constant 16 : i32
      %mul3A_169 = arith.muli %scan3A_166, %mul3A_168 : i32
      %swap3A = arith.index_cast %mul3A_169 : i32 to index
      %swap3A_170 = tpu.vector_load %arg9[%swap3A] {strides = array<i32>} : memref<2048xi32, #tpu.memory_space<vmem>>, vector<16xi32>,
      tpu.vector_store %arg9[%swap3A], %broadcast_in_dim3A_3 {strides = array<i32>} : memref<2048xi32, #tpu.memory_space<vmem>>, vector<16xi32>,
      %scan3A_171 = arith.constant 0 : i32
      scf.yield %scan3A_171 : i32
    }
    %scan3A_66 = arith.constant 128 : i32
    %scan3A_67 = arith.constant 11 : i32
    %scan3A_68 = arith.constant 0 : i32
    %scan3A_69 = arith.constant 0 : i32
    %scan3A_70 = arith.constant 3912 : i32
    %scan3A_71 = arith.addi %scan3A_69, %scan3A_70 : i32
    %scan3A_72 = arith.constant 1 : i32
    %scan3A_73 = scf.for %scan3A_166 = %scan3A_69 to %scan3A_71 step %scan3A_72 iter_args(%scan3A_167 = %scan3A_68) -> (i32)  : i32 {
      %mul3A_168 = arith.constant 16 : i32
      %mul3A_169 = arith.muli %scan3A_166, %mul3A_168 : i32
      %get3A = arith.index_cast %mul3A_169 : i32 to index
      %get3A_170 = tpu.vector_load %arg6[%get3A] {strides = array<i32>} : memref<62592xf32, #tpu.memory_space<vmem>>, vector<16xf32>,
      %bitcast3A = vector.bitcast %get3A_170 : vector<16xf32> to vector<16xi32>
      %shift_right_logical3A = vector.broadcast %scan3A_67 : i32 to vector<16xi32>
      %shift_right_logical3A_171 = arith.shrui %bitcast3A, %shift_right_logical3A : vector<16xi32>
      %and3A = arith.constant 2047 : i32
      %and3A_172 = vector.broadcast %and3A : i32 to vector<16xi32>
      %and3A_173 = arith.andi %shift_right_logical3A_171, %and3A_172 : vector<16xi32>
      tpu.vector_store_idx %arg9[%and3A_173], %broadcast_in_dim3A_1 {add = true} : memref<2048xi32, #tpu.memory_space<vmem>>[vector<16xi32>], vector<16xi32>,
      %scan3A_174 = arith.constant 0 : i32
      scf.yield %scan3A_174 : i32
    }
    %scan3A_74 = arith.constant 3912 : i32
    "tpu.region"() ({
      %run_scoped3A = tpu.sem_alloc : memref<!tpu.dma_semaphore, #tpu.memory_space<semaphore_mem>>
      %dma_start3A = arith.constant 0 : i32
      %dma_start3A_166 = tpu.memref_slice %arg13[%arg1, %dma_start3A] : memref<16x2048xi32, #tpu.memory_space<vmem_shared>> -> memref<1x2048xi32, #tpu.memory_space<vmem_shared>>
      %dma_start3A_167 = tpu.memref_squeeze %dma_start3A_166 : memref<1x2048xi32, #tpu.memory_space<vmem_shared>> -> memref<2048xi32, #tpu.memory_space<vmem_shared>>
      %dma_start3A_168 = arith.constant 0 : i32
      %dma_start3A_169 = tpu.memref_slice %arg13[%arg1, %dma_start3A_168] : memref<16x2048xi32, #tpu.memory_space<vmem_shared>> -> memref<1x2048xi32, #tpu.memory_space<vmem_shared>>
      %dma_start3A_170 = tpu.memref_squeeze %dma_start3A_169 : memref<1x2048xi32, #tpu.memory_space<vmem_shared>> -> memref<2048xi32, #tpu.memory_space<vmem_shared>>
      tpu.enqueue_dma source(%arg9 : memref<2048xi32, #tpu.memory_space<vmem>>) target(%dma_start3A_170 : memref<2048xi32, #tpu.memory_space<vmem_shared>>) target_semaphore(%run_scoped3A : memref<!tpu.dma_semaphore, #tpu.memory_space<semaphore_mem>>)
      %dma_wait3A = arith.constant 0 : i32
      %dma_wait3A_171 = tpu.memref_slice %arg13[%arg1, %dma_wait3A] : memref<16x2048xi32, #tpu.memory_space<vmem_shared>> -> memref<1x2048xi32, #tpu.memory_space<vmem_shared>>
      %dma_wait3A_172 = tpu.memref_squeeze %dma_wait3A_171 : memref<1x2048xi32, #tpu.memory_space<vmem_shared>> -> memref<2048xi32, #tpu.memory_space<vmem_shared>>
      %dma_wait3A_173 = arith.constant 0 : i32
      %dma_wait3A_174 = tpu.memref_slice %arg13[%arg1, %dma_wait3A_173] : memref<16x2048xi32, #tpu.memory_space<vmem_shared>> -> memref<1x2048xi32, #tpu.memory_space<vmem_shared>>
      %dma_wait3A_175 = tpu.memref_squeeze %dma_wait3A_174 : memref<1x2048xi32, #tpu.memory_space<vmem_shared>> -> memref<2048xi32, #tpu.memory_space<vmem_shared>>
      tpu.wait_dma2 semaphore(%run_scoped3A : memref<!tpu.dma_semaphore, #tpu.memory_space<semaphore_mem>>) src(%arg9 : memref<2048xi32, #tpu.memory_space<vmem>>) dst(%dma_wait3A_175 : memref<2048xi32, #tpu.memory_space<vmem_shared>>)
      tpu.yield
    }) : () -> ()
    %barrier3A_75 = arith.constant 0 : index
    tpu.barrier barrier_id(%barrier3A_75)
    %scan3A_76 = arith.constant 0 : i32
    %scan3A_77 = arith.constant 0 : i32
    %scan3A_78 = arith.constant 128 : i32
    %scan3A_79 = arith.addi %scan3A_77, %scan3A_78 : i32
    %scan3A_80 = arith.constant 1 : i32
    %scan3A_81 = scf.for %scan3A_166 = %scan3A_77 to %scan3A_79 step %scan3A_80 iter_args(%scan3A_167 = %scan3A_76) -> (i32)  : i32 {
      %mul3A_168 = arith.constant 16 : i32
      %mul3A_169 = arith.muli %scan3A_166, %mul3A_168 : i32
      %swap3A = arith.index_cast %mul3A_169 : i32 to index
      %swap3A_170 = tpu.vector_load %arg11[%swap3A] {strides = array<i32>} : memref<2048xi32, #tpu.memory_space<vmem>>, vector<16xi32>,
      tpu.vector_store %arg11[%swap3A], %broadcast_in_dim3A_3 {strides = array<i32>} : memref<2048xi32, #tpu.memory_space<vmem>>, vector<16xi32>,
      %swap3A_171 = arith.index_cast %mul3A_169 : i32 to index
      %swap3A_172 = tpu.vector_load %arg12[%swap3A_171] {strides = array<i32>} : memref<2048xi32, #tpu.memory_space<vmem>>, vector<16xi32>,
      tpu.vector_store %arg12[%swap3A_171], %broadcast_in_dim3A_3 {strides = array<i32>} : memref<2048xi32, #tpu.memory_space<vmem>>, vector<16xi32>,
      %scan3A_173 = arith.constant 0 : i32
      scf.yield %scan3A_173 : i32
    }
    %scan3A_82 = arith.constant 128 : i32
    %scan3A_83 = arith.constant 0 : i32
    %scan3A_84 = arith.constant 0 : i32
    %scan3A_85 = arith.constant 16 : i32
    %scan3A_86 = arith.addi %scan3A_84, %scan3A_85 : i32
    %scan3A_87 = arith.constant 1 : i32
    %scan3A_88 = scf.for %scan3A_166 = %scan3A_84 to %scan3A_86 step %scan3A_87 iter_args(%scan3A_167 = %scan3A_83) -> (i32)  : i32 {
      "tpu.region"() ({
        %run_scoped3A = tpu.sem_alloc : memref<!tpu.dma_semaphore, #tpu.memory_space<semaphore_mem>>
        %dma_start3A = arith.constant 0 : i32
        %dma_start3A_178 = tpu.memref_slice %arg13[%scan3A_166, %dma_start3A] : memref<16x2048xi32, #tpu.memory_space<vmem_shared>> -> memref<1x2048xi32, #tpu.memory_space<vmem_shared>>
        %dma_start3A_179 = tpu.memref_squeeze %dma_start3A_178 : memref<1x2048xi32, #tpu.memory_space<vmem_shared>> -> memref<2048xi32, #tpu.memory_space<vmem_shared>>
        %dma_start3A_180 = arith.constant 0 : i32
        %dma_start3A_181 = tpu.memref_slice %arg13[%scan3A_166, %dma_start3A_180] : memref<16x2048xi32, #tpu.memory_space<vmem_shared>> -> memref<1x2048xi32, #tpu.memory_space<vmem_shared>>
        %dma_start3A_182 = tpu.memref_squeeze %dma_start3A_181 : memref<1x2048xi32, #tpu.memory_space<vmem_shared>> -> memref<2048xi32, #tpu.memory_space<vmem_shared>>
        tpu.enqueue_dma source(%dma_start3A_182 : memref<2048xi32, #tpu.memory_space<vmem_shared>>) target(%arg8 : memref<2048xi32, #tpu.memory_space<vmem>>) target_semaphore(%run_scoped3A : memref<!tpu.dma_semaphore, #tpu.memory_space<semaphore_mem>>)
        %dma_wait3A = arith.constant 0 : i32
        %dma_wait3A_183 = tpu.memref_slice %arg13[%scan3A_166, %dma_wait3A] : memref<16x2048xi32, #tpu.memory_space<vmem_shared>> -> memref<1x2048xi32, #tpu.memory_space<vmem_shared>>
        %dma_wait3A_184 = tpu.memref_squeeze %dma_wait3A_183 : memref<1x2048xi32, #tpu.memory_space<vmem_shared>> -> memref<2048xi32, #tpu.memory_space<vmem_shared>>
        %dma_wait3A_185 = arith.constant 0 : i32
        %dma_wait3A_186 = tpu.memref_slice %arg13[%scan3A_166, %dma_wait3A_185] : memref<16x2048xi32, #tpu.memory_space<vmem_shared>> -> memref<1x2048xi32, #tpu.memory_space<vmem_shared>>
        %dma_wait3A_187 = tpu.memref_squeeze %dma_wait3A_186 : memref<1x2048xi32, #tpu.memory_space<vmem_shared>> -> memref<2048xi32, #tpu.memory_space<vmem_shared>>
        tpu.wait_dma2 semaphore(%run_scoped3A : memref<!tpu.dma_semaphore, #tpu.memory_space<semaphore_mem>>) src(%dma_wait3A_187 : memref<2048xi32, #tpu.memory_space<vmem_shared>>) dst(%arg8 : memref<2048xi32, #tpu.memory_space<vmem>>)
        tpu.yield
      }) : () -> ()
      %lt3A_168 = arith.cmpi slt, %scan3A_166, %arg1 : i32
      %convert_element_type3A_169 = arith.extui %lt3A_168 : i1 to i32
      %scan3A_170 = arith.constant 0 : i32
      %scan3A_171 = arith.constant 0 : i32
      %scan3A_172 = arith.constant 128 : i32
      %scan3A_173 = arith.addi %scan3A_171, %scan3A_172 : i32
      %scan3A_174 = arith.constant 1 : i32
      %scan3A_175 = scf.for %scan3A_178 = %scan3A_171 to %scan3A_173 step %scan3A_174 iter_args(%scan3A_179 = %scan3A_170) -> (i32)  : i32 {
        %mul3A_180 = arith.constant 16 : i32
        %mul3A_181 = arith.muli %scan3A_178, %mul3A_180 : i32
        %get3A = arith.index_cast %mul3A_181 : i32 to index
        %get3A_182 = tpu.vector_load %arg8[%get3A] {strides = array<i32>} : memref<2048xi32, #tpu.memory_space<vmem>>, vector<16xi32>,
        %get3A_183 = arith.index_cast %mul3A_181 : i32 to index
        %get3A_184 = tpu.vector_load %arg11[%get3A_183] {strides = array<i32>} : memref<2048xi32, #tpu.memory_space<vmem>>, vector<16xi32>,
        %add3A = arith.addi %get3A_184, %get3A_182 : vector<16xi32>
        %swap3A = arith.index_cast %mul3A_181 : i32 to index
        %swap3A_185 = tpu.vector_load %arg11[%swap3A] {strides = array<i32>} : memref<2048xi32, #tpu.memory_space<vmem>>, vector<16xi32>,
        tpu.vector_store %arg11[%swap3A], %add3A {strides = array<i32>} : memref<2048xi32, #tpu.memory_space<vmem>>, vector<16xi32>,
        %get3A_186 = arith.index_cast %mul3A_181 : i32 to index
        %get3A_187 = tpu.vector_load %arg12[%get3A_186] {strides = array<i32>} : memref<2048xi32, #tpu.memory_space<vmem>>, vector<16xi32>,
        %mul3A_188 = vector.broadcast %convert_element_type3A_169 : i32 to vector<16xi32>
        %mul3A_189 = arith.muli %get3A_182, %mul3A_188 : vector<16xi32>
        %add3A_190 = arith.addi %get3A_187, %mul3A_189 : vector<16xi32>
        %swap3A_191 = arith.index_cast %mul3A_181 : i32 to index
        %swap3A_192 = tpu.vector_load %arg12[%swap3A_191] {strides = array<i32>} : memref<2048xi32, #tpu.memory_space<vmem>>, vector<16xi32>,
        tpu.vector_store %arg12[%swap3A_191], %add3A_190 {strides = array<i32>} : memref<2048xi32, #tpu.memory_space<vmem>>, vector<16xi32>,
        %scan3A_193 = arith.constant 0 : i32
        scf.yield %scan3A_193 : i32
      }
      %scan3A_176 = arith.constant 128 : i32
      %scan3A_177 = arith.constant 0 : i32
      scf.yield %scan3A_177 : i32
    }
    %scan3A_89 = arith.constant 16 : i32
    %scan3A_90 = arith.constant 0 : i32
    %scan3A_91 = arith.constant 0 : i32
    %scan3A_92 = arith.constant 128 : i32
    %scan3A_93 = arith.addi %scan3A_91, %scan3A_92 : i32
    %scan3A_94 = arith.constant 1 : i32
    %scan3A_95 = scf.for %scan3A_166 = %scan3A_91 to %scan3A_93 step %scan3A_94 iter_args(%scan3A_167 = %scan3A_90) -> (i32)  : i32 {
      %mul3A_168 = arith.constant 16 : i32
      %mul3A_169 = arith.muli %scan3A_166, %mul3A_168 : i32
      %get3A = arith.index_cast %mul3A_169 : i32 to index
      %get3A_170 = tpu.vector_load %arg11[%get3A] {strides = array<i32>} : memref<2048xi32, #tpu.memory_space<vmem>>, vector<16xi32>,
      %broadcast_in_dim3A_171 = arith.constant true
      %broadcast_in_dim3A_172 = vector.broadcast %broadcast_in_dim3A_171 : i1 to vector<16xi1>
      %masked_cumsum3A = tpu.scan <sum>, %get3A_170 masked %broadcast_in_dim3A_172 : vector<16xi32>, vector<16xi1> -> vector<16xi32>
      %sub3A = arith.subi %masked_cumsum3A, %get3A_170 : vector<16xi32>
      %add3A = vector.broadcast %scan3A_167 : i32 to vector<16xi32>
      %add3A_173 = arith.addi %sub3A, %add3A : vector<16xi32>
      %get3A_174 = arith.index_cast %mul3A_169 : i32 to index
      %get3A_175 = tpu.vector_load %arg12[%get3A_174] {strides = array<i32>} : memref<2048xi32, #tpu.memory_space<vmem>>, vector<16xi32>,
      %add3A_176 = arith.addi %add3A_173, %get3A_175 : vector<16xi32>
      %swap3A = arith.index_cast %mul3A_169 : i32 to index
      %swap3A_177 = tpu.vector_load %arg10[%swap3A] {strides = array<i32>} : memref<2048xi32, #tpu.memory_space<vmem>>, vector<16xi32>,
      tpu.vector_store %arg10[%swap3A], %add3A_176 {strides = array<i32>} : memref<2048xi32, #tpu.memory_space<vmem>>, vector<16xi32>,
      %reduce_max3A = arith.constant true
      %reduce_max3A_178 = vector.broadcast %reduce_max3A : i1 to vector<16xi1>
      %reduce_max3A_179 = arith.constant -2147483648 : i32
      %reduce_max3A_180 = vector.broadcast %reduce_max3A_179 : i32 to vector<16xi32>
      %reduce_max3A_181 = arith.xori %masked_cumsum3A, %reduce_max3A_180 : vector<16xi32>
      %reduce_max3A_182 = tpu.scan <max>, %reduce_max3A_181 masked %reduce_max3A_178 : vector<16xi32>, vector<16xi1> -> vector<16xi32>
      %reduce_max3A_183 = arith.xori %reduce_max3A_182, %reduce_max3A_180 : vector<16xi32>
      %reduce_max3A_184 = vector.extract %reduce_max3A_183[15] : i32 from vector<16xi32>
      %add3A_185 = arith.addi %scan3A_167, %reduce_max3A_184 : i32
      scf.yield %add3A_185 : i32
    }
    %scan3A_96 = arith.constant 128 : i32
    %scan3A_97 = arith.constant 11 : i32
    %scan3A_98 = arith.constant 0 : i32
    %scan3A_99 = arith.constant 0 : i32
    %scan3A_100 = arith.constant 489 : i32
    %scan3A_101 = arith.addi %scan3A_99, %scan3A_100 : i32
    %scan3A_102 = arith.constant 1 : i32
    %scan3A_103 = scf.for %scan3A_166 = %scan3A_99 to %scan3A_101 step %scan3A_102 iter_args(%scan3A_167 = %scan3A_98) -> (i32)  : i32 {
      %rem3A = arith.constant 16 : i32
      %rem3A_168 = arith.remsi %scan3A_166, %rem3A : i32
      %ge3A = arith.constant 16 : i32
      %ge3A_169 = arith.cmpi sge, %scan3A_166, %ge3A : i32
      %convert_element_type3A_170 = arith.extui %ge3A_169 : i1 to i32
      %cond3A_171 = arith.constant 0 : i32
      %cond3A_172 = arith.cmpi ne, %convert_element_type3A_170, %cond3A_171 : i32
      scf.if %cond3A_172 {
        %dma_wait3A = arith.constant 0 : i32
        %dma_wait3A_348 = tpu.memref_slice %arg6[%dma_wait3A] : memref<62592xf32, #tpu.memory_space<vmem>> -> memref<128xf32, #tpu.memory_space<vmem>>
        %dma_wait3A_349 = arith.constant 0 : i32
        %dma_wait3A_350 = tpu.memref_slice %arg7[%rem3A_168, %dma_wait3A_349] : memref<16x128xi32, #tpu.memory_space<vmem>> -> memref<1x128xi32, #tpu.memory_space<vmem>>
        %dma_wait3A_351 = tpu.memref_squeeze %dma_wait3A_350 : memref<1x128xi32, #tpu.memory_space<vmem>> -> memref<128xi32, #tpu.memory_space<vmem>>
        %dma_wait3A_352 = arith.constant 0 : i32
        %dma_wait3A_353 = tpu.memref_slice %arg5[%dma_wait3A_352] : memref<1001472xf32, #tpu.memory_space<hbm>> -> memref<1001472xf32, #tpu.memory_space<hbm>>
        tpu.wait_indirect_dma semaphore(%arg14 : memref<!tpu.dma_semaphore, #tpu.memory_space<semaphore_mem>>) src(%dma_wait3A_348 : memref<128xf32, #tpu.memory_space<vmem>>) dst(%dma_wait3A_353 : memref<1001472xf32, #tpu.memory_space<hbm>>)
      } else {
      }
      %mul3A_173 = arith.constant 128 : i32
      %mul3A_174 = arith.muli %scan3A_166, %mul3A_173 : i32
      %add3A = arith.constant 0 : i32
      %add3A_175 = arith.addi %mul3A_174, %add3A : i32
      %get3A = arith.index_cast %add3A_175 : i32 to index
      %get3A_176 = tpu.vector_load %arg6[%get3A] {strides = array<i32>} : memref<62592xf32, #tpu.memory_space<vmem>>, vector<16xf32>,
      %bitcast3A = vector.bitcast %get3A_176 : vector<16xf32> to vector<16xi32>
      %shift_right_logical3A = vector.broadcast %scan3A_97 : i32 to vector<16xi32>
      %shift_right_logical3A_177 = arith.shrui %bitcast3A, %shift_right_logical3A : vector<16xi32>
      %and3A = arith.constant 2047 : i32
      %and3A_178 = vector.broadcast %and3A : i32 to vector<16xi32>
      %and3A_179 = arith.andi %shift_right_logical3A_177, %and3A_178 : vector<16xi32>
      %broadcast_in_dim3A_180 = arith.constant true
      %broadcast_in_dim3A_181 = vector.broadcast %broadcast_in_dim3A_180 : i1 to vector<16xi1>
      %unique3A, %unique3A_182 = tpu.scan_count mask(%broadcast_in_dim3A_181 : vector<16xi1>) value(%and3A_179 : vector<16xi32>) : vector<16xi1>, vector<16xi32>
      %gather3A = tpu.vector_load_idx %arg10[%and3A_179] : memref<2048xi32, #tpu.memory_space<vmem>>[vector<16xi32>], vector<16xi32>,
      %add3A_183 = arith.addi %gather3A, %unique3A_182 : vector<16xi32>
      %sub3A = arith.constant 1 : i32
      %sub3A_184 = vector.broadcast %sub3A : i32 to vector<16xi32>
      %sub3A_185 = arith.subi %add3A_183, %sub3A_184 : vector<16xi32>
      tpu.vector_store_idx %arg10[%and3A_179], %broadcast_in_dim3A_1 {add = true} : memref<2048xi32, #tpu.memory_space<vmem>>[vector<16xi32>], vector<16xi32>,
      %swap3A = arith.index_cast %rem3A_168 : i32 to index
      %swap3A_186 = arith.constant 0 : index
      %swap3A_187 = tpu.vector_load %arg7[%swap3A, %swap3A_186] {strides = array<i32>} : memref<16x128xi32, #tpu.memory_space<vmem>>, vector<16xi32>,
      tpu.vector_store %arg7[%swap3A, %swap3A_186], %sub3A_185 {strides = array<i32>} : memref<16x128xi32, #tpu.memory_space<vmem>>, vector<16xi32>,
      %add3A_188 = arith.constant 16 : i32
      %add3A_189 = arith.addi %mul3A_174, %add3A_188 : i32
      %get3A_190 = arith.index_cast %add3A_189 : i32 to index
      %get3A_191 = tpu.vector_load %arg6[%get3A_190] {strides = array<i32>} : memref<62592xf32, #tpu.memory_space<vmem>>, vector<16xf32>,
      %bitcast3A_192 = vector.bitcast %get3A_191 : vector<16xf32> to vector<16xi32>
      %shift_right_logical3A_193 = vector.broadcast %scan3A_97 : i32 to vector<16xi32>
      %shift_right_logical3A_194 = arith.shrui %bitcast3A_192, %shift_right_logical3A_193 : vector<16xi32>
      %and3A_195 = arith.constant 2047 : i32
      %and3A_196 = vector.broadcast %and3A_195 : i32 to vector<16xi32>
      %and3A_197 = arith.andi %shift_right_logical3A_194, %and3A_196 : vector<16xi32>
      %broadcast_in_dim3A_198 = arith.constant true
      %broadcast_in_dim3A_199 = vector.broadcast %broadcast_in_dim3A_198 : i1 to vector<16xi1>
      %unique3A_200, %unique3A_201 = tpu.scan_count mask(%broadcast_in_dim3A_199 : vector<16xi1>) value(%and3A_197 : vector<16xi32>) : vector<16xi1>, vector<16xi32>
      %gather3A_202 = tpu.vector_load_idx %arg10[%and3A_197] : memref<2048xi32, #tpu.memory_space<vmem>>[vector<16xi32>], vector<16xi32>,
      %add3A_203 = arith.addi %gather3A_202, %unique3A_201 : vector<16xi32>
      %sub3A_204 = arith.constant 1 : i32
      %sub3A_205 = vector.broadcast %sub3A_204 : i32 to vector<16xi32>
      %sub3A_206 = arith.subi %add3A_203, %sub3A_205 : vector<16xi32>
      tpu.vector_store_idx %arg10[%and3A_197], %broadcast_in_dim3A_1 {add = true} : memref<2048xi32, #tpu.memory_space<vmem>>[vector<16xi32>], vector<16xi32>,
      %swap3A_207 = arith.index_cast %rem3A_168 : i32 to index
      %swap3A_208 = arith.constant 16 : index
      %swap3A_209 = tpu.vector_load %arg7[%swap3A_207, %swap3A_208] {strides = array<i32>} : memref<16x128xi32, #tpu.memory_space<vmem>>, vector<16xi32>,
      tpu.vector_store %arg7[%swap3A_207, %swap3A_208], %sub3A_206 {strides = array<i32>} : memref<16x128xi32, #tpu.memory_space<vmem>>, vector<16xi32>,
      %add3A_210 = arith.constant 32 : i32
      %add3A_211 = arith.addi %mul3A_174, %add3A_210 : i32
      %get3A_212 = arith.index_cast %add3A_211 : i32 to index
      %get3A_213 = tpu.vector_load %arg6[%get3A_212] {strides = array<i32>} : memref<62592xf32, #tpu.memory_space<vmem>>, vector<16xf32>,
      %bitcast3A_214 = vector.bitcast %get3A_213 : vector<16xf32> to vector<16xi32>
      %shift_right_logical3A_215 = vector.broadcast %scan3A_97 : i32 to vector<16xi32>
      %shift_right_logical3A_216 = arith.shrui %bitcast3A_214, %shift_right_logical3A_215 : vector<16xi32>
      %and3A_217 = arith.constant 2047 : i32
      %and3A_218 = vector.broadcast %and3A_217 : i32 to vector<16xi32>
      %and3A_219 = arith.andi %shift_right_logical3A_216, %and3A_218 : vector<16xi32>
      %broadcast_in_dim3A_220 = arith.constant true
      %broadcast_in_dim3A_221 = vector.broadcast %broadcast_in_dim3A_220 : i1 to vector<16xi1>
      %unique3A_222, %unique3A_223 = tpu.scan_count mask(%broadcast_in_dim3A_221 : vector<16xi1>) value(%and3A_219 : vector<16xi32>) : vector<16xi1>, vector<16xi32>
      %gather3A_224 = tpu.vector_load_idx %arg10[%and3A_219] : memref<2048xi32, #tpu.memory_space<vmem>>[vector<16xi32>], vector<16xi32>,
      %add3A_225 = arith.addi %gather3A_224, %unique3A_223 : vector<16xi32>
      %sub3A_226 = arith.constant 1 : i32
      %sub3A_227 = vector.broadcast %sub3A_226 : i32 to vector<16xi32>
      %sub3A_228 = arith.subi %add3A_225, %sub3A_227 : vector<16xi32>
      tpu.vector_store_idx %arg10[%and3A_219], %broadcast_in_dim3A_1 {add = true} : memref<2048xi32, #tpu.memory_space<vmem>>[vector<16xi32>], vector<16xi32>,
      %swap3A_229 = arith.index_cast %rem3A_168 : i32 to index
      %swap3A_230 = arith.constant 32 : index
      %swap3A_231 = tpu.vector_load %arg7[%swap3A_229, %swap3A_230] {strides = array<i32>} : memref<16x128xi32, #tpu.memory_space<vmem>>, vector<16xi32>,
      tpu.vector_store %arg7[%swap3A_229, %swap3A_230], %sub3A_228 {strides = array<i32>} : memref<16x128xi32, #tpu.memory_space<vmem>>, vector<16xi32>,
      %add3A_232 = arith.constant 48 : i32
      %add3A_233 = arith.addi %mul3A_174, %add3A_232 : i32
      %get3A_234 = arith.index_cast %add3A_233 : i32 to index
      %get3A_235 = tpu.vector_load %arg6[%get3A_234] {strides = array<i32>} : memref<62592xf32, #tpu.memory_space<vmem>>, vector<16xf32>,
      %bitcast3A_236 = vector.bitcast %get3A_235 : vector<16xf32> to vector<16xi32>
      %shift_right_logical3A_237 = vector.broadcast %scan3A_97 : i32 to vector<16xi32>
      %shift_right_logical3A_238 = arith.shrui %bitcast3A_236, %shift_right_logical3A_237 : vector<16xi32>
      %and3A_239 = arith.constant 2047 : i32
      %and3A_240 = vector.broadcast %and3A_239 : i32 to vector<16xi32>
      %and3A_241 = arith.andi %shift_right_logical3A_238, %and3A_240 : vector<16xi32>
      %broadcast_in_dim3A_242 = arith.constant true
      %broadcast_in_dim3A_243 = vector.broadcast %broadcast_in_dim3A_242 : i1 to vector<16xi1>
      %unique3A_244, %unique3A_245 = tpu.scan_count mask(%broadcast_in_dim3A_243 : vector<16xi1>) value(%and3A_241 : vector<16xi32>) : vector<16xi1>, vector<16xi32>
      %gather3A_246 = tpu.vector_load_idx %arg10[%and3A_241] : memref<2048xi32, #tpu.memory_space<vmem>>[vector<16xi32>], vector<16xi32>,
      %add3A_247 = arith.addi %gather3A_246, %unique3A_245 : vector<16xi32>
      %sub3A_248 = arith.constant 1 : i32
      %sub3A_249 = vector.broadcast %sub3A_248 : i32 to vector<16xi32>
      %sub3A_250 = arith.subi %add3A_247, %sub3A_249 : vector<16xi32>
      tpu.vector_store_idx %arg10[%and3A_241], %broadcast_in_dim3A_1 {add = true} : memref<2048xi32, #tpu.memory_space<vmem>>[vector<16xi32>], vector<16xi32>,
      %swap3A_251 = arith.index_cast %rem3A_168 : i32 to index
      %swap3A_252 = arith.constant 48 : index
      %swap3A_253 = tpu.vector_load %arg7[%swap3A_251, %swap3A_252] {strides = array<i32>} : memref<16x128xi32, #tpu.memory_space<vmem>>, vector<16xi32>,
      tpu.vector_store %arg7[%swap3A_251, %swap3A_252], %sub3A_250 {strides = array<i32>} : memref<16x128xi32, #tpu.memory_space<vmem>>, vector<16xi32>,
      %add3A_254 = arith.constant 64 : i32
      %add3A_255 = arith.addi %mul3A_174, %add3A_254 : i32
      %get3A_256 = arith.index_cast %add3A_255 : i32 to index
      %get3A_257 = tpu.vector_load %arg6[%get3A_256] {strides = array<i32>} : memref<62592xf32, #tpu.memory_space<vmem>>, vector<16xf32>,
      %bitcast3A_258 = vector.bitcast %get3A_257 : vector<16xf32> to vector<16xi32>
      %shift_right_logical3A_259 = vector.broadcast %scan3A_97 : i32 to vector<16xi32>
      %shift_right_logical3A_260 = arith.shrui %bitcast3A_258, %shift_right_logical3A_259 : vector<16xi32>
      %and3A_261 = arith.constant 2047 : i32
      %and3A_262 = vector.broadcast %and3A_261 : i32 to vector<16xi32>
      %and3A_263 = arith.andi %shift_right_logical3A_260, %and3A_262 : vector<16xi32>
      %broadcast_in_dim3A_264 = arith.constant true
      %broadcast_in_dim3A_265 = vector.broadcast %broadcast_in_dim3A_264 : i1 to vector<16xi1>
      %unique3A_266, %unique3A_267 = tpu.scan_count mask(%broadcast_in_dim3A_265 : vector<16xi1>) value(%and3A_263 : vector<16xi32>) : vector<16xi1>, vector<16xi32>
      %gather3A_268 = tpu.vector_load_idx %arg10[%and3A_263] : memref<2048xi32, #tpu.memory_space<vmem>>[vector<16xi32>], vector<16xi32>,
      %add3A_269 = arith.addi %gather3A_268, %unique3A_267 : vector<16xi32>
      %sub3A_270 = arith.constant 1 : i32
      %sub3A_271 = vector.broadcast %sub3A_270 : i32 to vector<16xi32>
      %sub3A_272 = arith.subi %add3A_269, %sub3A_271 : vector<16xi32>
      tpu.vector_store_idx %arg10[%and3A_263], %broadcast_in_dim3A_1 {add = true} : memref<2048xi32, #tpu.memory_space<vmem>>[vector<16xi32>], vector<16xi32>,
      %swap3A_273 = arith.index_cast %rem3A_168 : i32 to index
      %swap3A_274 = arith.constant 64 : index
      %swap3A_275 = tpu.vector_load %arg7[%swap3A_273, %swap3A_274] {strides = array<i32>} : memref<16x128xi32, #tpu.memory_space<vmem>>, vector<16xi32>,
      tpu.vector_store %arg7[%swap3A_273, %swap3A_274], %sub3A_272 {strides = array<i32>} : memref<16x128xi32, #tpu.memory_space<vmem>>, vector<16xi32>,
      %add3A_276 = arith.constant 80 : i32
      %add3A_277 = arith.addi %mul3A_174, %add3A_276 : i32
      %get3A_278 = arith.index_cast %add3A_277 : i32 to index
      %get3A_279 = tpu.vector_load %arg6[%get3A_278] {strides = array<i32>} : memref<62592xf32, #tpu.memory_space<vmem>>, vector<16xf32>,
      %bitcast3A_280 = vector.bitcast %get3A_279 : vector<16xf32> to vector<16xi32>
      %shift_right_logical3A_281 = vector.broadcast %scan3A_97 : i32 to vector<16xi32>
      %shift_right_logical3A_282 = arith.shrui %bitcast3A_280, %shift_right_logical3A_281 : vector<16xi32>
      %and3A_283 = arith.constant 2047 : i32
      %and3A_284 = vector.broadcast %and3A_283 : i32 to vector<16xi32>
      %and3A_285 = arith.andi %shift_right_logical3A_282, %and3A_284 : vector<16xi32>
      %broadcast_in_dim3A_286 = arith.constant true
      %broadcast_in_dim3A_287 = vector.broadcast %broadcast_in_dim3A_286 : i1 to vector<16xi1>
      %unique3A_288, %unique3A_289 = tpu.scan_count mask(%broadcast_in_dim3A_287 : vector<16xi1>) value(%and3A_285 : vector<16xi32>) : vector<16xi1>, vector<16xi32>
      %gather3A_290 = tpu.vector_load_idx %arg10[%and3A_285] : memref<2048xi32, #tpu.memory_space<vmem>>[vector<16xi32>], vector<16xi32>,
      %add3A_291 = arith.addi %gather3A_290, %unique3A_289 : vector<16xi32>
      %sub3A_292 = arith.constant 1 : i32
      %sub3A_293 = vector.broadcast %sub3A_292 : i32 to vector<16xi32>
      %sub3A_294 = arith.subi %add3A_291, %sub3A_293 : vector<16xi32>
      tpu.vector_store_idx %arg10[%and3A_285], %broadcast_in_dim3A_1 {add = true} : memref<2048xi32, #tpu.memory_space<vmem>>[vector<16xi32>], vector<16xi32>,
      %swap3A_295 = arith.index_cast %rem3A_168 : i32 to index
      %swap3A_296 = arith.constant 80 : index
      %swap3A_297 = tpu.vector_load %arg7[%swap3A_295, %swap3A_296] {strides = array<i32>} : memref<16x128xi32, #tpu.memory_space<vmem>>, vector<16xi32>,
      tpu.vector_store %arg7[%swap3A_295, %swap3A_296], %sub3A_294 {strides = array<i32>} : memref<16x128xi32, #tpu.memory_space<vmem>>, vector<16xi32>,
      %add3A_298 = arith.constant 96 : i32
      %add3A_299 = arith.addi %mul3A_174, %add3A_298 : i32
      %get3A_300 = arith.index_cast %add3A_299 : i32 to index
      %get3A_301 = tpu.vector_load %arg6[%get3A_300] {strides = array<i32>} : memref<62592xf32, #tpu.memory_space<vmem>>, vector<16xf32>,
      %bitcast3A_302 = vector.bitcast %get3A_301 : vector<16xf32> to vector<16xi32>
      %shift_right_logical3A_303 = vector.broadcast %scan3A_97 : i32 to vector<16xi32>
      %shift_right_logical3A_304 = arith.shrui %bitcast3A_302, %shift_right_logical3A_303 : vector<16xi32>
      %and3A_305 = arith.constant 2047 : i32
      %and3A_306 = vector.broadcast %and3A_305 : i32 to vector<16xi32>
      %and3A_307 = arith.andi %shift_right_logical3A_304, %and3A_306 : vector<16xi32>
      %broadcast_in_dim3A_308 = arith.constant true
      %broadcast_in_dim3A_309 = vector.broadcast %broadcast_in_dim3A_308 : i1 to vector<16xi1>
      %unique3A_310, %unique3A_311 = tpu.scan_count mask(%broadcast_in_dim3A_309 : vector<16xi1>) value(%and3A_307 : vector<16xi32>) : vector<16xi1>, vector<16xi32>
      %gather3A_312 = tpu.vector_load_idx %arg10[%and3A_307] : memref<2048xi32, #tpu.memory_space<vmem>>[vector<16xi32>], vector<16xi32>,
      %add3A_313 = arith.addi %gather3A_312, %unique3A_311 : vector<16xi32>
      %sub3A_314 = arith.constant 1 : i32
      %sub3A_315 = vector.broadcast %sub3A_314 : i32 to vector<16xi32>
      %sub3A_316 = arith.subi %add3A_313, %sub3A_315 : vector<16xi32>
      tpu.vector_store_idx %arg10[%and3A_307], %broadcast_in_dim3A_1 {add = true} : memref<2048xi32, #tpu.memory_space<vmem>>[vector<16xi32>], vector<16xi32>,
      %swap3A_317 = arith.index_cast %rem3A_168 : i32 to index
      %swap3A_318 = arith.constant 96 : index
      %swap3A_319 = tpu.vector_load %arg7[%swap3A_317, %swap3A_318] {strides = array<i32>} : memref<16x128xi32, #tpu.memory_space<vmem>>, vector<16xi32>,
      tpu.vector_store %arg7[%swap3A_317, %swap3A_318], %sub3A_316 {strides = array<i32>} : memref<16x128xi32, #tpu.memory_space<vmem>>, vector<16xi32>,
      %add3A_320 = arith.constant 112 : i32
      %add3A_321 = arith.addi %mul3A_174, %add3A_320 : i32
      %get3A_322 = arith.index_cast %add3A_321 : i32 to index
      %get3A_323 = tpu.vector_load %arg6[%get3A_322] {strides = array<i32>} : memref<62592xf32, #tpu.memory_space<vmem>>, vector<16xf32>,
      %bitcast3A_324 = vector.bitcast %get3A_323 : vector<16xf32> to vector<16xi32>
      %shift_right_logical3A_325 = vector.broadcast %scan3A_97 : i32 to vector<16xi32>
      %shift_right_logical3A_326 = arith.shrui %bitcast3A_324, %shift_right_logical3A_325 : vector<16xi32>
      %and3A_327 = arith.constant 2047 : i32
      %and3A_328 = vector.broadcast %and3A_327 : i32 to vector<16xi32>
      %and3A_329 = arith.andi %shift_right_logical3A_326, %and3A_328 : vector<16xi32>
      %broadcast_in_dim3A_330 = arith.constant true
      %broadcast_in_dim3A_331 = vector.broadcast %broadcast_in_dim3A_330 : i1 to vector<16xi1>
      %unique3A_332, %unique3A_333 = tpu.scan_count mask(%broadcast_in_dim3A_331 : vector<16xi1>) value(%and3A_329 : vector<16xi32>) : vector<16xi1>, vector<16xi32>
      %gather3A_334 = tpu.vector_load_idx %arg10[%and3A_329] : memref<2048xi32, #tpu.memory_space<vmem>>[vector<16xi32>], vector<16xi32>,
      %add3A_335 = arith.addi %gather3A_334, %unique3A_333 : vector<16xi32>
      %sub3A_336 = arith.constant 1 : i32
      %sub3A_337 = vector.broadcast %sub3A_336 : i32 to vector<16xi32>
      %sub3A_338 = arith.subi %add3A_335, %sub3A_337 : vector<16xi32>
      tpu.vector_store_idx %arg10[%and3A_329], %broadcast_in_dim3A_1 {add = true} : memref<2048xi32, #tpu.memory_space<vmem>>[vector<16xi32>], vector<16xi32>,
      %swap3A_339 = arith.index_cast %rem3A_168 : i32 to index
      %swap3A_340 = arith.constant 112 : index
      %swap3A_341 = tpu.vector_load %arg7[%swap3A_339, %swap3A_340] {strides = array<i32>} : memref<16x128xi32, #tpu.memory_space<vmem>>, vector<16xi32>,
      tpu.vector_store %arg7[%swap3A_339, %swap3A_340], %sub3A_338 {strides = array<i32>} : memref<16x128xi32, #tpu.memory_space<vmem>>, vector<16xi32>,
      %dma_start3A = tpu.memref_slice %arg6[%mul3A_174] : memref<62592xf32, #tpu.memory_space<vmem>> -> memref<128xf32, #tpu.memory_space<vmem>>
      %dma_start3A_342 = arith.constant 0 : i32
      %dma_start3A_343 = tpu.memref_slice %arg7[%rem3A_168, %dma_start3A_342] : memref<16x128xi32, #tpu.memory_space<vmem>> -> memref<1x128xi32, #tpu.memory_space<vmem>>
      %dma_start3A_344 = tpu.memref_squeeze %dma_start3A_343 : memref<1x128xi32, #tpu.memory_space<vmem>> -> memref<128xi32, #tpu.memory_space<vmem>>
      %dma_start3A_345 = arith.constant 0 : i32
      %dma_start3A_346 = tpu.memref_slice %arg5[%dma_start3A_345] : memref<1001472xf32, #tpu.memory_space<hbm>> -> memref<1001472xf32, #tpu.memory_space<hbm>>
      tpu.enqueue_indirect_dma source(%dma_start3A : memref<128xf32, #tpu.memory_space<vmem>>) target(%dma_start3A_346 : memref<1001472xf32, #tpu.memory_space<hbm>>) offsets(%dma_start3A_344 : memref<128xi32, #tpu.memory_space<vmem>>) semaphore(%arg14 : memref<!tpu.dma_semaphore, #tpu.memory_space<semaphore_mem>>)
      %scan3A_347 = arith.constant 0 : i32
      scf.yield %scan3A_347 : i32
    }
    %scan3A_104 = arith.constant 489 : i32
    %scan3A_105 = arith.constant 0 : i32
    %scan3A_106 = arith.constant 0 : i32
    %scan3A_107 = arith.constant 16 : i32
    %scan3A_108 = arith.addi %scan3A_106, %scan3A_107 : i32
    %scan3A_109 = arith.constant 1 : i32
    %scan3A_110 = scf.for %scan3A_166 = %scan3A_106 to %scan3A_108 step %scan3A_109 iter_args(%scan3A_167 = %scan3A_105) -> (i32)  : i32 {
      %dma_wait3A = arith.constant 0 : i32
      %dma_wait3A_168 = tpu.memref_slice %arg6[%dma_wait3A] : memref<62592xf32, #tpu.memory_space<vmem>> -> memref<128xf32, #tpu.memory_space<vmem>>
      %dma_wait3A_169 = arith.constant 0 : i32
      %dma_wait3A_170 = tpu.memref_slice %arg7[%scan3A_166, %dma_wait3A_169] : memref<16x128xi32, #tpu.memory_space<vmem>> -> memref<1x128xi32, #tpu.memory_space<vmem>>
      %dma_wait3A_171 = tpu.memref_squeeze %dma_wait3A_170 : memref<1x128xi32, #tpu.memory_space<vmem>> -> memref<128xi32, #tpu.memory_space<vmem>>
      %dma_wait3A_172 = arith.constant 0 : i32
      %dma_wait3A_173 = tpu.memref_slice %arg5[%dma_wait3A_172] : memref<1001472xf32, #tpu.memory_space<hbm>> -> memref<1001472xf32, #tpu.memory_space<hbm>>
      tpu.wait_indirect_dma semaphore(%arg14 : memref<!tpu.dma_semaphore, #tpu.memory_space<semaphore_mem>>) src(%dma_wait3A_168 : memref<128xf32, #tpu.memory_space<vmem>>) dst(%dma_wait3A_173 : memref<1001472xf32, #tpu.memory_space<hbm>>)
      %scan3A_174 = arith.constant 0 : i32
      scf.yield %scan3A_174 : i32
    }
    %scan3A_111 = arith.constant 16 : i32
    %barrier3A_112 = arith.constant 0 : index
    tpu.barrier barrier_id(%barrier3A_112)
    "tpu.region"() ({
      %run_scoped3A = tpu.sem_alloc : memref<!tpu.dma_semaphore, #tpu.memory_space<semaphore_mem>>
      %dma_start3A = tpu.memref_slice %arg5[%multiple_of3A] : memref<1001472xf32, #tpu.memory_space<hbm>> -> memref<62592xf32, #tpu.memory_space<hbm>>
      %dma_start3A_166 = tpu.memref_slice %arg5[%multiple_of3A] : memref<1001472xf32, #tpu.memory_space<hbm>> -> memref<62592xf32, #tpu.memory_space<hbm>>
      tpu.enqueue_dma source(%dma_start3A_166 : memref<62592xf32, #tpu.memory_space<hbm>>) target(%arg6 : memref<62592xf32, #tpu.memory_space<vmem>>) target_semaphore(%run_scoped3A : memref<!tpu.dma_semaphore, #tpu.memory_space<semaphore_mem>>)
      %dma_wait3A = tpu.memref_slice %arg5[%multiple_of3A] : memref<1001472xf32, #tpu.memory_space<hbm>> -> memref<62592xf32, #tpu.memory_space<hbm>>
      %dma_wait3A_167 = tpu.memref_slice %arg5[%multiple_of3A] : memref<1001472xf32, #tpu.memory_space<hbm>> -> memref<62592xf32, #tpu.memory_space<hbm>>
      tpu.wait_dma2 semaphore(%run_scoped3A : memref<!tpu.dma_semaphore, #tpu.memory_space<semaphore_mem>>) src(%dma_wait3A_167 : memref<62592xf32, #tpu.memory_space<hbm>>) dst(%arg6 : memref<62592xf32, #tpu.memory_space<vmem>>)
      tpu.yield
    }) : () -> ()
    %scan3A_113 = arith.constant 0 : i32
    %scan3A_114 = arith.constant 0 : i32
    %scan3A_115 = arith.constant 128 : i32
    %scan3A_116 = arith.addi %scan3A_114, %scan3A_115 : i32
    %scan3A_117 = arith.constant 1 : i32
    %scan3A_118 = scf.for %scan3A_166 = %scan3A_114 to %scan3A_116 step %scan3A_117 iter_args(%scan3A_167 = %scan3A_113) -> (i32)  : i32 {
      %mul3A_168 = arith.constant 16 : i32
      %mul3A_169 = arith.muli %scan3A_166, %mul3A_168 : i32
      %swap3A = arith.index_cast %mul3A_169 : i32 to index
      %swap3A_170 = tpu.vector_load %arg9[%swap3A] {strides = array<i32>} : memref<2048xi32, #tpu.memory_space<vmem>>, vector<16xi32>,
      tpu.vector_store %arg9[%swap3A], %broadcast_in_dim3A_3 {strides = array<i32>} : memref<2048xi32, #tpu.memory_space<vmem>>, vector<16xi32>,
      %scan3A_171 = arith.constant 0 : i32
      scf.yield %scan3A_171 : i32
    }
    %scan3A_119 = arith.constant 128 : i32
    %scan3A_120 = arith.constant 22 : i32
    %scan3A_121 = arith.constant 0 : i32
    %scan3A_122 = arith.constant 0 : i32
    %scan3A_123 = arith.constant 3912 : i32
    %scan3A_124 = arith.addi %scan3A_122, %scan3A_123 : i32
    %scan3A_125 = arith.constant 1 : i32
    %scan3A_126 = scf.for %scan3A_166 = %scan3A_122 to %scan3A_124 step %scan3A_125 iter_args(%scan3A_167 = %scan3A_121) -> (i32)  : i32 {
      %mul3A_168 = arith.constant 16 : i32
      %mul3A_169 = arith.muli %scan3A_166, %mul3A_168 : i32
      %get3A = arith.index_cast %mul3A_169 : i32 to index
      %get3A_170 = tpu.vector_load %arg6[%get3A] {strides = array<i32>} : memref<62592xf32, #tpu.memory_space<vmem>>, vector<16xf32>,
      %bitcast3A = vector.bitcast %get3A_170 : vector<16xf32> to vector<16xi32>
      %shift_right_logical3A = vector.broadcast %scan3A_120 : i32 to vector<16xi32>
      %shift_right_logical3A_171 = arith.shrui %bitcast3A, %shift_right_logical3A : vector<16xi32>
      %and3A = arith.constant 2047 : i32
      %and3A_172 = vector.broadcast %and3A : i32 to vector<16xi32>
      %and3A_173 = arith.andi %shift_right_logical3A_171, %and3A_172 : vector<16xi32>
      tpu.vector_store_idx %arg9[%and3A_173], %broadcast_in_dim3A_1 {add = true} : memref<2048xi32, #tpu.memory_space<vmem>>[vector<16xi32>], vector<16xi32>,
      %scan3A_174 = arith.constant 0 : i32
      scf.yield %scan3A_174 : i32
    }
    %scan3A_127 = arith.constant 3912 : i32
    "tpu.region"() ({
      %run_scoped3A = tpu.sem_alloc : memref<!tpu.dma_semaphore, #tpu.memory_space<semaphore_mem>>
      %dma_start3A = arith.constant 0 : i32
      %dma_start3A_166 = tpu.memref_slice %arg13[%arg1, %dma_start3A] : memref<16x2048xi32, #tpu.memory_space<vmem_shared>> -> memref<1x2048xi32, #tpu.memory_space<vmem_shared>>
      %dma_start3A_167 = tpu.memref_squeeze %dma_start3A_166 : memref<1x2048xi32, #tpu.memory_space<vmem_shared>> -> memref<2048xi32, #tpu.memory_space<vmem_shared>>
      %dma_start3A_168 = arith.constant 0 : i32
      %dma_start3A_169 = tpu.memref_slice %arg13[%arg1, %dma_start3A_168] : memref<16x2048xi32, #tpu.memory_space<vmem_shared>> -> memref<1x2048xi32, #tpu.memory_space<vmem_shared>>
      %dma_start3A_170 = tpu.memref_squeeze %dma_start3A_169 : memref<1x2048xi32, #tpu.memory_space<vmem_shared>> -> memref<2048xi32, #tpu.memory_space<vmem_shared>>
      tpu.enqueue_dma source(%arg9 : memref<2048xi32, #tpu.memory_space<vmem>>) target(%dma_start3A_170 : memref<2048xi32, #tpu.memory_space<vmem_shared>>) target_semaphore(%run_scoped3A : memref<!tpu.dma_semaphore, #tpu.memory_space<semaphore_mem>>)
      %dma_wait3A = arith.constant 0 : i32
      %dma_wait3A_171 = tpu.memref_slice %arg13[%arg1, %dma_wait3A] : memref<16x2048xi32, #tpu.memory_space<vmem_shared>> -> memref<1x2048xi32, #tpu.memory_space<vmem_shared>>
      %dma_wait3A_172 = tpu.memref_squeeze %dma_wait3A_171 : memref<1x2048xi32, #tpu.memory_space<vmem_shared>> -> memref<2048xi32, #tpu.memory_space<vmem_shared>>
      %dma_wait3A_173 = arith.constant 0 : i32
      %dma_wait3A_174 = tpu.memref_slice %arg13[%arg1, %dma_wait3A_173] : memref<16x2048xi32, #tpu.memory_space<vmem_shared>> -> memref<1x2048xi32, #tpu.memory_space<vmem_shared>>
      %dma_wait3A_175 = tpu.memref_squeeze %dma_wait3A_174 : memref<1x2048xi32, #tpu.memory_space<vmem_shared>> -> memref<2048xi32, #tpu.memory_space<vmem_shared>>
      tpu.wait_dma2 semaphore(%run_scoped3A : memref<!tpu.dma_semaphore, #tpu.memory_space<semaphore_mem>>) src(%arg9 : memref<2048xi32, #tpu.memory_space<vmem>>) dst(%dma_wait3A_175 : memref<2048xi32, #tpu.memory_space<vmem_shared>>)
      tpu.yield
    }) : () -> ()
    %barrier3A_128 = arith.constant 0 : index
    tpu.barrier barrier_id(%barrier3A_128)
    %scan3A_129 = arith.constant 0 : i32
    %scan3A_130 = arith.constant 0 : i32
    %scan3A_131 = arith.constant 128 : i32
    %scan3A_132 = arith.addi %scan3A_130, %scan3A_131 : i32
    %scan3A_133 = arith.constant 1 : i32
    %scan3A_134 = scf.for %scan3A_166 = %scan3A_130 to %scan3A_132 step %scan3A_133 iter_args(%scan3A_167 = %scan3A_129) -> (i32)  : i32 {
      %mul3A_168 = arith.constant 16 : i32
      %mul3A_169 = arith.muli %scan3A_166, %mul3A_168 : i32
      %swap3A = arith.index_cast %mul3A_169 : i32 to index
      %swap3A_170 = tpu.vector_load %arg11[%swap3A] {strides = array<i32>} : memref<2048xi32, #tpu.memory_space<vmem>>, vector<16xi32>,
      tpu.vector_store %arg11[%swap3A], %broadcast_in_dim3A_3 {strides = array<i32>} : memref<2048xi32, #tpu.memory_space<vmem>>, vector<16xi32>,
      %swap3A_171 = arith.index_cast %mul3A_169 : i32 to index
      %swap3A_172 = tpu.vector_load %arg12[%swap3A_171] {strides = array<i32>} : memref<2048xi32, #tpu.memory_space<vmem>>, vector<16xi32>,
      tpu.vector_store %arg12[%swap3A_171], %broadcast_in_dim3A_3 {strides = array<i32>} : memref<2048xi32, #tpu.memory_space<vmem>>, vector<16xi32>,
      %scan3A_173 = arith.constant 0 : i32
      scf.yield %scan3A_173 : i32
    }
    %scan3A_135 = arith.constant 128 : i32
    %scan3A_136 = arith.constant 0 : i32
    %scan3A_137 = arith.constant 0 : i32
    %scan3A_138 = arith.constant 16 : i32
    %scan3A_139 = arith.addi %scan3A_137, %scan3A_138 : i32
    %scan3A_140 = arith.constant 1 : i32
    %scan3A_141 = scf.for %scan3A_166 = %scan3A_137 to %scan3A_139 step %scan3A_140 iter_args(%scan3A_167 = %scan3A_136) -> (i32)  : i32 {
      "tpu.region"() ({
        %run_scoped3A = tpu.sem_alloc : memref<!tpu.dma_semaphore, #tpu.memory_space<semaphore_mem>>
        %dma_start3A = arith.constant 0 : i32
        %dma_start3A_178 = tpu.memref_slice %arg13[%scan3A_166, %dma_start3A] : memref<16x2048xi32, #tpu.memory_space<vmem_shared>> -> memref<1x2048xi32, #tpu.memory_space<vmem_shared>>
        %dma_start3A_179 = tpu.memref_squeeze %dma_start3A_178 : memref<1x2048xi32, #tpu.memory_space<vmem_shared>> -> memref<2048xi32, #tpu.memory_space<vmem_shared>>
        %dma_start3A_180 = arith.constant 0 : i32
        %dma_start3A_181 = tpu.memref_slice %arg13[%scan3A_166, %dma_start3A_180] : memref<16x2048xi32, #tpu.memory_space<vmem_shared>> -> memref<1x2048xi32, #tpu.memory_space<vmem_shared>>
        %dma_start3A_182 = tpu.memref_squeeze %dma_start3A_181 : memref<1x2048xi32, #tpu.memory_space<vmem_shared>> -> memref<2048xi32, #tpu.memory_space<vmem_shared>>
        tpu.enqueue_dma source(%dma_start3A_182 : memref<2048xi32, #tpu.memory_space<vmem_shared>>) target(%arg8 : memref<2048xi32, #tpu.memory_space<vmem>>) target_semaphore(%run_scoped3A : memref<!tpu.dma_semaphore, #tpu.memory_space<semaphore_mem>>)
        %dma_wait3A = arith.constant 0 : i32
        %dma_wait3A_183 = tpu.memref_slice %arg13[%scan3A_166, %dma_wait3A] : memref<16x2048xi32, #tpu.memory_space<vmem_shared>> -> memref<1x2048xi32, #tpu.memory_space<vmem_shared>>
        %dma_wait3A_184 = tpu.memref_squeeze %dma_wait3A_183 : memref<1x2048xi32, #tpu.memory_space<vmem_shared>> -> memref<2048xi32, #tpu.memory_space<vmem_shared>>
        %dma_wait3A_185 = arith.constant 0 : i32
        %dma_wait3A_186 = tpu.memref_slice %arg13[%scan3A_166, %dma_wait3A_185] : memref<16x2048xi32, #tpu.memory_space<vmem_shared>> -> memref<1x2048xi32, #tpu.memory_space<vmem_shared>>
        %dma_wait3A_187 = tpu.memref_squeeze %dma_wait3A_186 : memref<1x2048xi32, #tpu.memory_space<vmem_shared>> -> memref<2048xi32, #tpu.memory_space<vmem_shared>>
        tpu.wait_dma2 semaphore(%run_scoped3A : memref<!tpu.dma_semaphore, #tpu.memory_space<semaphore_mem>>) src(%dma_wait3A_187 : memref<2048xi32, #tpu.memory_space<vmem_shared>>) dst(%arg8 : memref<2048xi32, #tpu.memory_space<vmem>>)
        tpu.yield
      }) : () -> ()
      %lt3A_168 = arith.cmpi slt, %scan3A_166, %arg1 : i32
      %convert_element_type3A_169 = arith.extui %lt3A_168 : i1 to i32
      %scan3A_170 = arith.constant 0 : i32
      %scan3A_171 = arith.constant 0 : i32
      %scan3A_172 = arith.constant 128 : i32
      %scan3A_173 = arith.addi %scan3A_171, %scan3A_172 : i32
      %scan3A_174 = arith.constant 1 : i32
      %scan3A_175 = scf.for %scan3A_178 = %scan3A_171 to %scan3A_173 step %scan3A_174 iter_args(%scan3A_179 = %scan3A_170) -> (i32)  : i32 {
        %mul3A_180 = arith.constant 16 : i32
        %mul3A_181 = arith.muli %scan3A_178, %mul3A_180 : i32
        %get3A = arith.index_cast %mul3A_181 : i32 to index
        %get3A_182 = tpu.vector_load %arg8[%get3A] {strides = array<i32>} : memref<2048xi32, #tpu.memory_space<vmem>>, vector<16xi32>,
        %get3A_183 = arith.index_cast %mul3A_181 : i32 to index
        %get3A_184 = tpu.vector_load %arg11[%get3A_183] {strides = array<i32>} : memref<2048xi32, #tpu.memory_space<vmem>>, vector<16xi32>,
        %add3A = arith.addi %get3A_184, %get3A_182 : vector<16xi32>
        %swap3A = arith.index_cast %mul3A_181 : i32 to index
        %swap3A_185 = tpu.vector_load %arg11[%swap3A] {strides = array<i32>} : memref<2048xi32, #tpu.memory_space<vmem>>, vector<16xi32>,
        tpu.vector_store %arg11[%swap3A], %add3A {strides = array<i32>} : memref<2048xi32, #tpu.memory_space<vmem>>, vector<16xi32>,
        %get3A_186 = arith.index_cast %mul3A_181 : i32 to index
        %get3A_187 = tpu.vector_load %arg12[%get3A_186] {strides = array<i32>} : memref<2048xi32, #tpu.memory_space<vmem>>, vector<16xi32>,
        %mul3A_188 = vector.broadcast %convert_element_type3A_169 : i32 to vector<16xi32>
        %mul3A_189 = arith.muli %get3A_182, %mul3A_188 : vector<16xi32>
        %add3A_190 = arith.addi %get3A_187, %mul3A_189 : vector<16xi32>
        %swap3A_191 = arith.index_cast %mul3A_181 : i32 to index
        %swap3A_192 = tpu.vector_load %arg12[%swap3A_191] {strides = array<i32>} : memref<2048xi32, #tpu.memory_space<vmem>>, vector<16xi32>,
        tpu.vector_store %arg12[%swap3A_191], %add3A_190 {strides = array<i32>} : memref<2048xi32, #tpu.memory_space<vmem>>, vector<16xi32>,
        %scan3A_193 = arith.constant 0 : i32
        scf.yield %scan3A_193 : i32
      }
      %scan3A_176 = arith.constant 128 : i32
      %scan3A_177 = arith.constant 0 : i32
      scf.yield %scan3A_177 : i32
    }
    %scan3A_142 = arith.constant 16 : i32
    %scan3A_143 = arith.constant 0 : i32
    %scan3A_144 = arith.constant 0 : i32
    %scan3A_145 = arith.constant 128 : i32
    %scan3A_146 = arith.addi %scan3A_144, %scan3A_145 : i32
    %scan3A_147 = arith.constant 1 : i32
    %scan3A_148 = scf.for %scan3A_166 = %scan3A_144 to %scan3A_146 step %scan3A_147 iter_args(%scan3A_167 = %scan3A_143) -> (i32)  : i32 {
      %mul3A_168 = arith.constant 16 : i32
      %mul3A_169 = arith.muli %scan3A_166, %mul3A_168 : i32
      %get3A = arith.index_cast %mul3A_169 : i32 to index
      %get3A_170 = tpu.vector_load %arg11[%get3A] {strides = array<i32>} : memref<2048xi32, #tpu.memory_space<vmem>>, vector<16xi32>,
      %broadcast_in_dim3A_171 = arith.constant true
      %broadcast_in_dim3A_172 = vector.broadcast %broadcast_in_dim3A_171 : i1 to vector<16xi1>
      %masked_cumsum3A = tpu.scan <sum>, %get3A_170 masked %broadcast_in_dim3A_172 : vector<16xi32>, vector<16xi1> -> vector<16xi32>
      %sub3A = arith.subi %masked_cumsum3A, %get3A_170 : vector<16xi32>
      %add3A = vector.broadcast %scan3A_167 : i32 to vector<16xi32>
      %add3A_173 = arith.addi %sub3A, %add3A : vector<16xi32>
      %get3A_174 = arith.index_cast %mul3A_169 : i32 to index
      %get3A_175 = tpu.vector_load %arg12[%get3A_174] {strides = array<i32>} : memref<2048xi32, #tpu.memory_space<vmem>>, vector<16xi32>,
      %add3A_176 = arith.addi %add3A_173, %get3A_175 : vector<16xi32>
      %swap3A = arith.index_cast %mul3A_169 : i32 to index
      %swap3A_177 = tpu.vector_load %arg10[%swap3A] {strides = array<i32>} : memref<2048xi32, #tpu.memory_space<vmem>>, vector<16xi32>,
      tpu.vector_store %arg10[%swap3A], %add3A_176 {strides = array<i32>} : memref<2048xi32, #tpu.memory_space<vmem>>, vector<16xi32>,
      %reduce_max3A = arith.constant true
      %reduce_max3A_178 = vector.broadcast %reduce_max3A : i1 to vector<16xi1>
      %reduce_max3A_179 = arith.constant -2147483648 : i32
      %reduce_max3A_180 = vector.broadcast %reduce_max3A_179 : i32 to vector<16xi32>
      %reduce_max3A_181 = arith.xori %masked_cumsum3A, %reduce_max3A_180 : vector<16xi32>
      %reduce_max3A_182 = tpu.scan <max>, %reduce_max3A_181 masked %reduce_max3A_178 : vector<16xi32>, vector<16xi1> -> vector<16xi32>
      %reduce_max3A_183 = arith.xori %reduce_max3A_182, %reduce_max3A_180 : vector<16xi32>
      %reduce_max3A_184 = vector.extract %reduce_max3A_183[15] : i32 from vector<16xi32>
      %add3A_185 = arith.addi %scan3A_167, %reduce_max3A_184 : i32
      scf.yield %add3A_185 : i32
    }
    %scan3A_149 = arith.constant 128 : i32
    %scan3A_150 = arith.constant 22 : i32
    %scan3A_151 = arith.constant 0 : i32
    %scan3A_152 = arith.constant 0 : i32
    %scan3A_153 = arith.constant 489 : i32
    %scan3A_154 = arith.addi %scan3A_152, %scan3A_153 : i32
    %scan3A_155 = arith.constant 1 : i32
    %scan3A_156 = scf.for %scan3A_166 = %scan3A_152 to %scan3A_154 step %scan3A_155 iter_args(%scan3A_167 = %scan3A_151) -> (i32)  : i32 {
      %rem3A = arith.constant 16 : i32
      %rem3A_168 = arith.remsi %scan3A_166, %rem3A : i32
      %ge3A = arith.constant 16 : i32
      %ge3A_169 = arith.cmpi sge, %scan3A_166, %ge3A : i32
      %convert_element_type3A_170 = arith.extui %ge3A_169 : i1 to i32
      %cond3A_171 = arith.constant 0 : i32
      %cond3A_172 = arith.cmpi ne, %convert_element_type3A_170, %cond3A_171 : i32
      scf.if %cond3A_172 {
        %dma_wait3A = arith.constant 0 : i32
        %dma_wait3A_683 = tpu.memref_slice %arg6[%dma_wait3A] : memref<62592xf32, #tpu.memory_space<vmem>> -> memref<128xf32, #tpu.memory_space<vmem>>
        %dma_wait3A_684 = arith.constant 0 : i32
        %dma_wait3A_685 = tpu.memref_slice %arg7[%rem3A_168, %dma_wait3A_684] : memref<16x128xi32, #tpu.memory_space<vmem>> -> memref<1x128xi32, #tpu.memory_space<vmem>>
        %dma_wait3A_686 = tpu.memref_squeeze %dma_wait3A_685 : memref<1x128xi32, #tpu.memory_space<vmem>> -> memref<128xi32, #tpu.memory_space<vmem>>
        %dma_wait3A_687 = arith.constant 0 : i32
        %dma_wait3A_688 = tpu.memref_slice %arg3[%dma_wait3A_687] : memref<1000001xf32, #tpu.memory_space<hbm>> -> memref<1000001xf32, #tpu.memory_space<hbm>>
        tpu.wait_indirect_dma semaphore(%arg14 : memref<!tpu.dma_semaphore, #tpu.memory_space<semaphore_mem>>) src(%dma_wait3A_683 : memref<128xf32, #tpu.memory_space<vmem>>) dst(%dma_wait3A_688 : memref<1000001xf32, #tpu.memory_space<hbm>>)
      } else {
      }
      %mul3A_173 = arith.constant 128 : i32
      %mul3A_174 = arith.muli %scan3A_166, %mul3A_173 : i32
      %add3A = arith.constant 0 : i32
      %add3A_175 = arith.addi %mul3A_174, %add3A : i32
      %get3A = arith.index_cast %add3A_175 : i32 to index
      %get3A_176 = tpu.vector_load %arg6[%get3A] {strides = array<i32>} : memref<62592xf32, #tpu.memory_space<vmem>>, vector<16xf32>,
      %bitcast3A = vector.bitcast %get3A_176 : vector<16xf32> to vector<16xi32>
      %shift_right_logical3A = vector.broadcast %scan3A_150 : i32 to vector<16xi32>
      %shift_right_logical3A_177 = arith.shrui %bitcast3A, %shift_right_logical3A : vector<16xi32>
      %and3A = arith.constant 2047 : i32
      %and3A_178 = vector.broadcast %and3A : i32 to vector<16xi32>
      %and3A_179 = arith.andi %shift_right_logical3A_177, %and3A_178 : vector<16xi32>
      %broadcast_in_dim3A_180 = arith.constant true
      %broadcast_in_dim3A_181 = vector.broadcast %broadcast_in_dim3A_180 : i1 to vector<16xi1>
      %unique3A, %unique3A_182 = tpu.scan_count mask(%broadcast_in_dim3A_181 : vector<16xi1>) value(%and3A_179 : vector<16xi32>) : vector<16xi1>, vector<16xi32>
      %gather3A = tpu.vector_load_idx %arg10[%and3A_179] : memref<2048xi32, #tpu.memory_space<vmem>>[vector<16xi32>], vector<16xi32>,
      %add3A_183 = arith.addi %gather3A, %unique3A_182 : vector<16xi32>
      %sub3A = arith.constant 1 : i32
      %sub3A_184 = vector.broadcast %sub3A : i32 to vector<16xi32>
      %sub3A_185 = arith.subi %add3A_183, %sub3A_184 : vector<16xi32>
      tpu.vector_store_idx %arg10[%and3A_179], %broadcast_in_dim3A_1 {add = true} : memref<2048xi32, #tpu.memory_space<vmem>>[vector<16xi32>], vector<16xi32>,
      %min3A = arith.constant 1000000 : i32
      %min3A_186 = vector.broadcast %min3A : i32 to vector<16xi32>
      %min3A_187 = arith.minsi %sub3A_185, %min3A_186 : vector<16xi32>
      %shift_right_logical3A_188 = arith.constant 31 : i32
      %shift_right_logical3A_189 = vector.broadcast %shift_right_logical3A_188 : i32 to vector<16xi32>
      %shift_right_logical3A_190 = arith.shrui %bitcast3A, %shift_right_logical3A_189 : vector<16xi32>
      %gt3A = arith.constant 0 : i32
      %gt3A_191 = vector.broadcast %gt3A : i32 to vector<16xi32>
      %gt3A_192 = arith.cmpi ugt, %shift_right_logical3A_190, %gt3A_191 : vector<16xi32>
      %xor3A = arith.constant -2147483648 : i32
      %xor3A_193 = vector.broadcast %xor3A : i32 to vector<16xi32>
      %xor3A_194 = arith.xori %bitcast3A, %xor3A_193 : vector<16xi32>
      %not3A = arith.constant dense<-1> : vector<16xi32>
      %not3A_195 = arith.xori %bitcast3A, %not3A : vector<16xi32>
      %select_n3A = arith.select %gt3A_192, %xor3A_194, %not3A_195 : vector<16xi1>, vector<16xi32>
      %bitcast3A_196 = vector.bitcast %select_n3A : vector<16xi32> to vector<16xf32>
      %neg3A = arith.constant 0.000000e+00 : f32
      %neg3A_197 = vector.broadcast %neg3A : f32 to vector<16xf32>
      %neg3A_198 = arith.subf %neg3A_197, %bitcast3A_196 : vector<16xf32>
      %exp3A = math.exp %neg3A_198 : vector<16xf32>
      %add3A_199 = arith.constant 1.000000e+00 : f32
      %add3A_200 = vector.broadcast %add3A_199 : f32 to vector<16xf32>
      %add3A_201 = arith.addf %add3A_200, %exp3A : vector<16xf32>
      %div3A = arith.constant 2.000000e+01 : f32
      %div3A_202 = vector.broadcast %div3A : f32 to vector<16xf32>
      %div3A_203 = arith.divf %div3A_202, %add3A_201 : vector<16xf32>
      %add3A_204 = arith.constant -1.000000e+01 : f32
      %add3A_205 = vector.broadcast %add3A_204 : f32 to vector<16xf32>
      %add3A_206 = arith.addf %add3A_205, %div3A_203 : vector<16xf32>
      %eq3A_207 = arith.constant 0 : i32
      %eq3A_208 = vector.broadcast %eq3A_207 : i32 to vector<16xi32>
      %eq3A_209 = arith.cmpi eq, %min3A_187, %eq3A_208 : vector<16xi32>
      %jit3A = arith.constant -1.000000e+01 : f32
      %broadcast_in_dim3A_210 = vector.broadcast %jit3A : f32 to vector<16xf32>
      %select_n3A_211 = arith.select %eq3A_209, %broadcast_in_dim3A_210, %add3A_206 : vector<16xi1>, vector<16xf32>
      %eq3A_212 = arith.constant 1000000 : i32
      %eq3A_213 = vector.broadcast %eq3A_212 : i32 to vector<16xi32>
      %eq3A_214 = arith.cmpi eq, %min3A_187, %eq3A_213 : vector<16xi32>
      %jit3A_215 = arith.constant 1.000000e+01 : f32
      %broadcast_in_dim3A_216 = vector.broadcast %jit3A_215 : f32 to vector<16xf32>
      %select_n3A_217 = arith.select %eq3A_214, %broadcast_in_dim3A_216, %select_n3A_211 : vector<16xi1>, vector<16xf32>
      %swap3A = arith.index_cast %add3A_175 : i32 to index
      %swap3A_218 = tpu.vector_load %arg6[%swap3A] {strides = array<i32>} : memref<62592xf32, #tpu.memory_space<vmem>>, vector<16xf32>,
      tpu.vector_store %arg6[%swap3A], %select_n3A_217 {strides = array<i32>} : memref<62592xf32, #tpu.memory_space<vmem>>, vector<16xf32>,
      %swap3A_219 = arith.index_cast %rem3A_168 : i32 to index
      %swap3A_220 = arith.constant 0 : index
      %swap3A_221 = tpu.vector_load %arg7[%swap3A_219, %swap3A_220] {strides = array<i32>} : memref<16x128xi32, #tpu.memory_space<vmem>>, vector<16xi32>,
      tpu.vector_store %arg7[%swap3A_219, %swap3A_220], %min3A_187 {strides = array<i32>} : memref<16x128xi32, #tpu.memory_space<vmem>>, vector<16xi32>,
      %add3A_222 = arith.constant 16 : i32
      %add3A_223 = arith.addi %mul3A_174, %add3A_222 : i32
      %get3A_224 = arith.index_cast %add3A_223 : i32 to index
      %get3A_225 = tpu.vector_load %arg6[%get3A_224] {strides = array<i32>} : memref<62592xf32, #tpu.memory_space<vmem>>, vector<16xf32>,
      %bitcast3A_226 = vector.bitcast %get3A_225 : vector<16xf32> to vector<16xi32>
      %shift_right_logical3A_227 = vector.broadcast %scan3A_150 : i32 to vector<16xi32>
      %shift_right_logical3A_228 = arith.shrui %bitcast3A_226, %shift_right_logical3A_227 : vector<16xi32>
      %and3A_229 = arith.constant 2047 : i32
      %and3A_230 = vector.broadcast %and3A_229 : i32 to vector<16xi32>
      %and3A_231 = arith.andi %shift_right_logical3A_228, %and3A_230 : vector<16xi32>
      %broadcast_in_dim3A_232 = arith.constant true
      %broadcast_in_dim3A_233 = vector.broadcast %broadcast_in_dim3A_232 : i1 to vector<16xi1>
      %unique3A_234, %unique3A_235 = tpu.scan_count mask(%broadcast_in_dim3A_233 : vector<16xi1>) value(%and3A_231 : vector<16xi32>) : vector<16xi1>, vector<16xi32>
      %gather3A_236 = tpu.vector_load_idx %arg10[%and3A_231] : memref<2048xi32, #tpu.memory_space<vmem>>[vector<16xi32>], vector<16xi32>,
      %add3A_237 = arith.addi %gather3A_236, %unique3A_235 : vector<16xi32>
      %sub3A_238 = arith.constant 1 : i32
      %sub3A_239 = vector.broadcast %sub3A_238 : i32 to vector<16xi32>
      %sub3A_240 = arith.subi %add3A_237, %sub3A_239 : vector<16xi32>
      tpu.vector_store_idx %arg10[%and3A_231], %broadcast_in_dim3A_1 {add = true} : memref<2048xi32, #tpu.memory_space<vmem>>[vector<16xi32>], vector<16xi32>,
      %min3A_241 = arith.constant 1000000 : i32
      %min3A_242 = vector.broadcast %min3A_241 : i32 to vector<16xi32>
      %min3A_243 = arith.minsi %sub3A_240, %min3A_242 : vector<16xi32>
      %shift_right_logical3A_244 = arith.constant 31 : i32
      %shift_right_logical3A_245 = vector.broadcast %shift_right_logical3A_244 : i32 to vector<16xi32>
      %shift_right_logical3A_246 = arith.shrui %bitcast3A_226, %shift_right_logical3A_245 : vector<16xi32>
      %gt3A_247 = arith.constant 0 : i32
      %gt3A_248 = vector.broadcast %gt3A_247 : i32 to vector<16xi32>
      %gt3A_249 = arith.cmpi ugt, %shift_right_logical3A_246, %gt3A_248 : vector<16xi32>
      %xor3A_250 = arith.constant -2147483648 : i32
      %xor3A_251 = vector.broadcast %xor3A_250 : i32 to vector<16xi32>
      %xor3A_252 = arith.xori %bitcast3A_226, %xor3A_251 : vector<16xi32>
      %not3A_253 = arith.constant dense<-1> : vector<16xi32>
      %not3A_254 = arith.xori %bitcast3A_226, %not3A_253 : vector<16xi32>
      %select_n3A_255 = arith.select %gt3A_249, %xor3A_252, %not3A_254 : vector<16xi1>, vector<16xi32>
      %bitcast3A_256 = vector.bitcast %select_n3A_255 : vector<16xi32> to vector<16xf32>
      %neg3A_257 = arith.constant 0.000000e+00 : f32
      %neg3A_258 = vector.broadcast %neg3A_257 : f32 to vector<16xf32>
      %neg3A_259 = arith.subf %neg3A_258, %bitcast3A_256 : vector<16xf32>
      %exp3A_260 = math.exp %neg3A_259 : vector<16xf32>
      %add3A_261 = arith.constant 1.000000e+00 : f32
      %add3A_262 = vector.broadcast %add3A_261 : f32 to vector<16xf32>
      %add3A_263 = arith.addf %add3A_262, %exp3A_260 : vector<16xf32>
      %div3A_264 = arith.constant 2.000000e+01 : f32
      %div3A_265 = vector.broadcast %div3A_264 : f32 to vector<16xf32>
      %div3A_266 = arith.divf %div3A_265, %add3A_263 : vector<16xf32>
      %add3A_267 = arith.constant -1.000000e+01 : f32
      %add3A_268 = vector.broadcast %add3A_267 : f32 to vector<16xf32>
      %add3A_269 = arith.addf %add3A_268, %div3A_266 : vector<16xf32>
      %eq3A_270 = arith.constant 0 : i32
      %eq3A_271 = vector.broadcast %eq3A_270 : i32 to vector<16xi32>
      %eq3A_272 = arith.cmpi eq, %min3A_243, %eq3A_271 : vector<16xi32>
      %jit3A_273 = arith.constant -1.000000e+01 : f32
      %broadcast_in_dim3A_274 = vector.broadcast %jit3A_273 : f32 to vector<16xf32>
      %select_n3A_275 = arith.select %eq3A_272, %broadcast_in_dim3A_274, %add3A_269 : vector<16xi1>, vector<16xf32>
      %eq3A_276 = arith.constant 1000000 : i32
      %eq3A_277 = vector.broadcast %eq3A_276 : i32 to vector<16xi32>
      %eq3A_278 = arith.cmpi eq, %min3A_243, %eq3A_277 : vector<16xi32>
      %jit3A_279 = arith.constant 1.000000e+01 : f32
      %broadcast_in_dim3A_280 = vector.broadcast %jit3A_279 : f32 to vector<16xf32>
      %select_n3A_281 = arith.select %eq3A_278, %broadcast_in_dim3A_280, %select_n3A_275 : vector<16xi1>, vector<16xf32>
      %swap3A_282 = arith.index_cast %add3A_223 : i32 to index
      %swap3A_283 = tpu.vector_load %arg6[%swap3A_282] {strides = array<i32>} : memref<62592xf32, #tpu.memory_space<vmem>>, vector<16xf32>,
      tpu.vector_store %arg6[%swap3A_282], %select_n3A_281 {strides = array<i32>} : memref<62592xf32, #tpu.memory_space<vmem>>, vector<16xf32>,
      %swap3A_284 = arith.index_cast %rem3A_168 : i32 to index
      %swap3A_285 = arith.constant 16 : index
      %swap3A_286 = tpu.vector_load %arg7[%swap3A_284, %swap3A_285] {strides = array<i32>} : memref<16x128xi32, #tpu.memory_space<vmem>>, vector<16xi32>,
      tpu.vector_store %arg7[%swap3A_284, %swap3A_285], %min3A_243 {strides = array<i32>} : memref<16x128xi32, #tpu.memory_space<vmem>>, vector<16xi32>,
      %add3A_287 = arith.constant 32 : i32
      %add3A_288 = arith.addi %mul3A_174, %add3A_287 : i32
      %get3A_289 = arith.index_cast %add3A_288 : i32 to index
      %get3A_290 = tpu.vector_load %arg6[%get3A_289] {strides = array<i32>} : memref<62592xf32, #tpu.memory_space<vmem>>, vector<16xf32>,
      %bitcast3A_291 = vector.bitcast %get3A_290 : vector<16xf32> to vector<16xi32>
      %shift_right_logical3A_292 = vector.broadcast %scan3A_150 : i32 to vector<16xi32>
      %shift_right_logical3A_293 = arith.shrui %bitcast3A_291, %shift_right_logical3A_292 : vector<16xi32>
      %and3A_294 = arith.constant 2047 : i32
      %and3A_295 = vector.broadcast %and3A_294 : i32 to vector<16xi32>
      %and3A_296 = arith.andi %shift_right_logical3A_293, %and3A_295 : vector<16xi32>
      %broadcast_in_dim3A_297 = arith.constant true
      %broadcast_in_dim3A_298 = vector.broadcast %broadcast_in_dim3A_297 : i1 to vector<16xi1>
      %unique3A_299, %unique3A_300 = tpu.scan_count mask(%broadcast_in_dim3A_298 : vector<16xi1>) value(%and3A_296 : vector<16xi32>) : vector<16xi1>, vector<16xi32>
      %gather3A_301 = tpu.vector_load_idx %arg10[%and3A_296] : memref<2048xi32, #tpu.memory_space<vmem>>[vector<16xi32>], vector<16xi32>,
      %add3A_302 = arith.addi %gather3A_301, %unique3A_300 : vector<16xi32>
      %sub3A_303 = arith.constant 1 : i32
      %sub3A_304 = vector.broadcast %sub3A_303 : i32 to vector<16xi32>
      %sub3A_305 = arith.subi %add3A_302, %sub3A_304 : vector<16xi32>
      tpu.vector_store_idx %arg10[%and3A_296], %broadcast_in_dim3A_1 {add = true} : memref<2048xi32, #tpu.memory_space<vmem>>[vector<16xi32>], vector<16xi32>,
      %min3A_306 = arith.constant 1000000 : i32
      %min3A_307 = vector.broadcast %min3A_306 : i32 to vector<16xi32>
      %min3A_308 = arith.minsi %sub3A_305, %min3A_307 : vector<16xi32>
      %shift_right_logical3A_309 = arith.constant 31 : i32
      %shift_right_logical3A_310 = vector.broadcast %shift_right_logical3A_309 : i32 to vector<16xi32>
      %shift_right_logical3A_311 = arith.shrui %bitcast3A_291, %shift_right_logical3A_310 : vector<16xi32>
      %gt3A_312 = arith.constant 0 : i32
      %gt3A_313 = vector.broadcast %gt3A_312 : i32 to vector<16xi32>
      %gt3A_314 = arith.cmpi ugt, %shift_right_logical3A_311, %gt3A_313 : vector<16xi32>
      %xor3A_315 = arith.constant -2147483648 : i32
      %xor3A_316 = vector.broadcast %xor3A_315 : i32 to vector<16xi32>
      %xor3A_317 = arith.xori %bitcast3A_291, %xor3A_316 : vector<16xi32>
      %not3A_318 = arith.constant dense<-1> : vector<16xi32>
      %not3A_319 = arith.xori %bitcast3A_291, %not3A_318 : vector<16xi32>
      %select_n3A_320 = arith.select %gt3A_314, %xor3A_317, %not3A_319 : vector<16xi1>, vector<16xi32>
      %bitcast3A_321 = vector.bitcast %select_n3A_320 : vector<16xi32> to vector<16xf32>
      %neg3A_322 = arith.constant 0.000000e+00 : f32
      %neg3A_323 = vector.broadcast %neg3A_322 : f32 to vector<16xf32>
      %neg3A_324 = arith.subf %neg3A_323, %bitcast3A_321 : vector<16xf32>
      %exp3A_325 = math.exp %neg3A_324 : vector<16xf32>
      %add3A_326 = arith.constant 1.000000e+00 : f32
      %add3A_327 = vector.broadcast %add3A_326 : f32 to vector<16xf32>
      %add3A_328 = arith.addf %add3A_327, %exp3A_325 : vector<16xf32>
      %div3A_329 = arith.constant 2.000000e+01 : f32
      %div3A_330 = vector.broadcast %div3A_329 : f32 to vector<16xf32>
      %div3A_331 = arith.divf %div3A_330, %add3A_328 : vector<16xf32>
      %add3A_332 = arith.constant -1.000000e+01 : f32
      %add3A_333 = vector.broadcast %add3A_332 : f32 to vector<16xf32>
      %add3A_334 = arith.addf %add3A_333, %div3A_331 : vector<16xf32>
      %eq3A_335 = arith.constant 0 : i32
      %eq3A_336 = vector.broadcast %eq3A_335 : i32 to vector<16xi32>
      %eq3A_337 = arith.cmpi eq, %min3A_308, %eq3A_336 : vector<16xi32>
      %jit3A_338 = arith.constant -1.000000e+01 : f32
      %broadcast_in_dim3A_339 = vector.broadcast %jit3A_338 : f32 to vector<16xf32>
      %select_n3A_340 = arith.select %eq3A_337, %broadcast_in_dim3A_339, %add3A_334 : vector<16xi1>, vector<16xf32>
      %eq3A_341 = arith.constant 1000000 : i32
      %eq3A_342 = vector.broadcast %eq3A_341 : i32 to vector<16xi32>
      %eq3A_343 = arith.cmpi eq, %min3A_308, %eq3A_342 : vector<16xi32>
      %jit3A_344 = arith.constant 1.000000e+01 : f32
      %broadcast_in_dim3A_345 = vector.broadcast %jit3A_344 : f32 to vector<16xf32>
      %select_n3A_346 = arith.select %eq3A_343, %broadcast_in_dim3A_345, %select_n3A_340 : vector<16xi1>, vector<16xf32>
      %swap3A_347 = arith.index_cast %add3A_288 : i32 to index
      %swap3A_348 = tpu.vector_load %arg6[%swap3A_347] {strides = array<i32>} : memref<62592xf32, #tpu.memory_space<vmem>>, vector<16xf32>,
      tpu.vector_store %arg6[%swap3A_347], %select_n3A_346 {strides = array<i32>} : memref<62592xf32, #tpu.memory_space<vmem>>, vector<16xf32>,
      %swap3A_349 = arith.index_cast %rem3A_168 : i32 to index
      %swap3A_350 = arith.constant 32 : index
      %swap3A_351 = tpu.vector_load %arg7[%swap3A_349, %swap3A_350] {strides = array<i32>} : memref<16x128xi32, #tpu.memory_space<vmem>>, vector<16xi32>,
      tpu.vector_store %arg7[%swap3A_349, %swap3A_350], %min3A_308 {strides = array<i32>} : memref<16x128xi32, #tpu.memory_space<vmem>>, vector<16xi32>,
      %add3A_352 = arith.constant 48 : i32
      %add3A_353 = arith.addi %mul3A_174, %add3A_352 : i32
      %get3A_354 = arith.index_cast %add3A_353 : i32 to index
      %get3A_355 = tpu.vector_load %arg6[%get3A_354] {strides = array<i32>} : memref<62592xf32, #tpu.memory_space<vmem>>, vector<16xf32>,
      %bitcast3A_356 = vector.bitcast %get3A_355 : vector<16xf32> to vector<16xi32>
      %shift_right_logical3A_357 = vector.broadcast %scan3A_150 : i32 to vector<16xi32>
      %shift_right_logical3A_358 = arith.shrui %bitcast3A_356, %shift_right_logical3A_357 : vector<16xi32>
      %and3A_359 = arith.constant 2047 : i32
      %and3A_360 = vector.broadcast %and3A_359 : i32 to vector<16xi32>
      %and3A_361 = arith.andi %shift_right_logical3A_358, %and3A_360 : vector<16xi32>
      %broadcast_in_dim3A_362 = arith.constant true
      %broadcast_in_dim3A_363 = vector.broadcast %broadcast_in_dim3A_362 : i1 to vector<16xi1>
      %unique3A_364, %unique3A_365 = tpu.scan_count mask(%broadcast_in_dim3A_363 : vector<16xi1>) value(%and3A_361 : vector<16xi32>) : vector<16xi1>, vector<16xi32>
      %gather3A_366 = tpu.vector_load_idx %arg10[%and3A_361] : memref<2048xi32, #tpu.memory_space<vmem>>[vector<16xi32>], vector<16xi32>,
      %add3A_367 = arith.addi %gather3A_366, %unique3A_365 : vector<16xi32>
      %sub3A_368 = arith.constant 1 : i32
      %sub3A_369 = vector.broadcast %sub3A_368 : i32 to vector<16xi32>
      %sub3A_370 = arith.subi %add3A_367, %sub3A_369 : vector<16xi32>
      tpu.vector_store_idx %arg10[%and3A_361], %broadcast_in_dim3A_1 {add = true} : memref<2048xi32, #tpu.memory_space<vmem>>[vector<16xi32>], vector<16xi32>,
      %min3A_371 = arith.constant 1000000 : i32
      %min3A_372 = vector.broadcast %min3A_371 : i32 to vector<16xi32>
      %min3A_373 = arith.minsi %sub3A_370, %min3A_372 : vector<16xi32>
      %shift_right_logical3A_374 = arith.constant 31 : i32
      %shift_right_logical3A_375 = vector.broadcast %shift_right_logical3A_374 : i32 to vector<16xi32>
      %shift_right_logical3A_376 = arith.shrui %bitcast3A_356, %shift_right_logical3A_375 : vector<16xi32>
      %gt3A_377 = arith.constant 0 : i32
      %gt3A_378 = vector.broadcast %gt3A_377 : i32 to vector<16xi32>
      %gt3A_379 = arith.cmpi ugt, %shift_right_logical3A_376, %gt3A_378 : vector<16xi32>
      %xor3A_380 = arith.constant -2147483648 : i32
      %xor3A_381 = vector.broadcast %xor3A_380 : i32 to vector<16xi32>
      %xor3A_382 = arith.xori %bitcast3A_356, %xor3A_381 : vector<16xi32>
      %not3A_383 = arith.constant dense<-1> : vector<16xi32>
      %not3A_384 = arith.xori %bitcast3A_356, %not3A_383 : vector<16xi32>
      %select_n3A_385 = arith.select %gt3A_379, %xor3A_382, %not3A_384 : vector<16xi1>, vector<16xi32>
      %bitcast3A_386 = vector.bitcast %select_n3A_385 : vector<16xi32> to vector<16xf32>
      %neg3A_387 = arith.constant 0.000000e+00 : f32
      %neg3A_388 = vector.broadcast %neg3A_387 : f32 to vector<16xf32>
      %neg3A_389 = arith.subf %neg3A_388, %bitcast3A_386 : vector<16xf32>
      %exp3A_390 = math.exp %neg3A_389 : vector<16xf32>
      %add3A_391 = arith.constant 1.000000e+00 : f32
      %add3A_392 = vector.broadcast %add3A_391 : f32 to vector<16xf32>
      %add3A_393 = arith.addf %add3A_392, %exp3A_390 : vector<16xf32>
      %div3A_394 = arith.constant 2.000000e+01 : f32
      %div3A_395 = vector.broadcast %div3A_394 : f32 to vector<16xf32>
      %div3A_396 = arith.divf %div3A_395, %add3A_393 : vector<16xf32>
      %add3A_397 = arith.constant -1.000000e+01 : f32
      %add3A_398 = vector.broadcast %add3A_397 : f32 to vector<16xf32>
      %add3A_399 = arith.addf %add3A_398, %div3A_396 : vector<16xf32>
      %eq3A_400 = arith.constant 0 : i32
      %eq3A_401 = vector.broadcast %eq3A_400 : i32 to vector<16xi32>
      %eq3A_402 = arith.cmpi eq, %min3A_373, %eq3A_401 : vector<16xi32>
      %jit3A_403 = arith.constant -1.000000e+01 : f32
      %broadcast_in_dim3A_404 = vector.broadcast %jit3A_403 : f32 to vector<16xf32>
      %select_n3A_405 = arith.select %eq3A_402, %broadcast_in_dim3A_404, %add3A_399 : vector<16xi1>, vector<16xf32>
      %eq3A_406 = arith.constant 1000000 : i32
      %eq3A_407 = vector.broadcast %eq3A_406 : i32 to vector<16xi32>
      %eq3A_408 = arith.cmpi eq, %min3A_373, %eq3A_407 : vector<16xi32>
      %jit3A_409 = arith.constant 1.000000e+01 : f32
      %broadcast_in_dim3A_410 = vector.broadcast %jit3A_409 : f32 to vector<16xf32>
      %select_n3A_411 = arith.select %eq3A_408, %broadcast_in_dim3A_410, %select_n3A_405 : vector<16xi1>, vector<16xf32>
      %swap3A_412 = arith.index_cast %add3A_353 : i32 to index
      %swap3A_413 = tpu.vector_load %arg6[%swap3A_412] {strides = array<i32>} : memref<62592xf32, #tpu.memory_space<vmem>>, vector<16xf32>,
      tpu.vector_store %arg6[%swap3A_412], %select_n3A_411 {strides = array<i32>} : memref<62592xf32, #tpu.memory_space<vmem>>, vector<16xf32>,
      %swap3A_414 = arith.index_cast %rem3A_168 : i32 to index
      %swap3A_415 = arith.constant 48 : index
      %swap3A_416 = tpu.vector_load %arg7[%swap3A_414, %swap3A_415] {strides = array<i32>} : memref<16x128xi32, #tpu.memory_space<vmem>>, vector<16xi32>,
      tpu.vector_store %arg7[%swap3A_414, %swap3A_415], %min3A_373 {strides = array<i32>} : memref<16x128xi32, #tpu.memory_space<vmem>>, vector<16xi32>,
      %add3A_417 = arith.constant 64 : i32
      %add3A_418 = arith.addi %mul3A_174, %add3A_417 : i32
      %get3A_419 = arith.index_cast %add3A_418 : i32 to index
      %get3A_420 = tpu.vector_load %arg6[%get3A_419] {strides = array<i32>} : memref<62592xf32, #tpu.memory_space<vmem>>, vector<16xf32>,
      %bitcast3A_421 = vector.bitcast %get3A_420 : vector<16xf32> to vector<16xi32>
      %shift_right_logical3A_422 = vector.broadcast %scan3A_150 : i32 to vector<16xi32>
      %shift_right_logical3A_423 = arith.shrui %bitcast3A_421, %shift_right_logical3A_422 : vector<16xi32>
      %and3A_424 = arith.constant 2047 : i32
      %and3A_425 = vector.broadcast %and3A_424 : i32 to vector<16xi32>
      %and3A_426 = arith.andi %shift_right_logical3A_423, %and3A_425 : vector<16xi32>
      %broadcast_in_dim3A_427 = arith.constant true
      %broadcast_in_dim3A_428 = vector.broadcast %broadcast_in_dim3A_427 : i1 to vector<16xi1>
      %unique3A_429, %unique3A_430 = tpu.scan_count mask(%broadcast_in_dim3A_428 : vector<16xi1>) value(%and3A_426 : vector<16xi32>) : vector<16xi1>, vector<16xi32>
      %gather3A_431 = tpu.vector_load_idx %arg10[%and3A_426] : memref<2048xi32, #tpu.memory_space<vmem>>[vector<16xi32>], vector<16xi32>,
      %add3A_432 = arith.addi %gather3A_431, %unique3A_430 : vector<16xi32>
      %sub3A_433 = arith.constant 1 : i32
      %sub3A_434 = vector.broadcast %sub3A_433 : i32 to vector<16xi32>
      %sub3A_435 = arith.subi %add3A_432, %sub3A_434 : vector<16xi32>
      tpu.vector_store_idx %arg10[%and3A_426], %broadcast_in_dim3A_1 {add = true} : memref<2048xi32, #tpu.memory_space<vmem>>[vector<16xi32>], vector<16xi32>,
      %min3A_436 = arith.constant 1000000 : i32
      %min3A_437 = vector.broadcast %min3A_436 : i32 to vector<16xi32>
      %min3A_438 = arith.minsi %sub3A_435, %min3A_437 : vector<16xi32>
      %shift_right_logical3A_439 = arith.constant 31 : i32
      %shift_right_logical3A_440 = vector.broadcast %shift_right_logical3A_439 : i32 to vector<16xi32>
      %shift_right_logical3A_441 = arith.shrui %bitcast3A_421, %shift_right_logical3A_440 : vector<16xi32>
      %gt3A_442 = arith.constant 0 : i32
      %gt3A_443 = vector.broadcast %gt3A_442 : i32 to vector<16xi32>
      %gt3A_444 = arith.cmpi ugt, %shift_right_logical3A_441, %gt3A_443 : vector<16xi32>
      %xor3A_445 = arith.constant -2147483648 : i32
      %xor3A_446 = vector.broadcast %xor3A_445 : i32 to vector<16xi32>
      %xor3A_447 = arith.xori %bitcast3A_421, %xor3A_446 : vector<16xi32>
      %not3A_448 = arith.constant dense<-1> : vector<16xi32>
      %not3A_449 = arith.xori %bitcast3A_421, %not3A_448 : vector<16xi32>
      %select_n3A_450 = arith.select %gt3A_444, %xor3A_447, %not3A_449 : vector<16xi1>, vector<16xi32>
      %bitcast3A_451 = vector.bitcast %select_n3A_450 : vector<16xi32> to vector<16xf32>
      %neg3A_452 = arith.constant 0.000000e+00 : f32
      %neg3A_453 = vector.broadcast %neg3A_452 : f32 to vector<16xf32>
      %neg3A_454 = arith.subf %neg3A_453, %bitcast3A_451 : vector<16xf32>
      %exp3A_455 = math.exp %neg3A_454 : vector<16xf32>
      %add3A_456 = arith.constant 1.000000e+00 : f32
      %add3A_457 = vector.broadcast %add3A_456 : f32 to vector<16xf32>
      %add3A_458 = arith.addf %add3A_457, %exp3A_455 : vector<16xf32>
      %div3A_459 = arith.constant 2.000000e+01 : f32
      %div3A_460 = vector.broadcast %div3A_459 : f32 to vector<16xf32>
      %div3A_461 = arith.divf %div3A_460, %add3A_458 : vector<16xf32>
      %add3A_462 = arith.constant -1.000000e+01 : f32
      %add3A_463 = vector.broadcast %add3A_462 : f32 to vector<16xf32>
      %add3A_464 = arith.addf %add3A_463, %div3A_461 : vector<16xf32>
      %eq3A_465 = arith.constant 0 : i32
      %eq3A_466 = vector.broadcast %eq3A_465 : i32 to vector<16xi32>
      %eq3A_467 = arith.cmpi eq, %min3A_438, %eq3A_466 : vector<16xi32>
      %jit3A_468 = arith.constant -1.000000e+01 : f32
      %broadcast_in_dim3A_469 = vector.broadcast %jit3A_468 : f32 to vector<16xf32>
      %select_n3A_470 = arith.select %eq3A_467, %broadcast_in_dim3A_469, %add3A_464 : vector<16xi1>, vector<16xf32>
      %eq3A_471 = arith.constant 1000000 : i32
      %eq3A_472 = vector.broadcast %eq3A_471 : i32 to vector<16xi32>
      %eq3A_473 = arith.cmpi eq, %min3A_438, %eq3A_472 : vector<16xi32>
      %jit3A_474 = arith.constant 1.000000e+01 : f32
      %broadcast_in_dim3A_475 = vector.broadcast %jit3A_474 : f32 to vector<16xf32>
      %select_n3A_476 = arith.select %eq3A_473, %broadcast_in_dim3A_475, %select_n3A_470 : vector<16xi1>, vector<16xf32>
      %swap3A_477 = arith.index_cast %add3A_418 : i32 to index
      %swap3A_478 = tpu.vector_load %arg6[%swap3A_477] {strides = array<i32>} : memref<62592xf32, #tpu.memory_space<vmem>>, vector<16xf32>,
      tpu.vector_store %arg6[%swap3A_477], %select_n3A_476 {strides = array<i32>} : memref<62592xf32, #tpu.memory_space<vmem>>, vector<16xf32>,
      %swap3A_479 = arith.index_cast %rem3A_168 : i32 to index
      %swap3A_480 = arith.constant 64 : index
      %swap3A_481 = tpu.vector_load %arg7[%swap3A_479, %swap3A_480] {strides = array<i32>} : memref<16x128xi32, #tpu.memory_space<vmem>>, vector<16xi32>,
      tpu.vector_store %arg7[%swap3A_479, %swap3A_480], %min3A_438 {strides = array<i32>} : memref<16x128xi32, #tpu.memory_space<vmem>>, vector<16xi32>,
      %add3A_482 = arith.constant 80 : i32
      %add3A_483 = arith.addi %mul3A_174, %add3A_482 : i32
      %get3A_484 = arith.index_cast %add3A_483 : i32 to index
      %get3A_485 = tpu.vector_load %arg6[%get3A_484] {strides = array<i32>} : memref<62592xf32, #tpu.memory_space<vmem>>, vector<16xf32>,
      %bitcast3A_486 = vector.bitcast %get3A_485 : vector<16xf32> to vector<16xi32>
      %shift_right_logical3A_487 = vector.broadcast %scan3A_150 : i32 to vector<16xi32>
      %shift_right_logical3A_488 = arith.shrui %bitcast3A_486, %shift_right_logical3A_487 : vector<16xi32>
      %and3A_489 = arith.constant 2047 : i32
      %and3A_490 = vector.broadcast %and3A_489 : i32 to vector<16xi32>
      %and3A_491 = arith.andi %shift_right_logical3A_488, %and3A_490 : vector<16xi32>
      %broadcast_in_dim3A_492 = arith.constant true
      %broadcast_in_dim3A_493 = vector.broadcast %broadcast_in_dim3A_492 : i1 to vector<16xi1>
      %unique3A_494, %unique3A_495 = tpu.scan_count mask(%broadcast_in_dim3A_493 : vector<16xi1>) value(%and3A_491 : vector<16xi32>) : vector<16xi1>, vector<16xi32>
      %gather3A_496 = tpu.vector_load_idx %arg10[%and3A_491] : memref<2048xi32, #tpu.memory_space<vmem>>[vector<16xi32>], vector<16xi32>,
      %add3A_497 = arith.addi %gather3A_496, %unique3A_495 : vector<16xi32>
      %sub3A_498 = arith.constant 1 : i32
      %sub3A_499 = vector.broadcast %sub3A_498 : i32 to vector<16xi32>
      %sub3A_500 = arith.subi %add3A_497, %sub3A_499 : vector<16xi32>
      tpu.vector_store_idx %arg10[%and3A_491], %broadcast_in_dim3A_1 {add = true} : memref<2048xi32, #tpu.memory_space<vmem>>[vector<16xi32>], vector<16xi32>,
      %min3A_501 = arith.constant 1000000 : i32
      %min3A_502 = vector.broadcast %min3A_501 : i32 to vector<16xi32>
      %min3A_503 = arith.minsi %sub3A_500, %min3A_502 : vector<16xi32>
      %shift_right_logical3A_504 = arith.constant 31 : i32
      %shift_right_logical3A_505 = vector.broadcast %shift_right_logical3A_504 : i32 to vector<16xi32>
      %shift_right_logical3A_506 = arith.shrui %bitcast3A_486, %shift_right_logical3A_505 : vector<16xi32>
      %gt3A_507 = arith.constant 0 : i32
      %gt3A_508 = vector.broadcast %gt3A_507 : i32 to vector<16xi32>
      %gt3A_509 = arith.cmpi ugt, %shift_right_logical3A_506, %gt3A_508 : vector<16xi32>
      %xor3A_510 = arith.constant -2147483648 : i32
      %xor3A_511 = vector.broadcast %xor3A_510 : i32 to vector<16xi32>
      %xor3A_512 = arith.xori %bitcast3A_486, %xor3A_511 : vector<16xi32>
      %not3A_513 = arith.constant dense<-1> : vector<16xi32>
      %not3A_514 = arith.xori %bitcast3A_486, %not3A_513 : vector<16xi32>
      %select_n3A_515 = arith.select %gt3A_509, %xor3A_512, %not3A_514 : vector<16xi1>, vector<16xi32>
      %bitcast3A_516 = vector.bitcast %select_n3A_515 : vector<16xi32> to vector<16xf32>
      %neg3A_517 = arith.constant 0.000000e+00 : f32
      %neg3A_518 = vector.broadcast %neg3A_517 : f32 to vector<16xf32>
      %neg3A_519 = arith.subf %neg3A_518, %bitcast3A_516 : vector<16xf32>
      %exp3A_520 = math.exp %neg3A_519 : vector<16xf32>
      %add3A_521 = arith.constant 1.000000e+00 : f32
      %add3A_522 = vector.broadcast %add3A_521 : f32 to vector<16xf32>
      %add3A_523 = arith.addf %add3A_522, %exp3A_520 : vector<16xf32>
      %div3A_524 = arith.constant 2.000000e+01 : f32
      %div3A_525 = vector.broadcast %div3A_524 : f32 to vector<16xf32>
      %div3A_526 = arith.divf %div3A_525, %add3A_523 : vector<16xf32>
      %add3A_527 = arith.constant -1.000000e+01 : f32
      %add3A_528 = vector.broadcast %add3A_527 : f32 to vector<16xf32>
      %add3A_529 = arith.addf %add3A_528, %div3A_526 : vector<16xf32>
      %eq3A_530 = arith.constant 0 : i32
      %eq3A_531 = vector.broadcast %eq3A_530 : i32 to vector<16xi32>
      %eq3A_532 = arith.cmpi eq, %min3A_503, %eq3A_531 : vector<16xi32>
      %jit3A_533 = arith.constant -1.000000e+01 : f32
      %broadcast_in_dim3A_534 = vector.broadcast %jit3A_533 : f32 to vector<16xf32>
      %select_n3A_535 = arith.select %eq3A_532, %broadcast_in_dim3A_534, %add3A_529 : vector<16xi1>, vector<16xf32>
      %eq3A_536 = arith.constant 1000000 : i32
      %eq3A_537 = vector.broadcast %eq3A_536 : i32 to vector<16xi32>
      %eq3A_538 = arith.cmpi eq, %min3A_503, %eq3A_537 : vector<16xi32>
      %jit3A_539 = arith.constant 1.000000e+01 : f32
      %broadcast_in_dim3A_540 = vector.broadcast %jit3A_539 : f32 to vector<16xf32>
      %select_n3A_541 = arith.select %eq3A_538, %broadcast_in_dim3A_540, %select_n3A_535 : vector<16xi1>, vector<16xf32>
      %swap3A_542 = arith.index_cast %add3A_483 : i32 to index
      %swap3A_543 = tpu.vector_load %arg6[%swap3A_542] {strides = array<i32>} : memref<62592xf32, #tpu.memory_space<vmem>>, vector<16xf32>,
      tpu.vector_store %arg6[%swap3A_542], %select_n3A_541 {strides = array<i32>} : memref<62592xf32, #tpu.memory_space<vmem>>, vector<16xf32>,
      %swap3A_544 = arith.index_cast %rem3A_168 : i32 to index
      %swap3A_545 = arith.constant 80 : index
      %swap3A_546 = tpu.vector_load %arg7[%swap3A_544, %swap3A_545] {strides = array<i32>} : memref<16x128xi32, #tpu.memory_space<vmem>>, vector<16xi32>,
      tpu.vector_store %arg7[%swap3A_544, %swap3A_545], %min3A_503 {strides = array<i32>} : memref<16x128xi32, #tpu.memory_space<vmem>>, vector<16xi32>,
      %add3A_547 = arith.constant 96 : i32
      %add3A_548 = arith.addi %mul3A_174, %add3A_547 : i32
      %get3A_549 = arith.index_cast %add3A_548 : i32 to index
      %get3A_550 = tpu.vector_load %arg6[%get3A_549] {strides = array<i32>} : memref<62592xf32, #tpu.memory_space<vmem>>, vector<16xf32>,
      %bitcast3A_551 = vector.bitcast %get3A_550 : vector<16xf32> to vector<16xi32>
      %shift_right_logical3A_552 = vector.broadcast %scan3A_150 : i32 to vector<16xi32>
      %shift_right_logical3A_553 = arith.shrui %bitcast3A_551, %shift_right_logical3A_552 : vector<16xi32>
      %and3A_554 = arith.constant 2047 : i32
      %and3A_555 = vector.broadcast %and3A_554 : i32 to vector<16xi32>
      %and3A_556 = arith.andi %shift_right_logical3A_553, %and3A_555 : vector<16xi32>
      %broadcast_in_dim3A_557 = arith.constant true
      %broadcast_in_dim3A_558 = vector.broadcast %broadcast_in_dim3A_557 : i1 to vector<16xi1>
      %unique3A_559, %unique3A_560 = tpu.scan_count mask(%broadcast_in_dim3A_558 : vector<16xi1>) value(%and3A_556 : vector<16xi32>) : vector<16xi1>, vector<16xi32>
      %gather3A_561 = tpu.vector_load_idx %arg10[%and3A_556] : memref<2048xi32, #tpu.memory_space<vmem>>[vector<16xi32>], vector<16xi32>,
      %add3A_562 = arith.addi %gather3A_561, %unique3A_560 : vector<16xi32>
      %sub3A_563 = arith.constant 1 : i32
      %sub3A_564 = vector.broadcast %sub3A_563 : i32 to vector<16xi32>
      %sub3A_565 = arith.subi %add3A_562, %sub3A_564 : vector<16xi32>
      tpu.vector_store_idx %arg10[%and3A_556], %broadcast_in_dim3A_1 {add = true} : memref<2048xi32, #tpu.memory_space<vmem>>[vector<16xi32>], vector<16xi32>,
      %min3A_566 = arith.constant 1000000 : i32
      %min3A_567 = vector.broadcast %min3A_566 : i32 to vector<16xi32>
      %min3A_568 = arith.minsi %sub3A_565, %min3A_567 : vector<16xi32>
      %shift_right_logical3A_569 = arith.constant 31 : i32
      %shift_right_logical3A_570 = vector.broadcast %shift_right_logical3A_569 : i32 to vector<16xi32>
      %shift_right_logical3A_571 = arith.shrui %bitcast3A_551, %shift_right_logical3A_570 : vector<16xi32>
      %gt3A_572 = arith.constant 0 : i32
      %gt3A_573 = vector.broadcast %gt3A_572 : i32 to vector<16xi32>
      %gt3A_574 = arith.cmpi ugt, %shift_right_logical3A_571, %gt3A_573 : vector<16xi32>
      %xor3A_575 = arith.constant -2147483648 : i32
      %xor3A_576 = vector.broadcast %xor3A_575 : i32 to vector<16xi32>
      %xor3A_577 = arith.xori %bitcast3A_551, %xor3A_576 : vector<16xi32>
      %not3A_578 = arith.constant dense<-1> : vector<16xi32>
      %not3A_579 = arith.xori %bitcast3A_551, %not3A_578 : vector<16xi32>
      %select_n3A_580 = arith.select %gt3A_574, %xor3A_577, %not3A_579 : vector<16xi1>, vector<16xi32>
      %bitcast3A_581 = vector.bitcast %select_n3A_580 : vector<16xi32> to vector<16xf32>
      %neg3A_582 = arith.constant 0.000000e+00 : f32
      %neg3A_583 = vector.broadcast %neg3A_582 : f32 to vector<16xf32>
      %neg3A_584 = arith.subf %neg3A_583, %bitcast3A_581 : vector<16xf32>
      %exp3A_585 = math.exp %neg3A_584 : vector<16xf32>
      %add3A_586 = arith.constant 1.000000e+00 : f32
      %add3A_587 = vector.broadcast %add3A_586 : f32 to vector<16xf32>
      %add3A_588 = arith.addf %add3A_587, %exp3A_585 : vector<16xf32>
      %div3A_589 = arith.constant 2.000000e+01 : f32
      %div3A_590 = vector.broadcast %div3A_589 : f32 to vector<16xf32>
      %div3A_591 = arith.divf %div3A_590, %add3A_588 : vector<16xf32>
      %add3A_592 = arith.constant -1.000000e+01 : f32
      %add3A_593 = vector.broadcast %add3A_592 : f32 to vector<16xf32>
      %add3A_594 = arith.addf %add3A_593, %div3A_591 : vector<16xf32>
      %eq3A_595 = arith.constant 0 : i32
      %eq3A_596 = vector.broadcast %eq3A_595 : i32 to vector<16xi32>
      %eq3A_597 = arith.cmpi eq, %min3A_568, %eq3A_596 : vector<16xi32>
      %jit3A_598 = arith.constant -1.000000e+01 : f32
      %broadcast_in_dim3A_599 = vector.broadcast %jit3A_598 : f32 to vector<16xf32>
      %select_n3A_600 = arith.select %eq3A_597, %broadcast_in_dim3A_599, %add3A_594 : vector<16xi1>, vector<16xf32>
      %eq3A_601 = arith.constant 1000000 : i32
      %eq3A_602 = vector.broadcast %eq3A_601 : i32 to vector<16xi32>
      %eq3A_603 = arith.cmpi eq, %min3A_568, %eq3A_602 : vector<16xi32>
      %jit3A_604 = arith.constant 1.000000e+01 : f32
      %broadcast_in_dim3A_605 = vector.broadcast %jit3A_604 : f32 to vector<16xf32>
      %select_n3A_606 = arith.select %eq3A_603, %broadcast_in_dim3A_605, %select_n3A_600 : vector<16xi1>, vector<16xf32>
      %swap3A_607 = arith.index_cast %add3A_548 : i32 to index
      %swap3A_608 = tpu.vector_load %arg6[%swap3A_607] {strides = array<i32>} : memref<62592xf32, #tpu.memory_space<vmem>>, vector<16xf32>,
      tpu.vector_store %arg6[%swap3A_607], %select_n3A_606 {strides = array<i32>} : memref<62592xf32, #tpu.memory_space<vmem>>, vector<16xf32>,
      %swap3A_609 = arith.index_cast %rem3A_168 : i32 to index
      %swap3A_610 = arith.constant 96 : index
      %swap3A_611 = tpu.vector_load %arg7[%swap3A_609, %swap3A_610] {strides = array<i32>} : memref<16x128xi32, #tpu.memory_space<vmem>>, vector<16xi32>,
      tpu.vector_store %arg7[%swap3A_609, %swap3A_610], %min3A_568 {strides = array<i32>} : memref<16x128xi32, #tpu.memory_space<vmem>>, vector<16xi32>,
      %add3A_612 = arith.constant 112 : i32
      %add3A_613 = arith.addi %mul3A_174, %add3A_612 : i32
      %get3A_614 = arith.index_cast %add3A_613 : i32 to index
      %get3A_615 = tpu.vector_load %arg6[%get3A_614] {strides = array<i32>} : memref<62592xf32, #tpu.memory_space<vmem>>, vector<16xf32>,
      %bitcast3A_616 = vector.bitcast %get3A_615 : vector<16xf32> to vector<16xi32>
      %shift_right_logical3A_617 = vector.broadcast %scan3A_150 : i32 to vector<16xi32>
      %shift_right_logical3A_618 = arith.shrui %bitcast3A_616, %shift_right_logical3A_617 : vector<16xi32>
      %and3A_619 = arith.constant 2047 : i32
      %and3A_620 = vector.broadcast %and3A_619 : i32 to vector<16xi32>
      %and3A_621 = arith.andi %shift_right_logical3A_618, %and3A_620 : vector<16xi32>
      %broadcast_in_dim3A_622 = arith.constant true
      %broadcast_in_dim3A_623 = vector.broadcast %broadcast_in_dim3A_622 : i1 to vector<16xi1>
      %unique3A_624, %unique3A_625 = tpu.scan_count mask(%broadcast_in_dim3A_623 : vector<16xi1>) value(%and3A_621 : vector<16xi32>) : vector<16xi1>, vector<16xi32>
      %gather3A_626 = tpu.vector_load_idx %arg10[%and3A_621] : memref<2048xi32, #tpu.memory_space<vmem>>[vector<16xi32>], vector<16xi32>,
      %add3A_627 = arith.addi %gather3A_626, %unique3A_625 : vector<16xi32>
      %sub3A_628 = arith.constant 1 : i32
      %sub3A_629 = vector.broadcast %sub3A_628 : i32 to vector<16xi32>
      %sub3A_630 = arith.subi %add3A_627, %sub3A_629 : vector<16xi32>
      tpu.vector_store_idx %arg10[%and3A_621], %broadcast_in_dim3A_1 {add = true} : memref<2048xi32, #tpu.memory_space<vmem>>[vector<16xi32>], vector<16xi32>,
      %min3A_631 = arith.constant 1000000 : i32
      %min3A_632 = vector.broadcast %min3A_631 : i32 to vector<16xi32>
      %min3A_633 = arith.minsi %sub3A_630, %min3A_632 : vector<16xi32>
      %shift_right_logical3A_634 = arith.constant 31 : i32
      %shift_right_logical3A_635 = vector.broadcast %shift_right_logical3A_634 : i32 to vector<16xi32>
      %shift_right_logical3A_636 = arith.shrui %bitcast3A_616, %shift_right_logical3A_635 : vector<16xi32>
      %gt3A_637 = arith.constant 0 : i32
      %gt3A_638 = vector.broadcast %gt3A_637 : i32 to vector<16xi32>
      %gt3A_639 = arith.cmpi ugt, %shift_right_logical3A_636, %gt3A_638 : vector<16xi32>
      %xor3A_640 = arith.constant -2147483648 : i32
      %xor3A_641 = vector.broadcast %xor3A_640 : i32 to vector<16xi32>
      %xor3A_642 = arith.xori %bitcast3A_616, %xor3A_641 : vector<16xi32>
      %not3A_643 = arith.constant dense<-1> : vector<16xi32>
      %not3A_644 = arith.xori %bitcast3A_616, %not3A_643 : vector<16xi32>
      %select_n3A_645 = arith.select %gt3A_639, %xor3A_642, %not3A_644 : vector<16xi1>, vector<16xi32>
      %bitcast3A_646 = vector.bitcast %select_n3A_645 : vector<16xi32> to vector<16xf32>
      %neg3A_647 = arith.constant 0.000000e+00 : f32
      %neg3A_648 = vector.broadcast %neg3A_647 : f32 to vector<16xf32>
      %neg3A_649 = arith.subf %neg3A_648, %bitcast3A_646 : vector<16xf32>
      %exp3A_650 = math.exp %neg3A_649 : vector<16xf32>
      %add3A_651 = arith.constant 1.000000e+00 : f32
      %add3A_652 = vector.broadcast %add3A_651 : f32 to vector<16xf32>
      %add3A_653 = arith.addf %add3A_652, %exp3A_650 : vector<16xf32>
      %div3A_654 = arith.constant 2.000000e+01 : f32
      %div3A_655 = vector.broadcast %div3A_654 : f32 to vector<16xf32>
      %div3A_656 = arith.divf %div3A_655, %add3A_653 : vector<16xf32>
      %add3A_657 = arith.constant -1.000000e+01 : f32
      %add3A_658 = vector.broadcast %add3A_657 : f32 to vector<16xf32>
      %add3A_659 = arith.addf %add3A_658, %div3A_656 : vector<16xf32>
      %eq3A_660 = arith.constant 0 : i32
      %eq3A_661 = vector.broadcast %eq3A_660 : i32 to vector<16xi32>
      %eq3A_662 = arith.cmpi eq, %min3A_633, %eq3A_661 : vector<16xi32>
      %jit3A_663 = arith.constant -1.000000e+01 : f32
      %broadcast_in_dim3A_664 = vector.broadcast %jit3A_663 : f32 to vector<16xf32>
      %select_n3A_665 = arith.select %eq3A_662, %broadcast_in_dim3A_664, %add3A_659 : vector<16xi1>, vector<16xf32>
      %eq3A_666 = arith.constant 1000000 : i32
      %eq3A_667 = vector.broadcast %eq3A_666 : i32 to vector<16xi32>
      %eq3A_668 = arith.cmpi eq, %min3A_633, %eq3A_667 : vector<16xi32>
      %jit3A_669 = arith.constant 1.000000e+01 : f32
      %broadcast_in_dim3A_670 = vector.broadcast %jit3A_669 : f32 to vector<16xf32>
      %select_n3A_671 = arith.select %eq3A_668, %broadcast_in_dim3A_670, %select_n3A_665 : vector<16xi1>, vector<16xf32>
      %swap3A_672 = arith.index_cast %add3A_613 : i32 to index
      %swap3A_673 = tpu.vector_load %arg6[%swap3A_672] {strides = array<i32>} : memref<62592xf32, #tpu.memory_space<vmem>>, vector<16xf32>,
      tpu.vector_store %arg6[%swap3A_672], %select_n3A_671 {strides = array<i32>} : memref<62592xf32, #tpu.memory_space<vmem>>, vector<16xf32>,
      %swap3A_674 = arith.index_cast %rem3A_168 : i32 to index
      %swap3A_675 = arith.constant 112 : index
      %swap3A_676 = tpu.vector_load %arg7[%swap3A_674, %swap3A_675] {strides = array<i32>} : memref<16x128xi32, #tpu.memory_space<vmem>>, vector<16xi32>,
      tpu.vector_store %arg7[%swap3A_674, %swap3A_675], %min3A_633 {strides = array<i32>} : memref<16x128xi32, #tpu.memory_space<vmem>>, vector<16xi32>,
      %dma_start3A = tpu.memref_slice %arg6[%mul3A_174] : memref<62592xf32, #tpu.memory_space<vmem>> -> memref<128xf32, #tpu.memory_space<vmem>>
      %dma_start3A_677 = arith.constant 0 : i32
      %dma_start3A_678 = tpu.memref_slice %arg7[%rem3A_168, %dma_start3A_677] : memref<16x128xi32, #tpu.memory_space<vmem>> -> memref<1x128xi32, #tpu.memory_space<vmem>>
      %dma_start3A_679 = tpu.memref_squeeze %dma_start3A_678 : memref<1x128xi32, #tpu.memory_space<vmem>> -> memref<128xi32, #tpu.memory_space<vmem>>
      %dma_start3A_680 = arith.constant 0 : i32
      %dma_start3A_681 = tpu.memref_slice %arg3[%dma_start3A_680] : memref<1000001xf32, #tpu.memory_space<hbm>> -> memref<1000001xf32, #tpu.memory_space<hbm>>
      tpu.enqueue_indirect_dma source(%dma_start3A : memref<128xf32, #tpu.memory_space<vmem>>) target(%dma_start3A_681 : memref<1000001xf32, #tpu.memory_space<hbm>>) offsets(%dma_start3A_679 : memref<128xi32, #tpu.memory_space<vmem>>) semaphore(%arg14 : memref<!tpu.dma_semaphore, #tpu.memory_space<semaphore_mem>>)
      %scan3A_682 = arith.constant 0 : i32
      scf.yield %scan3A_682 : i32
    }
    %scan3A_157 = arith.constant 489 : i32
    %scan3A_158 = arith.constant 0 : i32
    %scan3A_159 = arith.constant 0 : i32
    %scan3A_160 = arith.constant 16 : i32
    %scan3A_161 = arith.addi %scan3A_159, %scan3A_160 : i32
    %scan3A_162 = arith.constant 1 : i32
    %scan3A_163 = scf.for %scan3A_166 = %scan3A_159 to %scan3A_161 step %scan3A_162 iter_args(%scan3A_167 = %scan3A_158) -> (i32)  : i32 {
      %dma_wait3A = arith.constant 0 : i32
      %dma_wait3A_168 = tpu.memref_slice %arg6[%dma_wait3A] : memref<62592xf32, #tpu.memory_space<vmem>> -> memref<128xf32, #tpu.memory_space<vmem>>
      %dma_wait3A_169 = arith.constant 0 : i32
      %dma_wait3A_170 = tpu.memref_slice %arg7[%scan3A_166, %dma_wait3A_169] : memref<16x128xi32, #tpu.memory_space<vmem>> -> memref<1x128xi32, #tpu.memory_space<vmem>>
      %dma_wait3A_171 = tpu.memref_squeeze %dma_wait3A_170 : memref<1x128xi32, #tpu.memory_space<vmem>> -> memref<128xi32, #tpu.memory_space<vmem>>
      %dma_wait3A_172 = arith.constant 0 : i32
      %dma_wait3A_173 = tpu.memref_slice %arg3[%dma_wait3A_172] : memref<1000001xf32, #tpu.memory_space<hbm>> -> memref<1000001xf32, #tpu.memory_space<hbm>>
      tpu.wait_indirect_dma semaphore(%arg14 : memref<!tpu.dma_semaphore, #tpu.memory_space<semaphore_mem>>) src(%dma_wait3A_168 : memref<128xf32, #tpu.memory_space<vmem>>) dst(%dma_wait3A_173 : memref<1000001xf32, #tpu.memory_space<hbm>>)
      %scan3A_174 = arith.constant 0 : i32
      scf.yield %scan3A_174 : i32
    }
    %scan3A_164 = arith.constant 16 : i32
    %barrier3A_165 = arith.constant 0 : index
    tpu.barrier barrier_id(%barrier3A_165)
    return
  }
}

</mosaic_0001>

<sc_bundles>
// kernel: kernel.3.cloned.1.call-start
scs
__scs_entry_jumppad:
0x0: {  	(pc) =	sbr.rel $0x88, $3  }
0x1: {  	(tag) =	ssettag $0x0;
	lr =	simm.s32 $0x1  }
0x2: {  	[smem:$0x3FA0] =	sst lr;
	_ =	strace $0xD0000000  }
0x3: {  	_ = 	snop  }
0x4: {  	_ = 	snop  }
0x5: {  	_ = 	snop  }
0x6: {  	_ = 	snop  }
0x7: {  	_ = 	snop  }
__scs_overlays_trampoline_lowered:
0x8: {  	[smem:$0x3FAF] =	sst s0  }
0x9: {  	[smem:$0x3FB0] =	sst s1  }
0xa: {  	[smem:$0x3FB1] =	sst s2  }
0xb: {  	[smem:$0x3FB2] =	sst s3  }
0xc: {  	[smem:$0x3FB3] =	sst s4  }
0xd: {  	[smem:$0x3FB4] =	sst s5  }
0xe: {  	[smem:$0x3FB5] =	sst s6  }
0xf: {  	[smem:$0x3FB6] =	sst s7  }
0x10: {  	[smem:$0x3FB7] =	sst s8  }
0x11: {  	[smem:$0x3FB8] =	sst s9;
	s0 =	simm.s32 @!p0 $0x0  }
0x12: {  	s1 =	sld [smem:$0x3F9E];
	s0 =	simm.s32 @p0 $0x1  }
0x13: {  	[smem:$0x3FB9] =	sst s0;
	s0 =	simm.s32 @!p1 $0x0  }
0x14: {  	s2 =	sld [smem:$0x3F9D];
	s0 =	simm.s32 @p1 $0x1  }
0x15: {  	[smem:$0x3FBA] =	sst s0;
	s0 =	simm.s32 @!p2 $0x0  }
0x16: {  	s3 =	sld [smem:$0x3FDB];
	s0 =	simm.s32 @p2 $0x1  }
0x17: {  	s4 =	simm.s32 $0x1BF5;
	[smem:$0x3FBC] =	sst s0  }
0x18: {  	s0 =	sld [smem:$0x3F9F];
	_ =	swait.ge [sflag:s4], $0x0  }
0x19: {  	s7 =	sld [smem:$0x3FA0]  }
0x1a: {  	s8 =	sadd.s32 $0xFFFFE003, lr  }
0x1b: {  	s9 =	sadd.s32 $0xFFFFFEF7, lr;
	s5 =	simm.s32 $0xFFFFFFFF;
	p2 =	slt.u32 s8, $0xFFFFF086  }
0x1c: {  	p1 =	slt.u32 s9, $0xF7A;
	s5 =	simm.s32 @!p2 $0x0  }
0x1d: {  	s5 =	simm.s32 @p1 $0x1;
	p0 =	seq.s32 s7, s2  }
0x1e: {  	s7 =	smul.u32 @!p0 $0xF7A, s2;
	p2 =	seq.s32 @!p0 s5, $0x0  }
0x1f: {  	s9 =	smul.u32 $0xF7A, s1;
	s8 =	simm.s32 @!p0 $0x1BF5;
	p2 =	por !p2, p0  }
0x20: {  	[sflag:s8] =	ssyncset.s32 @!p0 $0xFFFFF086;
	s6 =	sadd.s32 @!p0 s3, s7;
	s7 =	simm.s32 @!p0 $0x108  }
0x21: {  	s3 =	sadd.s32 s3, s9;
	s6 =	sadd.s32 @!p0 $0x88, s6;
	s7 =	simm.s32 @p2 $0x1082  }
0x22: {  	[simem:s7], [sflag:s8] =	dma.local @!p0 [hbm:s6], $0xF7A  }
0x23: {  	s9 =	sor.u32 $0xD0000000, s2;
	s6 =	simm.s32 $0x108;
	_ =	swait.ge @!p0 [sflag:s8], $0x0  }
0x24: {  	s3 =	sadd.s32 $0x88, s3;
	s6 =	simm.s32 @!p1 $0x1082;
	[sflag:s4] =	ssyncset.s32 $0xFFFFF086  }
0x25: {  	[simem:s6], [sflag:s4] =	dma.local [hbm:s3], $0xF7A  }
0x26: {  	[smem:$0x3FA0] =	sst s1;
	(tag) =	ssettag s2;
	_ =	strace s9  }
0x27: {  	s1 =	sld [smem:$0x3FB0]  }
0x28: {  	s2 =	sld [smem:$0x3FB1]  }
0x29: {  	s4 =	sld [smem:$0x3FB3]  }
0x2a: {  	p0 =	seq.s32 s5, $0x0;
	s5 =	sld [smem:$0x3FB4]  }
0x2b: {  	s6 =	sld [smem:$0x3FB5]  }
0x2c: {  	s7 =	sld [smem:$0x3FB6]  }
0x2d: {  	s3 =	simm.s32 $0x108;
	s8 =	sld [smem:$0x3FB7]  }
0x2e: {  	s3 =	simm.s32 @!p0 $0x1082;
	s9 =	sld [smem:$0x3FB8]  }
0x2f: {  	lr =	sadd.s32 s0, s3;
	s0 =	sld [smem:$0x3FAF]  }
0x30: {  	s3 =	sld [smem:$0x3FB2]  }
0x31: {  	[smem:$0x3FBB] =	sst s10  }
0x32: {  	s10 =	sld [smem:$0x3FB9];
	_ =	sdelay $0x3  }
0x33: {  	p0 =	seq.s32 s10, $0x1;
	s10 =	sld [smem:$0x3FBB];
	_ =	sdelay $0x3  }
0x34: {  	[smem:$0x3FBB] =	sst s10  }
0x35: {  	s10 =	sld [smem:$0x3FBA];
	_ =	sdelay $0x3  }
0x36: {  	p1 =	seq.s32 s10, $0x1;
	s10 =	sld [smem:$0x3FBB];
	_ =	sdelay $0x3  }
0x37: {  	[smem:$0x3FBB] =	sst s10  }
0x38: {  	s10 =	sld [smem:$0x3FBC]  }
0x39: {  	_ = 	snop;
	(pc) =	sbr.ind lr, $3  }
0x3a: {  	_ = 	snop  }
0x3b: {  	_ = 	snop  }
0x3c: {  	p2 =	seq.s32 s10, $0x1;
	s10 =	sld [smem:$0x3FBB]  }
0x3d: {  	_ =	shalt  }
0x3e: {  	_ =	shalt  }
0x3f: {  	_ =	shalt  }
0x40: {  	_ =	shalt  }
0x41: {  	_ =	shalt  }
0x42: {  	_ =	shalt  }
0x43: {  	_ =	shalt  }
0x44: {  	_ =	shalt  }
0x45: {  	_ =	shalt  }
0x46: {  	_ =	shalt  }
0x47: {  	_ =	shalt  }
0x48: {  	_ =	shalt  }
0x49: {  	_ =	shalt  }
0x4a: {  	_ =	shalt  }
0x4b: {  	_ =	shalt  }
0x4c: {  	_ =	shalt  }
0x4d: {  	_ =	shalt  }
0x4e: {  	_ =	shalt  }
0x4f: {  	_ =	shalt  }
0x50: {  	_ =	shalt  }
0x51: {  	_ =	shalt  }
0x52: {  	_ =	shalt  }
0x53: {  	_ =	shalt  }
0x54: {  	_ =	shalt  }
0x55: {  	_ =	shalt  }
0x56: {  	_ =	shalt  }
0x57: {  	_ =	shalt  }
0x58: {  	_ =	shalt  }
0x59: {  	_ =	shalt  }
0x5a: {  	_ =	shalt  }
0x5b: {  	_ =	shalt  }
0x5c: {  	_ =	shalt  }
0x5d: {  	_ =	shalt  }
0x5e: {  	_ =	shalt  }
0x5f: {  	_ =	shalt  }
0x60: {  	_ =	shalt  }
0x61: {  	_ =	shalt  }
0x62: {  	_ =	shalt  }
0x63: {  	_ =	shalt  }
0x64: {  	_ =	shalt  }
0x65: {  	_ =	shalt  }
0x66: {  	_ =	shalt  }
0x67: {  	_ =	shalt  }
0x68: {  	_ =	shalt  }
0x69: {  	_ =	shalt  }
0x6a: {  	_ =	shalt  }
0x6b: {  	_ =	shalt  }
0x6c: {  	_ =	shalt  }
0x6d: {  	_ =	shalt  }
0x6e: {  	_ =	shalt  }
0x6f: {  	_ =	shalt  }
0x70: {  	_ =	shalt  }
0x71: {  	_ =	shalt  }
0x72: {  	_ =	shalt  }
0x73: {  	_ =	shalt  }
0x74: {  	_ =	shalt  }
0x75: {  	_ =	shalt  }
0x76: {  	_ =	shalt  }
0x77: {  	_ =	shalt  }
0x78: {  	_ =	shalt  }
0x79: {  	_ =	shalt  }
0x7a: {  	_ =	shalt  }
0x7b: {  	_ =	shalt  }
0x7c: {  	_ =	shalt  }
0x7d: {  	_ =	shalt  }
0x7e: {  	_ =	shalt  }
0x7f: {  	_ =	shalt  }
0x80: {  	_ =	shalt  }
0x81: {  	_ =	shalt  }
0x82: {  	_ =	shalt  }
0x83: {  	_ =	shalt  }
0x84: {  	_ =	shalt  }
0x85: {  	_ =	shalt  }
0x86: {  	_ =	shalt  }
0x87: {  	_ =	shalt  }
.Lfunc_end0:
.L_simem_size_0:
called_computation_lowered:
.L_overlay_start_0:
0x88: {  	s0 =	sld [smem:$0x3FD9]  }
0x89: {  	s1 =	sld [smem:$0x3FFE];
	_ =	sdelay $0x3  }
0x8a: {  	s0 =	sadd.s32 s1, s0  }
0x8b: {  	[smem:$0x3FC7] =	sst s0  }
0x8c: {  	_ = 	snop  }
0x8d: {  	s16 =	sld [smem:$0x3FC9]  }
0x8e: {  	s2 =	sld [smem:$0x3FD0];
	(tm) =	ssettm $0x1  }
0x8f: {  	s3 =	sld [smem:$0x3FFB];
	_ =	sdelay $0x3  }
0x90: {  	_ =	strace s3  }
0x91: {  	s3 =	sld [smem:$0x3FFC];
	_ =	sdelay $0x3  }
0x92: {  	_ =	strace s3  }
0x93: {  	s3 =	sld [smem:$0x3FFD];
	_ =	sdelay $0x3  }
0x94: {  	_ =	strace s3  }
0x95: {  	_ =	strace $0x8FFFFFFF  }
0x96: {  	s17 =	sld [smem:$0x3FDB];
	_ =	sdelay $0x1  }
0x97: {  	s4 =	simm.s32 $_scs_section_size  }
0x98: {  	s5 =	simm.s32 $_size__tile_overlayer_lowered;
	s6 =	simm.s32 $_tile_overlayer_lowered  }
0x99: {  	s20 =	simm.s32 $0x1BFF;
	s19 =	sshll.u32 s6, $0x1;
	s3 =	sadd.s32 s4, s17  }
0x9a: {  	s7 =	simm.s32 $0x0;
	s18 =	sshll.u32 s5, $0x1;
	s5 =	sadd.s32 s19, s3  }
0x9b: {  	[timem:s7], [sflag:s20] =	dma.local [hbm:s5], s18  }
0x9c: {  	_ =	swait.ge [sflag:s20], s18  }
0x9d: {  	s4 =	ssub.s32 $0x0, s18;
	[sflag:s20] =	ssyncset.done $0x0  }
0x9e: {  	[sflag:s20] =	ssyncadd.s32 s4;
	_ =	sdelay $0x1  }
0x9f: {  	s21 =	simm.s32 $0x1B8B  }
0xa0: {  	_ =	swait.ge [sflag:s21], $0x1  }
0xa1: {  	[sflag:s21] =	ssyncset.done $0x0  }
0xa2: {  	s22 =	simm.s32 $0x1B8E;
	[sflag:s21] =	ssyncadd.s32 $0xFFFFFFFF  }
0xa3: {  	s23 =	simm.s32 $execute0_lowered;
	[smem:$0x3FD2] =	sst s22  }
0xa4: {  	s4 =	sshll.u32 s23, $0x1;
	_ =	strace $0x80000046;
	[dreg:$0x1] =	wrdreg $0xFFFFFFFF  }
0xa5: {  	s24 =	simm.s32 $_size_execute0_lowered;
	s3 =	sadd.s32 s3, s4;
	[dreg:$0x0] =	wrdreg $0x0  }
0xa6: {  	s4 =	sshll.u32 s24, $0x1;
	[dreg:$0x2] =	wrdreg s3  }
0xa7: {  	[dreg:$0x3] =	wrdreg s4  }
0xa8: {  	[dreg:$0x4] =	wrdreg $0xC0  }
0xa9: {  	_ =	task [dreg:s7], $0x5FFFF  }
0xaa: {  	[dreg:$0x1] =	wrdreg $0xFFFFFFFF  }
0xab: {  	[dreg:$0x0] =	wrdreg $0x60  }
0xac: {  	[dreg:$0x2] =	wrdreg s16  }
0xad: {  	[dreg:$0x3] =	wrdreg s2  }
0xae: {  	s25 =	sadd.s32 $0x400, s0;
	[dreg:$0x4] =	wrdreg $0x124800  }
0xaf: {  	s0 =	sadd.s32 $0x1ED00, s0;
	[dreg:$0x5] =	wrdreg s25  }
0xb0: {  	[dreg:$0x6] =	wrdreg s0  }
0xb1: {  	[dreg:$0x7] =	wrdreg $0x9  }
0xb2: {  	_ =	task.clear_ibuf [dreg:s7], $0x8FFFF;
	_ =	strace $0x90000046  }
0xb3: {  	s26 =	simm.s32 $0x9;
	_ =	strace $0x80000048  }
0xb4: {  	_ =	swait.ge [sflag:s26], $0x1  }
0xb5: {  	[sflag:s26] =	ssyncadd.s32 $0xFFFFFFFF  }
0xb6: {  	_ =	strace $0x90000048  }
0xb7: {  	_ =	sfence  }
0xb8: {  	s28 =	sld [smem:$0x0];
	_ =	sdelay $0x1  }
0xb9: {  	s29 =	srdreg.scid  }
0xba: {  	s30 =	sshll.u32 s29, $0xD;
	s31 =	sshrl.u32 s29, $0x2  }
0xbb: {  	s1 =	sand.u32 $0x1, s29;
	s2 =	sand.u32 $0x4000, s30;
	s0 =	sadd.s32 s31, s28  }
0xbc: {  	s1 =	sor.u32 s2, s1;
	s0 =	sshll.u32 s0, $0x11  }
0xbd: {  	s0 =	sor.u32 s0, s1  }
0xbe: {  	s0 =	sadd.s32 $0x8F2B, s0  }
0xbf: {  	[sflag:s0] =	ssyncadd.remote.s32 $0x1  }
0xc0: {  	_ =	sfence.sel $0xFFFF  }
0xc1: {  	[dreg:$0x0] =	wrdreg $0xFFFFFFFF;
	(pc) =	sbr.abs _section_cstart, $3  }
0xc2: {  	[dreg:$0x1] =	wrdreg $0xFFFFFFFF  }
0xc3: {  	_ =	task.clear_ibuf [dreg:s7], $0x2FFFF;
	_ =	strace $0x9FFFFFFF  }
0xc4: {  	(tm) =	ssettm $0x7FFFFFFF  }
0xc5: {  	_ =	shalt  }
tec
execute0_lowered:
.L_overlay_start_1:
0x0: {  	(tag) =	ssettag $0x1  }
0x1: {  	s4 =	rddreg [dreg:$0x0]  }
0x2: {  	s2 =	rddreg [dreg:$0x1]  }
0x3: {  	s3 =	rddreg [dreg:$0x2]  }
0x4: {  	s7 =	rddreg [dreg:$0x3]  }
0x5: {  	s5 =	rddreg [dreg:$0x4]  }
0x6: {  	s0 =	rddreg [dreg:$0x5];
	s9 =	simm.s32 $0x0;
	s1 =	stileid.u32  }
0x7: {  	[smem:$0x7FF] =	sst s9;
	p0 =	seq.s32 s1, $0xF  }
0x8: {  	_ =	strace $0x80000047;
	s6 =	sadd.s32 @p0 $0x1CA70, s4;
	s8 =	simm.s32 @p0 $0x0  }
0x9: {  	[tilespmem:s8], [sflag:$0x2] =	stream.linear.gather @p0 [hbm4b:s6+s8], $0xEEBF, $0x38;
	[tilespmem:$0x12C80] =	vst v63  }
0xa: {  	s10 =	simm.s32 @p0 $0x2;
	s8 =	smul.u32 $0xF480, s1  }
0xb: {  	_ =	swait.ge @p0 [sflag:s10], $0xEEBF  }
0xc: {  	s6 =	sshrl.u32 s8, $0x3;
	[sflag:s10] =	ssyncset.done @p0 $0x0  }
0xd: {  	[sflag:s10] =	ssyncadd.s32 @p0 $0xFFFF1141;
	s4 =	sadd.s32 @!p0 s4, s6;
	s10 =	simm.s32 @!p0 $0x0  }
0xe: {  	[tilespmem:s10], [sflag:$0x2] =	stream.linear.gather @!p0 [hbm4b:s4+s10], $0xF480, $0x38;
	[tilespmem:$0x12C80] =	vst v63  }
0xf: {  	s31 =	sshll.u32 s1, $0xB;
	s10 =	simm.s32 @!p0 $0x2  }
0x10: {  	s11 =	sshll.u32 s1, $0x7;
	s4 =	sand.u32 $0x4000, s31;
	_ =	swait.ge @!p0 [sflag:s10], $0xF480  }
0x11: {  	s11 =	sand.u32 $0x380, s11;
	s4 =	sadd.s32 s4, s3;
	[sflag:s10] =	ssyncset.done @!p0 $0x0  }
0x12: {  	v0 =	vimm.s32 $0x0;
	s4 =	sadd.s32 s11, s4;
	[sflag:s10] =	ssyncadd.s32 @!p0 $0xFFFF0B80  }
.LBB2_1:
0x13: {  	p0 =	sne.s32 s9, $0x1FC0  }
.Ltmp0:
0x14: {  	_ = 	snop;
	(pc) =	sbr.rel @p0 .LBB2_1-.Ltmp0, $3  }
0x15: {  	_ =	sdelay $0x1  }
0x16: {  	s10 =	sshra.s32 s9, $0x2  }
0x17: {  	s9 =	sadd.s32 $0x40, s9;
	[tilespmem:s10+$0x10480] =	vst v0  }
0x18: {  	s10 =	simm.s32 $0x0  }
0x19: {  	v0 =	vlaneseq.u32;
	v2 =	vld [tilespmem:s10+$0x0]  }
0x1a: {  	v0 =	vmul.u32 $0xFFFFFFFF, v0;
	_ =	sdelay $0x1  }
0x1b: {  	v3 =	vmov s8;
	v0 =	vadd.s32 $0xF423F, v0  }
0x1c: {  	v1 =	vimm.s32 $0x0;
	vm0 =	vne.s32 v3, v0  }
0x1d: {  	v4 =	vxor.u32 $0xFFFFFFFF, v2;
	v5 =	vor.u32 $0x80000000, v2;
	vm1 =	vlt.s32 v2, $0x0  }
0x1e: {  	vm15 =	vlt.u32 v3, v0;
	v3 =	vsel vm0, $0xFFFFFFFF, v1;
	v2 =	vsel vm1, v4, v5  }
0x1f: {  	v3 =	vsel vm15, v2, v3  }
0x20: {  	v63 =	vand.u32 $0x7FF, v3;
	_ =	sdelay $0x3  }
0x21: {  	s9 =	simm.s32 $0x10480;
	v2 =	vimm.s32 $0x1;
	[tilespmem:s10+$0x0] =	vst v3  }
0x22: {  	s11 =	simm.s32 $0x80;
	s10 =	simm.s32 $0x10;
	[tilespmem:v63+s9+$0x0] =	vst.idx.add.s32.msk $0xffff, v2  }
.LBB2_3:
0x23: {  	p0 =	sne.s32 s11, $0x3D1C0;
	v3 =	vld [tilespmem:s10+$0x0];
	_ =	sdelay $0x1  }
0x24: {  	s8 =	sadd.s32 $0x10, s8  }
0x25: {  	v4 =	vmov s8  }
0x26: {  	vm0 =	vne.s32 v4, v0  }
0x27: {  	v5 =	vxor.u32 $0xFFFFFFFF, v3;
	v6 =	vor.u32 $0x80000000, v3;
	vm1 =	vlt.s32 v3, $0x0  }
0x28: {  	v3 =	vsel vm1, v5, v6;
	vm1 =	vlt.u32 v4, v0;
	v4 =	vsel vm0, $0xFFFFFFFF, v1  }
0x29: {  	v3 =	vsel vm1, v3, v4  }
0x2a: {  	[tilespmem:s10+$0x0] =	vst v3;
	v3 =	vand.u32 $0x7FF, v3  }
.Ltmp1:
0x2b: {  	(pc) =	sbr.rel @p0 .LBB2_3-.Ltmp1, $2  }
0x2c: {  	_ =	sdelay $0x2  }
0x2d: {  	s10 =	sshra.s32 s11, $0x2;
	s11 =	sadd.s32 $0x40, s11;
	[tilespmem:v3+s9+$0x0] =	vst.idx.add.s32.msk $0xffff, v2  }
0x2e: {  	v3 =	vld [tilespmem:s10+$0x0];
	_ =	sdelay $0x1  }
0x2f: {  	s8 =	sadd.s32 $0x10, s8  }
0x30: {  	v4 =	vmov s8  }
0x31: {  	vm0 =	vne.s32 v4, v0  }
0x32: {  	v5 =	vxor.u32 $0xFFFFFFFF, v3;
	v6 =	vor.u32 $0x80000000, v3;
	vm1 =	vlt.s32 v3, $0x0  }
0x33: {  	vm15 =	vlt.u32 v4, v0;
	v0 =	vsel vm0, $0xFFFFFFFF, v1;
	v3 =	vsel vm1, v5, v6  }
0x34: {  	v0 =	vsel vm15, v3, v0  }
0x35: {  	v1 =	vand.u32 $0x7FF, v0;
	_ =	sdelay $0x3  }
0x36: {  	s28 =	simm.s32 $0x80;
	[tilespmem:s10+$0x0] =	vst v0  }
0x37: {  	s29 =	simm.s32 $0x400;
	s30 =	simm.s32 $0x10480;
	s31 =	simm.s32 $0x2;
	[tilespmem:v1+s9+$0x0] =	vst.idx.add.s32.msk $0xffff, v2  }
0x38: {  	[spmem:s4] =	stream.strided.scatter [tilespmem:s30], [sflag:$0x2], $0x800, s29, s28, $0x38;
	[tilespmem:$0x12C80] =	vst v63  }
0x39: {  	_ =	swait.ge [sflag:s31], $0x800  }
0x3a: {  	[sflag:s31] =	ssyncset.done $0x0  }
0x3b: {  	[sflag:s31] =	ssyncadd.s32 $0xFFFFF800  }
0x3c: {  	s8 =	simm.s32 $0x0;
	v0 =	vimm.s32 $0x0;
	s9 =	simm.s32 $0x0;
	[bflag:$0x0] =	sbarrier.arrive $0xFFFF  }
.LBB2_5:
0x3d: {  	p0 =	sne.s32 s9, $0x1FC0  }
.Ltmp2:
0x3e: {  	_ = 	snop;
	(pc) =	sbr.rel @p0 .LBB2_5-.Ltmp2, $4  }
0x3f: {  	_ = 	snop  }
0x40: {  	s10 =	sshra.s32 s9, $0x2  }
0x41: {  	[tilespmem:s10+$0x11480] =	vst v0  }
0x42: {  	s9 =	sadd.s32 $0x40, s9;
	[tilespmem:s10+$0x11C80] =	vst v0  }
0x43: {  	s9 =	simm.s32 $0x80  }
0x44: {  	s10 =	simm.s32 $0x400;
	s11 =	simm.s32 $0xFC80;
	s12 =	simm.s32 $0x2  }
.LBB2_7:
0x45: {  	s13 =	sshll.u32 s8, $0xB  }
0x46: {  	s14 =	sshll.u32 s8, $0x7;
	s13 =	sand.u32 $0x4000, s13  }
0x47: {  	s14 =	sand.u32 $0x380, s14;
	s13 =	sadd.s32 s13, s3  }
0x48: {  	s13 =	sadd.s32 s14, s13  }
0x49: {  	[tilespmem:s11], [sflag:$0x2] =	stream.strided.gather [spmem:s13], $0x800, s10, s9, $0x38;
	[tilespmem:$0x12C80] =	vst v63  }
0x4a: {  	_ =	swait.ge [sflag:s12], $0x800  }
0x4b: {  	[sflag:s12] =	ssyncset.done $0x0  }
0x4c: {  	s13 =	simm.s32 $0x0;
	[sflag:s12] =	ssyncadd.s32 $0xFFFFF800  }
0x4d: {  	v3 =	vld [tilespmem:s13+$0xFC80]  }
0x4e: {  	v4 =	vld [tilespmem:s13+$0x11480]  }
0x4f: {  	p0 =	slt.u32 s8, s1;
	s14 =	simm.s32 $0x1;
	v1 =	vld [tilespmem:s13+$0x11C80]  }
0x50: {  	s14 =	simm.s32 @!p0 $0x0  }
0x51: {  	v0 =	vmov s14  }
0x52: {  	v2 =	vmul.u32 v0, v3  }
0x53: {  	s15 =	simm.s32 $0x80;
	s14 =	simm.s32 $0x10;
	v3 =	vadd.s32 v3, v4  }
.LBB2_8:
0x54: {  	p0 =	sne.s32 s15, $0x1FC0;
	v4 =	vld [tilespmem:s14+$0xFC80];
	[tilespmem:s13+$0x11480] =	vst v3;
	v1 =	vadd.s32 v2, v1  }
0x55: {  	v3 =	vld [tilespmem:s14+$0x11480];
	[tilespmem:s13+$0x11C80] =	vst v1;
	s13 =	smov.u32 s14  }
.Ltmp3:
0x56: {  	v1 =	vld [tilespmem:s13+$0x11C80];
	(pc) =	sbr.rel @p0 .LBB2_8-.Ltmp3, $3  }
0x57: {  	_ =	sdelay $0x1  }
0x58: {  	v2 =	vmul.u32 v0, v4  }
0x59: {  	s14 =	sshra.s32 s15, $0x2;
	s15 =	sadd.s32 $0x40, s15;
	v3 =	vadd.s32 v4, v3  }
0x5a: {  	v4 =	vld [tilespmem:s14+$0xFC80];
	[tilespmem:s13+$0x11480] =	vst v3;
	v1 =	vadd.s32 v2, v1  }
0x5b: {  	v63 =	vld [tilespmem:s14+$0x11480];
	[tilespmem:s13+$0x11C80] =	vst v1  }
0x5c: {  	s8 =	sadd.s32 $0x1, s8;
	v1 =	vld [tilespmem:s14+$0x11C80]  }
0x5d: {  	p0 =	sne.s32 s8, $0x10  }
.Ltmp4:
0x5e: {  	_ = 	snop;
	(pc) =	sbr.rel @p0 .LBB2_7-.Ltmp4, $4  }
0x5f: {  	v0 =	vmul.u32 v0, v4  }
0x60: {  	v2 =	vadd.s32 v4, v63  }
0x61: {  	[tilespmem:s14+$0x11480] =	vst v2;
	v0 =	vadd.s32 v0, v1  }
0x62: {  	[tilespmem:s14+$0x11C80] =	vst v0  }
0x63: {  	s11 =	simm.s32 $0x0  }
0x64: {  	v13 =	vld [tilespmem:s11+$0x11480];
	_ =	sdelay $0x4  }
0x65: {  	s8 =	simm.s32 $0x10;
	(xrf0) =	vadd.scan.msk.s32 $0xffff, v13  }
0x66: {  	v2 =	vld [tilespmem:s8+$0x11480];
	_ =	sdelay $0x2  }
0x67: {  	s10 =	simm.s32 $0x20  }
0x68: {  	v0 =	vld [tilespmem:s10+$0x11480]  }
0x69: {  	v4, _, _ =	vpop (xrf0);
	(xrf0) =	vadd.scan.msk.s32 $0xffff, v2;
	_ =	sdelay $0x1  }
0x6a: {  	v1 =	vxor.u32 $0x80000000, v4  }
0x6b: {  	(xrf0) =	vmax.scan.msk.u32 $0xffff, v1  }
0x6c: {  	(xrf0) =	vadd.scan.msk.s32 $0xffff, v0  }
0x6d: {  	s9 =	simm.s32 $0x30  }
0x6e: {  	v1 =	vld [tilespmem:s9+$0x11480];
	v5, _, _ =	vpop (xrf0)  }
0x6f: {  	v3 =	vxor.u32 $0x80000000, v5;
	_ =	sdelay $0x1  }
0x70: {  	v7, _, _ =	vpop (xrf0)  }
0x71: {  	(xrf0) =	vmax.scan.msk.u32 $0xffff, v3;
	v3, _, _ =	vpop (xrf0)  }
0x72: {  	(xrf0) =	vadd.scan.msk.s32 $0xffff, v1;
	v6 =	vxor.u32 $0x80000000, v3  }
0x73: {  	(xrf0) =	vmax.scan.msk.u32 $0xffff, v6;
	_ =	sdelay $0x2  }
0x74: {  	(v2sf) =	vpush v7, $0xF  }
0x75: {  	v9, _, _ =	vpop (xrf0)  }
0x76: {  	v11, _, _ =	vpop (xrf0)  }
0x77: {  	s12 =	simm.s32 $0x40;
	(v2sf) =	vpush v9, $0xF;
	v16, _, _ =	vpop (xrf0)  }
0x78: {  	v6 =	vld [tilespmem:s12+$0x11480];
	(v2sf) =	vpush v16, $0xF;
	_ =	sdelay $0x2  }
0x79: {  	v14 =	vld [tilespmem:s11+$0x11C80]  }
0x7a: {  	s13 =	simm.s32 $0x50;
	v12 =	vld [tilespmem:s8+$0x11C80]  }
0x7b: {  	s14 =	simm.s32 $0x0;
	v9 =	vld [tilespmem:s13+$0x11C80];
	(xrf0) =	vadd.scan.msk.s32 $0xffff, v6  }
0x7c: {  	v17 =	vsub.s32 s14, v13;
	v13 =	vld [tilespmem:s13+$0x11480];
	v15 =	vxor.u32 $0x80000000, v11  }
0x7d: {  	v10 =	vld [tilespmem:s10+$0x11C80];
	(xrf0) =	vmax.scan.msk.u32 $0xffff, v15  }
0x7e: {  	v8 =	vld [tilespmem:s9+$0x11C80]  }
0x7f: {  	s15 =	simm.s32 $0x180;
	v14 =	vadd.s32 v14, v17;
	v7 =	vld [tilespmem:s12+$0x11C80]  }
.LBB2_11:
0x80: {  	s16 =	sshra.s32 s15, $0x2;
	v14 =	vadd.s32 v4, v14;
	v15 =	vmovc v9;
	v4 =	vmovc v5;
	v5 =	vmov v3;
	v3 =	vmov v11;
	p0 =	sne.s32 s15, $0x1FC0  }
.Ltmp5:
0x81: {  	s15 =	sadd.s32 $0x40, s15;
	v9 =	vld [tilespmem:s16+$0x11C80];
	(xrf0) =	vadd.scan.msk.s32 $0xffff, v13;
	v11, _, _ =	vpop (xrf0);
	[tilespmem:s11+$0x10C80] =	vst v14;
	s11 =	spop (v2sf);
	(pc) =	sbr.rel @p0 .LBB2_11-.Ltmp5, $4  }
0x82: {  	v16 =	vmov v6;
	v6 =	vmov v13;
	v17 =	vxor.u32 $0x80000000, v11;
	s14 =	sadd.s32 s11, s14;
	v13 =	vld [tilespmem:s16+$0x11480];
	s11 =	smov.u32 s8;
	s8 =	smov.u32 s10  }
0x83: {  	s10 =	smov.u32 s9;
	s9 =	smov.u32 s12;
	(xrf0) =	vmax.scan.msk.u32 $0xffff, v17;
	v14, _, _ =	vpop (xrf0);
	s14 =	sadd.s32 $0x80000000, s14  }
0x84: {  	s12 =	smov.u32 s13;
	s13 =	smov.u32 s16;
	(v2sf) =	vpush v14, $0xF;
	v14 =	vsub.s32 s14, v2;
	v2 =	vmovc v0;
	v0 =	vmovc v1;
	v1 =	vmov v16  }
0x85: {  	v14 =	vadd.s32 v12, v14;
	v12 =	vmovc v10;
	v10 =	vmovc v8;
	v8 =	vmov v7;
	v7 =	vmov v15  }
0x86: {  	_ = 	snop  }
0x87: {  	(xrf0) =	vadd.scan.msk.s32 $0xffff, v13;
	v15, _, _ =	vpop (xrf0)  }
0x88: {  	v16 =	vxor.u32 $0x80000000, v15  }
0x89: {  	(xrf0) =	vmax.scan.msk.u32 $0xffff, v16;
	_ =	sdelay $0x2  }
0x8a: {  	v60, _, _ =	vpop (xrf0)  }
0x8b: {  	v17, _, _ =	vpop (xrf0)  }
0x8c: {  	(v2sf) =	vpush v60, $0xF;
	v61 =	vxor.u32 $0x80000000, v17  }
0x8d: {  	(xrf0) =	vmax.scan.msk.u32 $0xffff, v61;
	v62, _, _ =	vpop (xrf0)  }
0x8e: {  	(v2sf) =	vpush v62, $0xF;
	_ =	sdelay $0x4  }
0x8f: {  	v63, _, _ =	vpop (xrf0)  }
0x90: {  	(v2sf) =	vpush v63, $0xF  }
0x91: {  	s15 =	spop (v2sf)  }
0x92: {  	s14 =	sadd.s32 s15, s14  }
0x93: {  	s25 =	spop (v2sf);
	s14 =	sadd.s32 $0x80000000, s14  }
0x94: {  	s15 =	sadd.s32 s25, s14  }
0x95: {  	s15 =	sadd.s32 $0x80000000, s15;
	s16 =	spop (v2sf)  }
0x96: {  	s16 =	sadd.s32 s16, s15  }
0x97: {  	s16 =	sadd.s32 $0x80000000, s16;
	s17 =	spop (v2sf)  }
0x98: {  	v2 =	vsub.s32 s14, v2;
	s26 =	sadd.s32 s17, s16  }
0x99: {  	v4 =	vadd.s32 v4, v14;
	v2 =	vadd.s32 v12, v2;
	v0 =	vsub.s32 s15, v0;
	s14 =	sadd.s32 $0x80000000, s26;
	s28 =	spop (v2sf)  }
0x9a: {  	[tilespmem:s11+$0x10C80] =	vst v4;
	v2 =	vadd.s32 v5, v2;
	v0 =	vadd.s32 v10, v0;
	v1 =	vsub.s32 s16, v1;
	s29 =	sadd.s32 s28, s14  }
0x9b: {  	[tilespmem:s8+$0x10C80] =	vst v2;
	v0 =	vadd.s32 v3, v0;
	v1 =	vadd.s32 v8, v1;
	v2 =	vsub.s32 s14, v6;
	s30 =	sadd.s32 $0x80000000, s29  }
0x9c: {  	[tilespmem:s10+$0x10C80] =	vst v0;
	v0 =	vadd.s32 v11, v1;
	v1 =	vadd.s32 v7, v2;
	v2 =	vsub.s32 s30, v13  }
0x9d: {  	[tilespmem:s9+$0x10C80] =	vst v0;
	v0 =	vadd.s32 v15, v1;
	v1 =	vadd.s32 v9, v2  }
0x9e: {  	p0 =	por $0x1, $0x1;
	[tilespmem:s12+$0x10C80] =	vst v0;
	v0 =	vadd.s32 v17, v1  }
0x9f: {  	s8 =	simm.s32 @!p0 $0x1;
	[tilespmem:s13+$0x10C80] =	vst v0;
	s31 =	spop (v2sf)  }
0xa0: {  	_ =	swait.ge @!p0 [sflag:s8], $0x80  }
0xa1: {  	[sflag:s8] =	ssyncset.done @!p0 $0x0  }
0xa2: {  	s9 =	simm.s32 $0x0;
	[sflag:s8] =	ssyncadd.s32 @!p0 $0xFFFFFF80  }
0xa3: {  	v0 =	vld [tilespmem:s9+$0x0];
	_ =	sdelay $0x4  }
0xa4: {  	v1 =	vand.u32 $0x7FF, v0  }
0xa5: {  	(xrf1) =	vunique.msk.u32 $0xffff, v1;
	_ =	sdelay $0x8  }
0xa6: {  	s8 =	simm.s32 $0x10C80  }
0xa7: {  	v2 =	vld.idx.msk [tilespmem:v1+s8+$0x0], $0xffff;
	_ =	sdelay $0x3  }
0xa8: {  	_, v3, _ =	vpop (xrf1)  }
0xa9: {  	v0 =	vimm.s32 $0x1;
	v2 =	vadd.s32 v3, v2  }
0xaa: {  	s12 =	sand.u32 $0x780, s9;
	[tilespmem:v1+s8+$0x0] =	vst.idx.add.s32.msk $0xffff, v0;
	v2 =	vadd.s32 $0xFFFFFFFF, v2  }
0xab: {  	[tilespmem:s12+$0xF480] =	vst v2  }
0xac: {  	v1 =	vld [tilespmem:s9+$0x10];
	_ =	sdelay $0x4  }
0xad: {  	v1 =	vand.u32 $0x7FF, v1  }
0xae: {  	(xrf1) =	vunique.msk.u32 $0xffff, v1;
	_ =	sdelay $0x9  }
0xaf: {  	v2 =	vld.idx.msk [tilespmem:v1+s8+$0x0], $0xffff;
	_ =	sdelay $0x3  }
0xb0: {  	_, v3, _ =	vpop (xrf1)  }
0xb1: {  	v2 =	vadd.s32 v3, v2  }
0xb2: {  	[tilespmem:v1+s8+$0x0] =	vst.idx.add.s32.msk $0xffff, v0;
	v2 =	vadd.s32 $0xFFFFFFFF, v2  }
0xb3: {  	[tilespmem:s12+$0xF490] =	vst v2  }
0xb4: {  	v1 =	vld [tilespmem:s9+$0x20];
	_ =	sdelay $0x4  }
0xb5: {  	v1 =	vand.u32 $0x7FF, v1  }
0xb6: {  	(xrf1) =	vunique.msk.u32 $0xffff, v1;
	_ =	sdelay $0x9  }
0xb7: {  	v2 =	vld.idx.msk [tilespmem:v1+s8+$0x0], $0xffff;
	_ =	sdelay $0x3  }
0xb8: {  	_, v3, _ =	vpop (xrf1)  }
0xb9: {  	v2 =	vadd.s32 v3, v2  }
0xba: {  	[tilespmem:v1+s8+$0x0] =	vst.idx.add.s32.msk $0xffff, v0;
	v2 =	vadd.s32 $0xFFFFFFFF, v2  }
0xbb: {  	[tilespmem:s12+$0xF4A0] =	vst v2  }
0xbc: {  	v1 =	vld [tilespmem:s9+$0x30];
	_ =	sdelay $0x4  }
0xbd: {  	v1 =	vand.u32 $0x7FF, v1  }
0xbe: {  	(xrf1) =	vunique.msk.u32 $0xffff, v1;
	_ =	sdelay $0x9  }
0xbf: {  	v2 =	vld.idx.msk [tilespmem:v1+s8+$0x0], $0xffff;
	_ =	sdelay $0x3  }
0xc0: {  	_, v3, _ =	vpop (xrf1)  }
0xc1: {  	v2 =	vadd.s32 v3, v2  }
0xc2: {  	[tilespmem:v1+s8+$0x0] =	vst.idx.add.s32.msk $0xffff, v0;
	v1 =	vadd.s32 $0xFFFFFFFF, v2  }
0xc3: {  	[tilespmem:s12+$0xF4B0] =	vst v1  }
0xc4: {  	v1 =	vld [tilespmem:s9+$0x40];
	_ =	sdelay $0x4  }
0xc5: {  	v1 =	vand.u32 $0x7FF, v1  }
0xc6: {  	(xrf1) =	vunique.msk.u32 $0xffff, v1;
	_ =	sdelay $0x9  }
0xc7: {  	v2 =	vld.idx.msk [tilespmem:v1+s8+$0x0], $0xffff;
	_ =	sdelay $0x3  }
0xc8: {  	_, v3, _ =	vpop (xrf1)  }
0xc9: {  	v2 =	vadd.s32 v3, v2  }
0xca: {  	[tilespmem:v1+s8+$0x0] =	vst.idx.add.s32.msk $0xffff, v0;
	v1 =	vadd.s32 $0xFFFFFFFF, v2  }
0xcb: {  	[tilespmem:s12+$0xF4C0] =	vst v1  }
0xcc: {  	v1 =	vld [tilespmem:s9+$0x50];
	_ =	sdelay $0x4  }
0xcd: {  	v1 =	vand.u32 $0x7FF, v1  }
0xce: {  	(xrf1) =	vunique.msk.u32 $0xffff, v1;
	_ =	sdelay $0x9  }
0xcf: {  	v2 =	vld.idx.msk [tilespmem:v1+s8+$0x0], $0xffff;
	_ =	sdelay $0x3  }
0xd0: {  	_, v3, _ =	vpop (xrf1)  }
0xd1: {  	v2 =	vadd.s32 v3, v2  }
0xd2: {  	[tilespmem:v1+s8+$0x0] =	vst.idx.add.s32.msk $0xffff, v0;
	v1 =	vadd.s32 $0xFFFFFFFF, v2  }
0xd3: {  	[tilespmem:s12+$0xF4D0] =	vst v1  }
0xd4: {  	v1 =	vld [tilespmem:s9+$0x60];
	_ =	sdelay $0x4  }
0xd5: {  	v1 =	vand.u32 $0x7FF, v1  }
0xd6: {  	(xrf1) =	vunique.msk.u32 $0xffff, v1;
	_ =	sdelay $0x9  }
0xd7: {  	v2 =	vld.idx.msk [tilespmem:v1+s8+$0x0], $0xffff;
	_ =	sdelay $0x3  }
0xd8: {  	_, v3, _ =	vpop (xrf1)  }
0xd9: {  	v2 =	vadd.s32 v3, v2  }
0xda: {  	[tilespmem:v1+s8+$0x0] =	vst.idx.add.s32.msk $0xffff, v0;
	v1 =	vadd.s32 $0xFFFFFFFF, v2  }
0xdb: {  	[tilespmem:s12+$0xF4E0] =	vst v1  }
0xdc: {  	v1 =	vld [tilespmem:s9+$0x70];
	_ =	sdelay $0x4  }
0xdd: {  	v1 =	vand.u32 $0x7FF, v1  }
0xde: {  	(xrf1) =	vunique.msk.u32 $0xffff, v1;
	_ =	sdelay $0x9  }
0xdf: {  	v2 =	vld.idx.msk [tilespmem:v1+s8+$0x0], $0xffff;
	_ =	sdelay $0x3  }
0xe0: {  	_, v3, _ =	vpop (xrf1)  }
0xe1: {  	p1 =	por $0x1, $0x1;
	s11 =	simm.s32 $0x80;
	s10 =	simm.s32 $0x80;
	v2 =	vadd.s32 v3, v2  }
0xe2: {  	s16 =	sadd.s32 $0xF480, s12;
	s14 =	simm.s32 $0x0;
	s13 =	simm.s32 $0x2;
	[tilespmem:v1+s8+$0x0] =	vst.idx.add.s32.msk $0xffff, v0;
	v1 =	vadd.s32 $0xFFFFFFFF, v2  }
.LBB2_13:
0xe3: {  	s17 =	simm.s32 @!p1 $0x1  }
0xe4: {  	[tilespmem:s12+$0xF4F0] =	vst v1;
	s9 =	sadd.s32 $0x80, s9;
	s15 =	smov.u32 s13;
	s13 =	sadd.s32 $0x1, s13  }
0xe5: {  	[hbm4b:s7+s10] =	stream.indirect.scatter [tilespmem:s14], [sflag:$0x1], $0x1, s16, s10, $0xb8;
	[tilespmem:$0x12C80] =	vst v63  }
0xe6: {  	p0 =	sne.s32 s13, $0x1E9;
	s14 =	smov.u32 s11;
	_ =	swait.ge @!p1 [sflag:s17], $0x80  }
0xe7: {  	[sflag:s17] =	ssyncset.done @!p1 $0x0  }
0xe8: {  	[sflag:s17] =	ssyncadd.s32 @!p1 $0xFFFFFF80  }
0xe9: {  	v1 =	vld [tilespmem:s11+$0x0];
	_ =	sdelay $0x4  }
0xea: {  	v1 =	vand.u32 $0x7FF, v1  }
0xeb: {  	(xrf1) =	vunique.msk.u32 $0xffff, v1;
	_ =	sdelay $0x8  }
0xec: {  	v2 =	vld.idx.msk [tilespmem:v1+s8+$0x0], $0xffff;
	_ =	sdelay $0x4  }
0xed: {  	_, v3, _ =	vpop (xrf1)  }
0xee: {  	v2 =	vadd.s32 v3, v2  }
0xef: {  	s12 =	sand.u32 $0x780, s9;
	v2 =	vadd.s32 $0xFFFFFFFF, v2;
	[tilespmem:v1+s8+$0x0] =	vst.idx.add.s32.msk $0xffff, v0  }
0xf0: {  	[tilespmem:s12+$0xF480] =	vst v2  }
0xf1: {  	v1 =	vld [tilespmem:s11+$0x10];
	_ =	sdelay $0x4  }
0xf2: {  	v1 =	vand.u32 $0x7FF, v1  }
0xf3: {  	(xrf1) =	vunique.msk.u32 $0xffff, v1;
	_ =	sdelay $0x8  }
0xf4: {  	v2 =	vld.idx.msk [tilespmem:v1+s8+$0x0], $0xffff;
	_ =	sdelay $0x4  }
0xf5: {  	_, v3, _ =	vpop (xrf1)  }
0xf6: {  	v2 =	vadd.s32 v3, v2  }
0xf7: {  	v2 =	vadd.s32 $0xFFFFFFFF, v2;
	[tilespmem:v1+s8+$0x0] =	vst.idx.add.s32.msk $0xffff, v0  }
0xf8: {  	[tilespmem:s12+$0xF490] =	vst v2  }
0xf9: {  	v1 =	vld [tilespmem:s11+$0x20];
	_ =	sdelay $0x4  }
0xfa: {  	v1 =	vand.u32 $0x7FF, v1  }
0xfb: {  	(xrf1) =	vunique.msk.u32 $0xffff, v1;
	_ =	sdelay $0x8  }
0xfc: {  	v2 =	vld.idx.msk [tilespmem:v1+s8+$0x0], $0xffff;
	_ =	sdelay $0x4  }
0xfd: {  	_, v3, _ =	vpop (xrf1)  }
0xfe: {  	v2 =	vadd.s32 v3, v2  }
0xff: {  	v2 =	vadd.s32 $0xFFFFFFFF, v2;
	[tilespmem:v1+s8+$0x0] =	vst.idx.add.s32.msk $0xffff, v0  }
0x100: {  	[tilespmem:s12+$0xF4A0] =	vst v2  }
0x101: {  	v1 =	vld [tilespmem:s11+$0x30];
	_ =	sdelay $0x4  }
0x102: {  	v1 =	vand.u32 $0x7FF, v1  }
0x103: {  	(xrf1) =	vunique.msk.u32 $0xffff, v1;
	_ =	sdelay $0x8  }
0x104: {  	v2 =	vld.idx.msk [tilespmem:v1+s8+$0x0], $0xffff  }
0x105: {  	[tilespmem:v1+s8+$0x0] =	vst.idx.add.s32.msk $0xffff, v0;
	_ =	sdelay $0x3  }
0x106: {  	_, v1, _ =	vpop (xrf1)  }
0x107: {  	v1 =	vadd.s32 v1, v2  }
0x108: {  	v1 =	vadd.s32 $0xFFFFFFFF, v1  }
0x109: {  	[tilespmem:s12+$0xF4B0] =	vst v1  }
0x10a: {  	v1 =	vld [tilespmem:s11+$0x40];
	_ =	sdelay $0x4  }
0x10b: {  	v1 =	vand.u32 $0x7FF, v1  }
0x10c: {  	(xrf1) =	vunique.msk.u32 $0xffff, v1;
	_ =	sdelay $0x3  }
0x10d: {  	v2 =	vld.idx.msk [tilespmem:v1+s8+$0x0], $0xffff  }
0x10e: {  	[tilespmem:v1+s8+$0x0] =	vst.idx.add.s32.msk $0xffff, v0;
	_ =	sdelay $0x8  }
0x10f: {  	_, v1, _ =	vpop (xrf1)  }
0x110: {  	v1 =	vadd.s32 v1, v2  }
0x111: {  	v1 =	vadd.s32 $0xFFFFFFFF, v1  }
0x112: {  	[tilespmem:s12+$0xF4C0] =	vst v1  }
0x113: {  	v1 =	vld [tilespmem:s11+$0x50];
	_ =	sdelay $0x4  }
0x114: {  	v1 =	vand.u32 $0x7FF, v1  }
0x115: {  	(xrf1) =	vunique.msk.u32 $0xffff, v1;
	_ =	sdelay $0x3  }
0x116: {  	v2 =	vld.idx.msk [tilespmem:v1+s8+$0x0], $0xffff  }
0x117: {  	[tilespmem:v1+s8+$0x0] =	vst.idx.add.s32.msk $0xffff, v0;
	_ =	sdelay $0x8  }
0x118: {  	_, v1, _ =	vpop (xrf1)  }
0x119: {  	v1 =	vadd.s32 v1, v2  }
0x11a: {  	v1 =	vadd.s32 $0xFFFFFFFF, v1  }
0x11b: {  	[tilespmem:s12+$0xF4D0] =	vst v1  }
0x11c: {  	v1 =	vld [tilespmem:s11+$0x60];
	_ =	sdelay $0x4  }
0x11d: {  	v1 =	vand.u32 $0x7FF, v1  }
0x11e: {  	(xrf1) =	vunique.msk.u32 $0xffff, v1;
	_ =	sdelay $0x3  }
0x11f: {  	v2 =	vld.idx.msk [tilespmem:v1+s8+$0x0], $0xffff  }
0x120: {  	[tilespmem:v1+s8+$0x0] =	vst.idx.add.s32.msk $0xffff, v0;
	_ =	sdelay $0x8  }
0x121: {  	_, v1, _ =	vpop (xrf1)  }
0x122: {  	v1 =	vadd.s32 v1, v2  }
0x123: {  	v1 =	vadd.s32 $0xFFFFFFFF, v1  }
0x124: {  	[tilespmem:s12+$0xF4E0] =	vst v1  }
0x125: {  	v1 =	vld [tilespmem:s11+$0x70];
	_ =	sdelay $0x4  }
0x126: {  	v1 =	vand.u32 $0x7FF, v1  }
0x127: {  	(xrf1) =	vunique.msk.u32 $0xffff, v1;
	_ =	sdelay $0x3  }
0x128: {  	v2 =	vld.idx.msk [tilespmem:v1+s8+$0x0], $0xffff  }
0x129: {  	[tilespmem:v1+s8+$0x0] =	vst.idx.add.s32.msk $0xffff, v0;
	_ =	sdelay $0x6  }
.Ltmp6:
0x12a: {  	(pc) =	sbr.rel @p0 .LBB2_13-.Ltmp6, $4  }
0x12b: {  	_ = 	snop  }
0x12c: {  	_, v1, _ =	vpop (xrf1)  }
0x12d: {  	v1 =	vadd.s32 v1, v2  }
0x12e: {  	s16 =	sadd.s32 $0xF480, s12;
	p1 =	slt.u32 s15, $0x10;
	s11 =	sadd.s32 $0x80, s11;
	v1 =	vadd.s32 $0xFFFFFFFF, v1  }
0x12f: {  	s13 =	simm.s32 @!p1 $0x1;
	[tilespmem:s12+$0xF4F0] =	vst v1  }
0x130: {  	[hbm4b:s7+s10] =	stream.indirect.scatter [tilespmem:s14], [sflag:$0x1], $0x1, s16, s10, $0xb8;
	[tilespmem:$0x12C80] =	vst v63  }
0x131: {  	_ =	swait.ge @!p1 [sflag:s13], $0x80  }
0x132: {  	[sflag:s13] =	ssyncset.done @!p1 $0x0  }
0x133: {  	[sflag:s13] =	ssyncadd.s32 @!p1 $0xFFFFFF80  }
0x134: {  	v1 =	vld [tilespmem:s11+$0x0];
	_ =	sdelay $0x4  }
0x135: {  	v1 =	vand.u32 $0x7FF, v1  }
0x136: {  	(xrf1) =	vunique.msk.u32 $0xffff, v1;
	_ =	sdelay $0x9  }
0x137: {  	v2 =	vld.idx.msk [tilespmem:v1+s8+$0x0], $0xffff;
	_ =	sdelay $0x3  }
0x138: {  	_, v3, _ =	vpop (xrf1)  }
0x139: {  	s9 =	sadd.s32 $0x80, s9;
	v2 =	vadd.s32 v3, v2  }
0x13a: {  	s9 =	sand.u32 $0x780, s9;
	[tilespmem:v1+s8+$0x0] =	vst.idx.add.s32.msk $0xffff, v0;
	v2 =	vadd.s32 $0xFFFFFFFF, v2  }
0x13b: {  	[tilespmem:s9+$0xF480] =	vst v2  }
0x13c: {  	v1 =	vld [tilespmem:s11+$0x10];
	_ =	sdelay $0x4  }
0x13d: {  	v1 =	vand.u32 $0x7FF, v1  }
0x13e: {  	(xrf1) =	vunique.msk.u32 $0xffff, v1;
	_ =	sdelay $0x9  }
0x13f: {  	v2 =	vld.idx.msk [tilespmem:v1+s8+$0x0], $0xffff;
	_ =	sdelay $0x3  }
0x140: {  	_, v3, _ =	vpop (xrf1)  }
0x141: {  	v2 =	vadd.s32 v3, v2  }
0x142: {  	[tilespmem:v1+s8+$0x0] =	vst.idx.add.s32.msk $0xffff, v0;
	v2 =	vadd.s32 $0xFFFFFFFF, v2  }
0x143: {  	[tilespmem:s9+$0xF490] =	vst v2  }
0x144: {  	v1 =	vld [tilespmem:s11+$0x20];
	_ =	sdelay $0x4  }
0x145: {  	v1 =	vand.u32 $0x7FF, v1  }
0x146: {  	(xrf1) =	vunique.msk.u32 $0xffff, v1;
	_ =	sdelay $0x9  }
0x147: {  	v2 =	vld.idx.msk [tilespmem:v1+s8+$0x0], $0xffff;
	_ =	sdelay $0x3  }
0x148: {  	_, v3, _ =	vpop (xrf1)  }
0x149: {  	v2 =	vadd.s32 v3, v2  }
0x14a: {  	[tilespmem:v1+s8+$0x0] =	vst.idx.add.s32.msk $0xffff, v0;
	v2 =	vadd.s32 $0xFFFFFFFF, v2  }
0x14b: {  	[tilespmem:s9+$0xF4A0] =	vst v2  }
0x14c: {  	v1 =	vld [tilespmem:s11+$0x30];
	_ =	sdelay $0x4  }
0x14d: {  	v1 =	vand.u32 $0x7FF, v1  }
0x14e: {  	(xrf1) =	vunique.msk.u32 $0xffff, v1;
	_ =	sdelay $0x9  }
0x14f: {  	v2 =	vld.idx.msk [tilespmem:v1+s8+$0x0], $0xffff;
	_ =	sdelay $0x3  }
0x150: {  	_, v3, _ =	vpop (xrf1)  }
0x151: {  	v2 =	vadd.s32 v3, v2  }
0x152: {  	[tilespmem:v1+s8+$0x0] =	vst.idx.add.s32.msk $0xffff, v0;
	v1 =	vadd.s32 $0xFFFFFFFF, v2  }
0x153: {  	[tilespmem:s9+$0xF4B0] =	vst v1  }
0x154: {  	v1 =	vld [tilespmem:s11+$0x40];
	_ =	sdelay $0x4  }
0x155: {  	v1 =	vand.u32 $0x7FF, v1  }
0x156: {  	(xrf1) =	vunique.msk.u32 $0xffff, v1;
	_ =	sdelay $0x9  }
0x157: {  	v2 =	vld.idx.msk [tilespmem:v1+s8+$0x0], $0xffff;
	_ =	sdelay $0x3  }
0x158: {  	_, v3, _ =	vpop (xrf1)  }
0x159: {  	v2 =	vadd.s32 v3, v2  }
0x15a: {  	[tilespmem:v1+s8+$0x0] =	vst.idx.add.s32.msk $0xffff, v0;
	v1 =	vadd.s32 $0xFFFFFFFF, v2  }
0x15b: {  	[tilespmem:s9+$0xF4C0] =	vst v1  }
0x15c: {  	v1 =	vld [tilespmem:s11+$0x50];
	_ =	sdelay $0x4  }
0x15d: {  	v1 =	vand.u32 $0x7FF, v1  }
0x15e: {  	(xrf1) =	vunique.msk.u32 $0xffff, v1;
	_ =	sdelay $0x9  }
0x15f: {  	v2 =	vld.idx.msk [tilespmem:v1+s8+$0x0], $0xffff;
	_ =	sdelay $0x3  }
0x160: {  	_, v3, _ =	vpop (xrf1)  }
0x161: {  	v2 =	vadd.s32 v3, v2  }
0x162: {  	[tilespmem:v1+s8+$0x0] =	vst.idx.add.s32.msk $0xffff, v0;
	v1 =	vadd.s32 $0xFFFFFFFF, v2  }
0x163: {  	[tilespmem:s9+$0xF4D0] =	vst v1  }
0x164: {  	v1 =	vld [tilespmem:s11+$0x60];
	_ =	sdelay $0x4  }
0x165: {  	v1 =	vand.u32 $0x7FF, v1  }
0x166: {  	(xrf1) =	vunique.msk.u32 $0xffff, v1;
	_ =	sdelay $0x9  }
0x167: {  	v2 =	vld.idx.msk [tilespmem:v1+s8+$0x0], $0xffff;
	_ =	sdelay $0x3  }
0x168: {  	_, v3, _ =	vpop (xrf1)  }
0x169: {  	v2 =	vadd.s32 v3, v2  }
0x16a: {  	[tilespmem:v1+s8+$0x0] =	vst.idx.add.s32.msk $0xffff, v0;
	v1 =	vadd.s32 $0xFFFFFFFF, v2  }
0x16b: {  	[tilespmem:s9+$0xF4E0] =	vst v1  }
0x16c: {  	v1 =	vld [tilespmem:s11+$0x70];
	_ =	sdelay $0x4  }
0x16d: {  	v1 =	vand.u32 $0x7FF, v1  }
0x16e: {  	(xrf1) =	vunique.msk.u32 $0xffff, v1;
	_ =	sdelay $0x9  }
0x16f: {  	v2 =	vld.idx.msk [tilespmem:v1+s8+$0x0], $0xffff;
	_ =	sdelay $0x3  }
0x170: {  	_, v3, _ =	vpop (xrf1)  }
0x171: {  	v2 =	vadd.s32 v3, v2  }
0x172: {  	[tilespmem:v1+s8+$0x0] =	vst.idx.add.s32.msk $0xffff, v0;
	v0 =	vadd.s32 $0xFFFFFFFF, v2  }
0x173: {  	s29 =	simm.s32 $0x1;
	s28 =	sadd.s32 $0xF480, s9;
	[tilespmem:s9+$0xF4F0] =	vst v0  }
0x174: {  	[hbm4b:s7+s10] =	stream.indirect.scatter [tilespmem:s11], [sflag:$0x1], $0x1, s28, s10, $0xb8;
	[tilespmem:$0x12C80] =	vst v63  }
0x175: {  	_ =	swait.ge [sflag:s29], $0x80  }
0x176: {  	[sflag:s29] =	ssyncset.done $0x0  }
0x177: {  	[sflag:s29] =	ssyncadd.s32 $0xFFFFFF80  }
0x178: {  	_ =	swait.ge [sflag:s29], $0x80  }
0x179: {  	[sflag:s29] =	ssyncset.done $0x0  }
0x17a: {  	[sflag:s29] =	ssyncadd.s32 $0xFFFFFF80  }
0x17b: {  	_ =	swait.ge [sflag:s29], $0x80  }
0x17c: {  	[sflag:s29] =	ssyncset.done $0x0  }
0x17d: {  	[sflag:s29] =	ssyncadd.s32 $0xFFFFFF80  }
0x17e: {  	_ =	swait.ge [sflag:s29], $0x80  }
0x17f: {  	[sflag:s29] =	ssyncset.done $0x0  }
0x180: {  	[sflag:s29] =	ssyncadd.s32 $0xFFFFFF80  }
0x181: {  	_ =	swait.ge [sflag:s29], $0x80  }
0x182: {  	[sflag:s29] =	ssyncset.done $0x0  }
0x183: {  	[sflag:s29] =	ssyncadd.s32 $0xFFFFFF80  }
0x184: {  	_ =	swait.ge [sflag:s29], $0x80  }
0x185: {  	[sflag:s29] =	ssyncset.done $0x0  }
0x186: {  	[sflag:s29] =	ssyncadd.s32 $0xFFFFFF80  }
0x187: {  	_ =	swait.ge [sflag:s29], $0x80  }
0x188: {  	[sflag:s29] =	ssyncset.done $0x0  }
0x189: {  	[sflag:s29] =	ssyncadd.s32 $0xFFFFFF80  }
0x18a: {  	_ =	swait.ge [sflag:s29], $0x80  }
0x18b: {  	[sflag:s29] =	ssyncset.done $0x0  }
0x18c: {  	[sflag:s29] =	ssyncadd.s32 $0xFFFFFF80  }
0x18d: {  	_ =	swait.ge [sflag:s29], $0x80  }
0x18e: {  	[sflag:s29] =	ssyncset.done $0x0  }
0x18f: {  	[sflag:s29] =	ssyncadd.s32 $0xFFFFFF80  }
0x190: {  	_ =	swait.ge [sflag:s29], $0x80  }
0x191: {  	[sflag:s29] =	ssyncset.done $0x0  }
0x192: {  	[sflag:s29] =	ssyncadd.s32 $0xFFFFFF80  }
0x193: {  	_ =	swait.ge [sflag:s29], $0x80  }
0x194: {  	[sflag:s29] =	ssyncset.done $0x0  }
0x195: {  	[sflag:s29] =	ssyncadd.s32 $0xFFFFFF80  }
0x196: {  	_ =	swait.ge [sflag:s29], $0x80  }
0x197: {  	[sflag:s29] =	ssyncset.done $0x0  }
0x198: {  	[sflag:s29] =	ssyncadd.s32 $0xFFFFFF80  }
0x199: {  	_ =	swait.ge [sflag:s29], $0x80  }
0x19a: {  	[sflag:s29] =	ssyncset.done $0x0  }
0x19b: {  	[sflag:s29] =	ssyncadd.s32 $0xFFFFFF80  }
0x19c: {  	_ =	swait.ge [sflag:s29], $0x80  }
0x19d: {  	[sflag:s29] =	ssyncset.done $0x0  }
0x19e: {  	[sflag:s29] =	ssyncadd.s32 $0xFFFFFF80  }
0x19f: {  	_ =	swait.ge [sflag:s29], $0x80  }
0x1a0: {  	[sflag:s29] =	ssyncset.done $0x0  }
0x1a1: {  	[sflag:s29] =	ssyncadd.s32 $0xFFFFFF80  }
0x1a2: {  	_ =	swait.ge [sflag:s29], $0x80  }
0x1a3: {  	[sflag:s29] =	ssyncset.done $0x0  }
0x1a4: {  	s30 =	sadd.s32 s6, s7;
	[sflag:s29] =	ssyncadd.s32 $0xFFFFFF80  }
0x1a5: {  	s31 =	simm.s32 $0x2;
	s7 =	simm.s32 $0x0;
	[bflag:$0x0] =	sbarrier.arrive $0xFFFF  }
0x1a6: {  	[tilespmem:s7], [sflag:$0x2] =	stream.linear.gather [hbm4b:s30+s7], $0xF480, $0x38;
	[tilespmem:$0x12C80] =	vst v63  }
0x1a7: {  	_ =	swait.ge [sflag:s31], $0xF480  }
0x1a8: {  	[sflag:s31] =	ssyncset.done $0x0  }
0x1a9: {  	v0 =	vimm.s32 $0x0;
	[sflag:s31] =	ssyncadd.s32 $0xFFFF0B80  }
.LBB2_15:
0x1aa: {  	p0 =	sne.s32 s7, $0x1FC0  }
.Ltmp7:
0x1ab: {  	_ = 	snop;
	(pc) =	sbr.rel @p0 .LBB2_15-.Ltmp7, $3  }
0x1ac: {  	_ =	sdelay $0x1  }
0x1ad: {  	s8 =	sshra.s32 s7, $0x2  }
0x1ae: {  	s7 =	sadd.s32 $0x40, s7;
	[tilespmem:s8+$0x10480] =	vst v0  }
0x1af: {  	v0 =	vimm.s32 $0x1;
	s7 =	simm.s32 $0x10480;
	s9 =	simm.s32 $0x0;
	s8 =	simm.s32 $0x40  }
.LBB2_17:
0x1b0: {  	p0 =	sne.s32 s8, $0x3D1C0;
	v1 =	vld [tilespmem:s9+$0x0];
	_ =	sdelay $0x4  }
0x1b1: {  	v1 =	vshrl.u32 v1, $0xB  }
0x1b2: {  	v1 =	vand.u32 $0x7FF, v1  }
.Ltmp8:
0x1b3: {  	(pc) =	sbr.rel @p0 .LBB2_17-.Ltmp8, $2  }
0x1b4: {  	_ =	sdelay $0x2  }
0x1b5: {  	s9 =	sshra.s32 s8, $0x2;
	s8 =	sadd.s32 $0x40, s8;
	[tilespmem:v1+s7+$0x0] =	vst.idx.add.s32.msk $0xffff, v0  }
0x1b6: {  	v1 =	vld [tilespmem:s9+$0x0];
	_ =	sdelay $0x4  }
0x1b7: {  	v1 =	vshrl.u32 v1, $0xB  }
0x1b8: {  	v1 =	vand.u32 $0x7FF, v1;
	_ =	sdelay $0x3  }
0x1b9: {  	s29 =	simm.s32 $0x80  }
0x1ba: {  	s8 =	simm.s32 $0x400;
	s30 =	simm.s32 $0x10480;
	s31 =	simm.s32 $0x2;
	[tilespmem:v1+s7+$0x0] =	vst.idx.add.s32.msk $0xffff, v0  }
0x1bb: {  	[spmem:s4] =	stream.strided.scatter [tilespmem:s30], [sflag:$0x2], $0x800, s8, s29, $0x38;
	[tilespmem:$0x12C80] =	vst v63  }
0x1bc: {  	_ =	swait.ge [sflag:s31], $0x800  }
0x1bd: {  	[sflag:s31] =	ssyncset.done $0x0  }
0x1be: {  	[sflag:s31] =	ssyncadd.s32 $0xFFFFF800  }
0x1bf: {  	s7 =	simm.s32 $0x0;
	v0 =	vimm.s32 $0x0;
	s8 =	simm.s32 $0x0;
	[bflag:$0x0] =	sbarrier.arrive $0xFFFF  }
.LBB2_19:
0x1c0: {  	p0 =	sne.s32 s8, $0x1FC0  }
.Ltmp9:
0x1c1: {  	_ = 	snop;
	(pc) =	sbr.rel @p0 .LBB2_19-.Ltmp9, $4  }
0x1c2: {  	_ = 	snop  }
0x1c3: {  	s9 =	sshra.s32 s8, $0x2  }
0x1c4: {  	[tilespmem:s9+$0x11480] =	vst v0  }
0x1c5: {  	s8 =	sadd.s32 $0x40, s8;
	[tilespmem:s9+$0x11C80] =	vst v0  }
0x1c6: {  	s8 =	simm.s32 $0x80  }
0x1c7: {  	s9 =	simm.s32 $0x400;
	s10 =	simm.s32 $0xFC80;
	s11 =	simm.s32 $0x2  }
.LBB2_21:
0x1c8: {  	s12 =	sshll.u32 s7, $0xB  }
0x1c9: {  	s13 =	sshll.u32 s7, $0x7;
	s12 =	sand.u32 $0x4000, s12  }
0x1ca: {  	s13 =	sand.u32 $0x380, s13;
	s12 =	sadd.s32 s12, s3  }
0x1cb: {  	s12 =	sadd.s32 s13, s12  }
0x1cc: {  	[tilespmem:s10], [sflag:$0x2] =	stream.strided.gather [spmem:s12], $0x800, s9, s8, $0x38;
	[tilespmem:$0x12C80] =	vst v63  }
0x1cd: {  	_ =	swait.ge [sflag:s11], $0x800  }
0x1ce: {  	[sflag:s11] =	ssyncset.done $0x0  }
0x1cf: {  	s12 =	simm.s32 $0x0;
	[sflag:s11] =	ssyncadd.s32 $0xFFFFF800  }
0x1d0: {  	v3 =	vld [tilespmem:s12+$0xFC80]  }
0x1d1: {  	v4 =	vld [tilespmem:s12+$0x11480]  }
0x1d2: {  	p0 =	slt.u32 s7, s1;
	s13 =	simm.s32 $0x1;
	v1 =	vld [tilespmem:s12+$0x11C80]  }
0x1d3: {  	s13 =	simm.s32 @!p0 $0x0  }
0x1d4: {  	v0 =	vmov s13  }
0x1d5: {  	v2 =	vmul.u32 v0, v3  }
0x1d6: {  	s14 =	simm.s32 $0x80;
	s13 =	simm.s32 $0x10;
	v3 =	vadd.s32 v3, v4  }
.LBB2_22:
0x1d7: {  	p0 =	sne.s32 s14, $0x1FC0;
	v4 =	vld [tilespmem:s13+$0xFC80];
	[tilespmem:s12+$0x11480] =	vst v3;
	v1 =	vadd.s32 v2, v1  }
0x1d8: {  	v3 =	vld [tilespmem:s13+$0x11480];
	[tilespmem:s12+$0x11C80] =	vst v1;
	s12 =	smov.u32 s13  }
.Ltmp10:
0x1d9: {  	v1 =	vld [tilespmem:s12+$0x11C80];
	(pc) =	sbr.rel @p0 .LBB2_22-.Ltmp10, $3  }
0x1da: {  	_ =	sdelay $0x1  }
0x1db: {  	v2 =	vmul.u32 v0, v4  }
0x1dc: {  	s13 =	sshra.s32 s14, $0x2;
	s14 =	sadd.s32 $0x40, s14;
	v3 =	vadd.s32 v4, v3  }
0x1dd: {  	v4 =	vld [tilespmem:s13+$0xFC80];
	[tilespmem:s12+$0x11480] =	vst v3;
	v1 =	vadd.s32 v2, v1  }
0x1de: {  	v63 =	vld [tilespmem:s13+$0x11480];
	[tilespmem:s12+$0x11C80] =	vst v1  }
0x1df: {  	s7 =	sadd.s32 $0x1, s7;
	v1 =	vld [tilespmem:s13+$0x11C80]  }
0x1e0: {  	p0 =	sne.s32 s7, $0x10  }
.Ltmp11:
0x1e1: {  	_ = 	snop;
	(pc) =	sbr.rel @p0 .LBB2_21-.Ltmp11, $4  }
0x1e2: {  	v0 =	vmul.u32 v0, v4  }
0x1e3: {  	v2 =	vadd.s32 v4, v63  }
0x1e4: {  	[tilespmem:s13+$0x11480] =	vst v2;
	v0 =	vadd.s32 v0, v1  }
0x1e5: {  	[tilespmem:s13+$0x11C80] =	vst v0  }
0x1e6: {  	s10 =	simm.s32 $0x0  }
0x1e7: {  	v13 =	vld [tilespmem:s10+$0x11480];
	_ =	sdelay $0x4  }
0x1e8: {  	s7 =	simm.s32 $0x10;
	(xrf0) =	vadd.scan.msk.s32 $0xffff, v13  }
0x1e9: {  	v2 =	vld [tilespmem:s7+$0x11480];
	_ =	sdelay $0x2  }
0x1ea: {  	s9 =	simm.s32 $0x20  }
0x1eb: {  	v0 =	vld [tilespmem:s9+$0x11480]  }
0x1ec: {  	v4, _, _ =	vpop (xrf0);
	(xrf0) =	vadd.scan.msk.s32 $0xffff, v2;
	_ =	sdelay $0x1  }
0x1ed: {  	v1 =	vxor.u32 $0x80000000, v4  }
0x1ee: {  	(xrf0) =	vmax.scan.msk.u32 $0xffff, v1  }
0x1ef: {  	(xrf0) =	vadd.scan.msk.s32 $0xffff, v0  }
0x1f0: {  	s8 =	simm.s32 $0x30  }
0x1f1: {  	v1 =	vld [tilespmem:s8+$0x11480];
	v5, _, _ =	vpop (xrf0)  }
0x1f2: {  	v3 =	vxor.u32 $0x80000000, v5;
	_ =	sdelay $0x1  }
0x1f3: {  	v7, _, _ =	vpop (xrf0)  }
0x1f4: {  	(xrf0) =	vmax.scan.msk.u32 $0xffff, v3;
	v3, _, _ =	vpop (xrf0)  }
0x1f5: {  	(xrf0) =	vadd.scan.msk.s32 $0xffff, v1;
	v6 =	vxor.u32 $0x80000000, v3  }
0x1f6: {  	(xrf0) =	vmax.scan.msk.u32 $0xffff, v6;
	_ =	sdelay $0x2  }
0x1f7: {  	(v2sf) =	vpush v7, $0xF  }
0x1f8: {  	v9, _, _ =	vpop (xrf0)  }
0x1f9: {  	v11, _, _ =	vpop (xrf0)  }
0x1fa: {  	s11 =	simm.s32 $0x40;
	(v2sf) =	vpush v9, $0xF;
	v16, _, _ =	vpop (xrf0)  }
0x1fb: {  	v6 =	vld [tilespmem:s11+$0x11480];
	(v2sf) =	vpush v16, $0xF;
	_ =	sdelay $0x2  }
0x1fc: {  	v14 =	vld [tilespmem:s10+$0x11C80]  }
0x1fd: {  	s12 =	simm.s32 $0x50;
	v12 =	vld [tilespmem:s7+$0x11C80]  }
0x1fe: {  	s13 =	simm.s32 $0x0;
	v9 =	vld [tilespmem:s12+$0x11C80];
	(xrf0) =	vadd.scan.msk.s32 $0xffff, v6  }
0x1ff: {  	v17 =	vsub.s32 s13, v13;
	v13 =	vld [tilespmem:s12+$0x11480];
	v15 =	vxor.u32 $0x80000000, v11  }
0x200: {  	v10 =	vld [tilespmem:s9+$0x11C80];
	(xrf0) =	vmax.scan.msk.u32 $0xffff, v15  }
0x201: {  	v8 =	vld [tilespmem:s8+$0x11C80]  }
0x202: {  	s14 =	simm.s32 $0x180;
	v14 =	vadd.s32 v14, v17;
	v7 =	vld [tilespmem:s11+$0x11C80]  }
.LBB2_25:
0x203: {  	s15 =	sshra.s32 s14, $0x2;
	v14 =	vadd.s32 v4, v14;
	v15 =	vmovc v9;
	v4 =	vmovc v5;
	v5 =	vmov v3;
	v3 =	vmov v11;
	p0 =	sne.s32 s14, $0x1FC0  }
.Ltmp12:
0x204: {  	s14 =	sadd.s32 $0x40, s14;
	v9 =	vld [tilespmem:s15+$0x11C80];
	(xrf0) =	vadd.scan.msk.s32 $0xffff, v13;
	v11, _, _ =	vpop (xrf0);
	[tilespmem:s10+$0x10C80] =	vst v14;
	s10 =	spop (v2sf);
	(pc) =	sbr.rel @p0 .LBB2_25-.Ltmp12, $4  }
0x205: {  	v16 =	vmov v6;
	v6 =	vmov v13;
	v17 =	vxor.u32 $0x80000000, v11;
	s13 =	sadd.s32 s10, s13;
	v13 =	vld [tilespmem:s15+$0x11480];
	s10 =	smov.u32 s7;
	s7 =	smov.u32 s9  }
0x206: {  	s9 =	smov.u32 s8;
	s8 =	smov.u32 s11;
	(xrf0) =	vmax.scan.msk.u32 $0xffff, v17;
	v14, _, _ =	vpop (xrf0);
	s13 =	sadd.s32 $0x80000000, s13  }
0x207: {  	s11 =	smov.u32 s12;
	s12 =	smov.u32 s15;
	(v2sf) =	vpush v14, $0xF;
	v14 =	vsub.s32 s13, v2;
	v2 =	vmovc v0;
	v0 =	vmovc v1;
	v1 =	vmov v16  }
0x208: {  	v14 =	vadd.s32 v12, v14;
	v12 =	vmovc v10;
	v10 =	vmovc v8;
	v8 =	vmov v7;
	v7 =	vmov v15  }
0x209: {  	_ = 	snop  }
0x20a: {  	(xrf0) =	vadd.scan.msk.s32 $0xffff, v13;
	v15, _, _ =	vpop (xrf0)  }
0x20b: {  	v16 =	vxor.u32 $0x80000000, v15  }
0x20c: {  	(xrf0) =	vmax.scan.msk.u32 $0xffff, v16;
	_ =	sdelay $0x2  }
0x20d: {  	v60, _, _ =	vpop (xrf0)  }
0x20e: {  	v17, _, _ =	vpop (xrf0)  }
0x20f: {  	(v2sf) =	vpush v60, $0xF;
	v61 =	vxor.u32 $0x80000000, v17  }
0x210: {  	(xrf0) =	vmax.scan.msk.u32 $0xffff, v61;
	v62, _, _ =	vpop (xrf0)  }
0x211: {  	(v2sf) =	vpush v62, $0xF;
	_ =	sdelay $0x4  }
0x212: {  	v63, _, _ =	vpop (xrf0)  }
0x213: {  	(v2sf) =	vpush v63, $0xF  }
0x214: {  	s14 =	spop (v2sf)  }
0x215: {  	s13 =	sadd.s32 s14, s13  }
0x216: {  	s25 =	spop (v2sf);
	s13 =	sadd.s32 $0x80000000, s13  }
0x217: {  	s14 =	sadd.s32 s25, s13  }
0x218: {  	s14 =	sadd.s32 $0x80000000, s14;
	s15 =	spop (v2sf)  }
0x219: {  	s15 =	sadd.s32 s15, s14  }
0x21a: {  	s15 =	sadd.s32 $0x80000000, s15;
	s16 =	spop (v2sf)  }
0x21b: {  	v2 =	vsub.s32 s13, v2;
	s26 =	sadd.s32 s16, s15  }
0x21c: {  	v4 =	vadd.s32 v4, v14;
	v2 =	vadd.s32 v12, v2;
	v0 =	vsub.s32 s14, v0;
	s13 =	sadd.s32 $0x80000000, s26;
	s28 =	spop (v2sf)  }
0x21d: {  	[tilespmem:s10+$0x10C80] =	vst v4;
	v2 =	vadd.s32 v5, v2;
	v0 =	vadd.s32 v10, v0;
	v1 =	vsub.s32 s15, v1;
	s29 =	sadd.s32 s28, s13  }
0x21e: {  	[tilespmem:s7+$0x10C80] =	vst v2;
	v0 =	vadd.s32 v3, v0;
	v1 =	vadd.s32 v8, v1;
	v2 =	vsub.s32 s13, v6;
	s30 =	sadd.s32 $0x80000000, s29  }
0x21f: {  	[tilespmem:s9+$0x10C80] =	vst v0;
	v0 =	vadd.s32 v11, v1;
	v1 =	vadd.s32 v7, v2;
	v2 =	vsub.s32 s30, v13  }
0x220: {  	[tilespmem:s8+$0x10C80] =	vst v0;
	v0 =	vadd.s32 v15, v1;
	v1 =	vadd.s32 v9, v2  }
0x221: {  	p0 =	por $0x1, $0x1;
	[tilespmem:s11+$0x10C80] =	vst v0;
	v0 =	vadd.s32 v17, v1  }
0x222: {  	s7 =	simm.s32 @!p0 $0x1;
	[tilespmem:s12+$0x10C80] =	vst v0;
	s31 =	spop (v2sf)  }
0x223: {  	_ =	swait.ge @!p0 [sflag:s7], $0x80  }
0x224: {  	[sflag:s7] =	ssyncset.done @!p0 $0x0  }
0x225: {  	s8 =	simm.s32 $0x0;
	[sflag:s7] =	ssyncadd.s32 @!p0 $0xFFFFFF80  }
0x226: {  	v0 =	vld [tilespmem:s8+$0x0];
	_ =	sdelay $0x4  }
0x227: {  	v0 =	vshrl.u32 v0, $0xB  }
0x228: {  	v1 =	vand.u32 $0x7FF, v0  }
0x229: {  	(xrf1) =	vunique.msk.u32 $0xffff, v1;
	_ =	sdelay $0x8  }
0x22a: {  	s7 =	simm.s32 $0x10C80  }
0x22b: {  	v2 =	vld.idx.msk [tilespmem:v1+s7+$0x0], $0xffff;
	_ =	sdelay $0x3  }
0x22c: {  	_, v3, _ =	vpop (xrf1)  }
0x22d: {  	v0 =	vimm.s32 $0x1;
	v2 =	vadd.s32 v3, v2  }
0x22e: {  	s11 =	sand.u32 $0x780, s8;
	[tilespmem:v1+s7+$0x0] =	vst.idx.add.s32.msk $0xffff, v0;
	v2 =	vadd.s32 $0xFFFFFFFF, v2  }
0x22f: {  	[tilespmem:s11+$0xF480] =	vst v2  }
0x230: {  	v1 =	vld [tilespmem:s8+$0x10];
	_ =	sdelay $0x4  }
0x231: {  	v1 =	vshrl.u32 v1, $0xB  }
0x232: {  	v1 =	vand.u32 $0x7FF, v1  }
0x233: {  	(xrf1) =	vunique.msk.u32 $0xffff, v1;
	_ =	sdelay $0x9  }
0x234: {  	v2 =	vld.idx.msk [tilespmem:v1+s7+$0x0], $0xffff;
	_ =	sdelay $0x3  }
0x235: {  	_, v3, _ =	vpop (xrf1)  }
0x236: {  	v2 =	vadd.s32 v3, v2  }
0x237: {  	[tilespmem:v1+s7+$0x0] =	vst.idx.add.s32.msk $0xffff, v0;
	v2 =	vadd.s32 $0xFFFFFFFF, v2  }
0x238: {  	[tilespmem:s11+$0xF490] =	vst v2  }
0x239: {  	v1 =	vld [tilespmem:s8+$0x20];
	_ =	sdelay $0x4  }
0x23a: {  	v1 =	vshrl.u32 v1, $0xB  }
0x23b: {  	v1 =	vand.u32 $0x7FF, v1  }
0x23c: {  	(xrf1) =	vunique.msk.u32 $0xffff, v1;
	_ =	sdelay $0x9  }
0x23d: {  	v2 =	vld.idx.msk [tilespmem:v1+s7+$0x0], $0xffff;
	_ =	sdelay $0x3  }
0x23e: {  	_, v3, _ =	vpop (xrf1)  }
0x23f: {  	v2 =	vadd.s32 v3, v2  }
0x240: {  	[tilespmem:v1+s7+$0x0] =	vst.idx.add.s32.msk $0xffff, v0;
	v2 =	vadd.s32 $0xFFFFFFFF, v2  }
0x241: {  	[tilespmem:s11+$0xF4A0] =	vst v2  }
0x242: {  	v1 =	vld [tilespmem:s8+$0x30];
	_ =	sdelay $0x4  }
0x243: {  	v1 =	vshrl.u32 v1, $0xB  }
0x244: {  	v1 =	vand.u32 $0x7FF, v1  }
0x245: {  	(xrf1) =	vunique.msk.u32 $0xffff, v1;
	_ =	sdelay $0x9  }
0x246: {  	v2 =	vld.idx.msk [tilespmem:v1+s7+$0x0], $0xffff;
	_ =	sdelay $0x3  }
0x247: {  	_, v3, _ =	vpop (xrf1)  }
0x248: {  	v2 =	vadd.s32 v3, v2  }
0x249: {  	[tilespmem:v1+s7+$0x0] =	vst.idx.add.s32.msk $0xffff, v0;
	v1 =	vadd.s32 $0xFFFFFFFF, v2  }
0x24a: {  	[tilespmem:s11+$0xF4B0] =	vst v1  }
0x24b: {  	v1 =	vld [tilespmem:s8+$0x40];
	_ =	sdelay $0x4  }
0x24c: {  	v1 =	vshrl.u32 v1, $0xB  }
0x24d: {  	v1 =	vand.u32 $0x7FF, v1  }
0x24e: {  	(xrf1) =	vunique.msk.u32 $0xffff, v1;
	_ =	sdelay $0x9  }
0x24f: {  	v2 =	vld.idx.msk [tilespmem:v1+s7+$0x0], $0xffff;
	_ =	sdelay $0x3  }
0x250: {  	_, v3, _ =	vpop (xrf1)  }
0x251: {  	v2 =	vadd.s32 v3, v2  }
0x252: {  	[tilespmem:v1+s7+$0x0] =	vst.idx.add.s32.msk $0xffff, v0;
	v1 =	vadd.s32 $0xFFFFFFFF, v2  }
0x253: {  	[tilespmem:s11+$0xF4C0] =	vst v1  }
0x254: {  	v1 =	vld [tilespmem:s8+$0x50];
	_ =	sdelay $0x4  }
0x255: {  	v1 =	vshrl.u32 v1, $0xB  }
0x256: {  	v1 =	vand.u32 $0x7FF, v1  }
0x257: {  	(xrf1) =	vunique.msk.u32 $0xffff, v1;
	_ =	sdelay $0x9  }
0x258: {  	v2 =	vld.idx.msk [tilespmem:v1+s7+$0x0], $0xffff;
	_ =	sdelay $0x3  }
0x259: {  	_, v3, _ =	vpop (xrf1)  }
0x25a: {  	v2 =	vadd.s32 v3, v2  }
0x25b: {  	[tilespmem:v1+s7+$0x0] =	vst.idx.add.s32.msk $0xffff, v0;
	v1 =	vadd.s32 $0xFFFFFFFF, v2  }
0x25c: {  	[tilespmem:s11+$0xF4D0] =	vst v1  }
0x25d: {  	v1 =	vld [tilespmem:s8+$0x60];
	_ =	sdelay $0x4  }
0x25e: {  	v1 =	vshrl.u32 v1, $0xB  }
0x25f: {  	v1 =	vand.u32 $0x7FF, v1  }
0x260: {  	(xrf1) =	vunique.msk.u32 $0xffff, v1;
	_ =	sdelay $0x9  }
0x261: {  	v2 =	vld.idx.msk [tilespmem:v1+s7+$0x0], $0xffff;
	_ =	sdelay $0x3  }
0x262: {  	_, v3, _ =	vpop (xrf1)  }
0x263: {  	v2 =	vadd.s32 v3, v2  }
0x264: {  	[tilespmem:v1+s7+$0x0] =	vst.idx.add.s32.msk $0xffff, v0;
	v1 =	vadd.s32 $0xFFFFFFFF, v2  }
0x265: {  	[tilespmem:s11+$0xF4E0] =	vst v1  }
0x266: {  	v1 =	vld [tilespmem:s8+$0x70];
	_ =	sdelay $0x4  }
0x267: {  	v1 =	vshrl.u32 v1, $0xB  }
0x268: {  	v1 =	vand.u32 $0x7FF, v1  }
0x269: {  	(xrf1) =	vunique.msk.u32 $0xffff, v1;
	_ =	sdelay $0x9  }
0x26a: {  	v2 =	vld.idx.msk [tilespmem:v1+s7+$0x0], $0xffff;
	_ =	sdelay $0x3  }
0x26b: {  	_, v3, _ =	vpop (xrf1)  }
0x26c: {  	p1 =	por $0x1, $0x1;
	s10 =	simm.s32 $0x80;
	s9 =	simm.s32 $0x80;
	v2 =	vadd.s32 v3, v2  }
0x26d: {  	s15 =	sadd.s32 $0xF480, s11;
	s13 =	simm.s32 $0x0;
	s12 =	simm.s32 $0x2;
	[tilespmem:v1+s7+$0x0] =	vst.idx.add.s32.msk $0xffff, v0;
	v1 =	vadd.s32 $0xFFFFFFFF, v2  }
.LBB2_27:
0x26e: {  	s16 =	simm.s32 @!p1 $0x1  }
0x26f: {  	[tilespmem:s11+$0xF4F0] =	vst v1;
	s8 =	sadd.s32 $0x80, s8;
	s14 =	smov.u32 s12;
	s12 =	sadd.s32 $0x1, s12  }
0x270: {  	[hbm4b:s5+s9] =	stream.indirect.scatter [tilespmem:s13], [sflag:$0x1], $0x1, s15, s9, $0xb8;
	[tilespmem:$0x12C80] =	vst v63  }
0x271: {  	p0 =	sne.s32 s12, $0x1E9;
	s13 =	smov.u32 s10;
	_ =	swait.ge @!p1 [sflag:s16], $0x80  }
0x272: {  	[sflag:s16] =	ssyncset.done @!p1 $0x0  }
0x273: {  	[sflag:s16] =	ssyncadd.s32 @!p1 $0xFFFFFF80  }
0x274: {  	v1 =	vld [tilespmem:s10+$0x0];
	_ =	sdelay $0x4  }
0x275: {  	v1 =	vshrl.u32 v1, $0xB  }
0x276: {  	v1 =	vand.u32 $0x7FF, v1  }
0x277: {  	(xrf1) =	vunique.msk.u32 $0xffff, v1;
	_ =	sdelay $0x8  }
0x278: {  	v2 =	vld.idx.msk [tilespmem:v1+s7+$0x0], $0xffff;
	_ =	sdelay $0x4  }
0x279: {  	_, v3, _ =	vpop (xrf1)  }
0x27a: {  	v2 =	vadd.s32 v3, v2  }
0x27b: {  	s11 =	sand.u32 $0x780, s8;
	v2 =	vadd.s32 $0xFFFFFFFF, v2;
	[tilespmem:v1+s7+$0x0] =	vst.idx.add.s32.msk $0xffff, v0  }
0x27c: {  	[tilespmem:s11+$0xF480] =	vst v2  }
0x27d: {  	v1 =	vld [tilespmem:s10+$0x10];
	_ =	sdelay $0x4  }
0x27e: {  	v1 =	vshrl.u32 v1, $0xB  }
0x27f: {  	v1 =	vand.u32 $0x7FF, v1  }
0x280: {  	(xrf1) =	vunique.msk.u32 $0xffff, v1;
	_ =	sdelay $0x8  }
0x281: {  	v2 =	vld.idx.msk [tilespmem:v1+s7+$0x0], $0xffff;
	_ =	sdelay $0x4  }
0x282: {  	_, v3, _ =	vpop (xrf1)  }
0x283: {  	v2 =	vadd.s32 v3, v2  }
0x284: {  	v2 =	vadd.s32 $0xFFFFFFFF, v2;
	[tilespmem:v1+s7+$0x0] =	vst.idx.add.s32.msk $0xffff, v0  }
0x285: {  	[tilespmem:s11+$0xF490] =	vst v2  }
0x286: {  	v1 =	vld [tilespmem:s10+$0x20];
	_ =	sdelay $0x4  }
0x287: {  	v1 =	vshrl.u32 v1, $0xB  }
0x288: {  	v1 =	vand.u32 $0x7FF, v1  }
0x289: {  	(xrf1) =	vunique.msk.u32 $0xffff, v1;
	_ =	sdelay $0x8  }
0x28a: {  	v2 =	vld.idx.msk [tilespmem:v1+s7+$0x0], $0xffff;
	_ =	sdelay $0x4  }
0x28b: {  	_, v3, _ =	vpop (xrf1)  }
0x28c: {  	v2 =	vadd.s32 v3, v2  }
0x28d: {  	v2 =	vadd.s32 $0xFFFFFFFF, v2;
	[tilespmem:v1+s7+$0x0] =	vst.idx.add.s32.msk $0xffff, v0  }
0x28e: {  	[tilespmem:s11+$0xF4A0] =	vst v2  }
0x28f: {  	v1 =	vld [tilespmem:s10+$0x30];
	_ =	sdelay $0x4  }
0x290: {  	v1 =	vshrl.u32 v1, $0xB  }
0x291: {  	v1 =	vand.u32 $0x7FF, v1  }
0x292: {  	(xrf1) =	vunique.msk.u32 $0xffff, v1;
	_ =	sdelay $0x8  }
0x293: {  	v2 =	vld.idx.msk [tilespmem:v1+s7+$0x0], $0xffff  }
0x294: {  	[tilespmem:v1+s7+$0x0] =	vst.idx.add.s32.msk $0xffff, v0;
	_ =	sdelay $0x3  }
0x295: {  	_, v1, _ =	vpop (xrf1)  }
0x296: {  	v1 =	vadd.s32 v1, v2  }
0x297: {  	v1 =	vadd.s32 $0xFFFFFFFF, v1  }
0x298: {  	[tilespmem:s11+$0xF4B0] =	vst v1  }
0x299: {  	v1 =	vld [tilespmem:s10+$0x40];
	_ =	sdelay $0x4  }
0x29a: {  	v1 =	vshrl.u32 v1, $0xB  }
0x29b: {  	v1 =	vand.u32 $0x7FF, v1  }
0x29c: {  	(xrf1) =	vunique.msk.u32 $0xffff, v1;
	_ =	sdelay $0x3  }
0x29d: {  	v2 =	vld.idx.msk [tilespmem:v1+s7+$0x0], $0xffff  }
0x29e: {  	[tilespmem:v1+s7+$0x0] =	vst.idx.add.s32.msk $0xffff, v0;
	_ =	sdelay $0x8  }
0x29f: {  	_, v1, _ =	vpop (xrf1)  }
0x2a0: {  	v1 =	vadd.s32 v1, v2  }
0x2a1: {  	v1 =	vadd.s32 $0xFFFFFFFF, v1  }
0x2a2: {  	[tilespmem:s11+$0xF4C0] =	vst v1  }
0x2a3: {  	v1 =	vld [tilespmem:s10+$0x50];
	_ =	sdelay $0x4  }
0x2a4: {  	v1 =	vshrl.u32 v1, $0xB  }
0x2a5: {  	v1 =	vand.u32 $0x7FF, v1  }
0x2a6: {  	(xrf1) =	vunique.msk.u32 $0xffff, v1;
	_ =	sdelay $0x3  }
0x2a7: {  	v2 =	vld.idx.msk [tilespmem:v1+s7+$0x0], $0xffff  }
0x2a8: {  	[tilespmem:v1+s7+$0x0] =	vst.idx.add.s32.msk $0xffff, v0;
	_ =	sdelay $0x8  }
0x2a9: {  	_, v1, _ =	vpop (xrf1)  }
0x2aa: {  	v1 =	vadd.s32 v1, v2  }
0x2ab: {  	v1 =	vadd.s32 $0xFFFFFFFF, v1  }
0x2ac: {  	[tilespmem:s11+$0xF4D0] =	vst v1  }
0x2ad: {  	v1 =	vld [tilespmem:s10+$0x60];
	_ =	sdelay $0x4  }
0x2ae: {  	v1 =	vshrl.u32 v1, $0xB  }
0x2af: {  	v1 =	vand.u32 $0x7FF, v1  }
0x2b0: {  	(xrf1) =	vunique.msk.u32 $0xffff, v1;
	_ =	sdelay $0x3  }
0x2b1: {  	v2 =	vld.idx.msk [tilespmem:v1+s7+$0x0], $0xffff  }
0x2b2: {  	[tilespmem:v1+s7+$0x0] =	vst.idx.add.s32.msk $0xffff, v0;
	_ =	sdelay $0x8  }
0x2b3: {  	_, v1, _ =	vpop (xrf1)  }
0x2b4: {  	v1 =	vadd.s32 v1, v2  }
0x2b5: {  	v1 =	vadd.s32 $0xFFFFFFFF, v1  }
0x2b6: {  	[tilespmem:s11+$0xF4E0] =	vst v1  }
0x2b7: {  	v1 =	vld [tilespmem:s10+$0x70];
	_ =	sdelay $0x4  }
0x2b8: {  	v1 =	vshrl.u32 v1, $0xB  }
0x2b9: {  	v1 =	vand.u32 $0x7FF, v1  }
0x2ba: {  	(xrf1) =	vunique.msk.u32 $0xffff, v1;
	_ =	sdelay $0x3  }
0x2bb: {  	v2 =	vld.idx.msk [tilespmem:v1+s7+$0x0], $0xffff  }
0x2bc: {  	[tilespmem:v1+s7+$0x0] =	vst.idx.add.s32.msk $0xffff, v0;
	_ =	sdelay $0x6  }
.Ltmp13:
0x2bd: {  	(pc) =	sbr.rel @p0 .LBB2_27-.Ltmp13, $4  }
0x2be: {  	_ = 	snop  }
0x2bf: {  	_, v1, _ =	vpop (xrf1)  }
0x2c0: {  	v1 =	vadd.s32 v1, v2  }
0x2c1: {  	s15 =	sadd.s32 $0xF480, s11;
	p1 =	slt.u32 s14, $0x10;
	s10 =	sadd.s32 $0x80, s10;
	v1 =	vadd.s32 $0xFFFFFFFF, v1  }
0x2c2: {  	s12 =	simm.s32 @!p1 $0x1;
	[tilespmem:s11+$0xF4F0] =	vst v1  }
0x2c3: {  	[hbm4b:s5+s9] =	stream.indirect.scatter [tilespmem:s13], [sflag:$0x1], $0x1, s15, s9, $0xb8;
	[tilespmem:$0x12C80] =	vst v63  }
0x2c4: {  	_ =	swait.ge @!p1 [sflag:s12], $0x80  }
0x2c5: {  	[sflag:s12] =	ssyncset.done @!p1 $0x0  }
0x2c6: {  	[sflag:s12] =	ssyncadd.s32 @!p1 $0xFFFFFF80  }
0x2c7: {  	v1 =	vld [tilespmem:s10+$0x0];
	_ =	sdelay $0x4  }
0x2c8: {  	v1 =	vshrl.u32 v1, $0xB  }
0x2c9: {  	v1 =	vand.u32 $0x7FF, v1  }
0x2ca: {  	(xrf1) =	vunique.msk.u32 $0xffff, v1;
	_ =	sdelay $0x9  }
0x2cb: {  	v2 =	vld.idx.msk [tilespmem:v1+s7+$0x0], $0xffff;
	_ =	sdelay $0x3  }
0x2cc: {  	_, v3, _ =	vpop (xrf1)  }
0x2cd: {  	s8 =	sadd.s32 $0x80, s8;
	v2 =	vadd.s32 v3, v2  }
0x2ce: {  	s8 =	sand.u32 $0x780, s8;
	[tilespmem:v1+s7+$0x0] =	vst.idx.add.s32.msk $0xffff, v0;
	v2 =	vadd.s32 $0xFFFFFFFF, v2  }
0x2cf: {  	[tilespmem:s8+$0xF480] =	vst v2  }
0x2d0: {  	v1 =	vld [tilespmem:s10+$0x10];
	_ =	sdelay $0x4  }
0x2d1: {  	v1 =	vshrl.u32 v1, $0xB  }
0x2d2: {  	v1 =	vand.u32 $0x7FF, v1  }
0x2d3: {  	(xrf1) =	vunique.msk.u32 $0xffff, v1;
	_ =	sdelay $0x9  }
0x2d4: {  	v2 =	vld.idx.msk [tilespmem:v1+s7+$0x0], $0xffff;
	_ =	sdelay $0x3  }
0x2d5: {  	_, v3, _ =	vpop (xrf1)  }
0x2d6: {  	v2 =	vadd.s32 v3, v2  }
0x2d7: {  	[tilespmem:v1+s7+$0x0] =	vst.idx.add.s32.msk $0xffff, v0;
	v2 =	vadd.s32 $0xFFFFFFFF, v2  }
0x2d8: {  	[tilespmem:s8+$0xF490] =	vst v2  }
0x2d9: {  	v1 =	vld [tilespmem:s10+$0x20];
	_ =	sdelay $0x4  }
0x2da: {  	v1 =	vshrl.u32 v1, $0xB  }
0x2db: {  	v1 =	vand.u32 $0x7FF, v1  }
0x2dc: {  	(xrf1) =	vunique.msk.u32 $0xffff, v1;
	_ =	sdelay $0x9  }
0x2dd: {  	v2 =	vld.idx.msk [tilespmem:v1+s7+$0x0], $0xffff;
	_ =	sdelay $0x3  }
0x2de: {  	_, v3, _ =	vpop (xrf1)  }
0x2df: {  	v2 =	vadd.s32 v3, v2  }
0x2e0: {  	[tilespmem:v1+s7+$0x0] =	vst.idx.add.s32.msk $0xffff, v0;
	v2 =	vadd.s32 $0xFFFFFFFF, v2  }
0x2e1: {  	[tilespmem:s8+$0xF4A0] =	vst v2  }
0x2e2: {  	v1 =	vld [tilespmem:s10+$0x30];
	_ =	sdelay $0x4  }
0x2e3: {  	v1 =	vshrl.u32 v1, $0xB  }
0x2e4: {  	v1 =	vand.u32 $0x7FF, v1  }
0x2e5: {  	(xrf1) =	vunique.msk.u32 $0xffff, v1;
	_ =	sdelay $0x9  }
0x2e6: {  	v2 =	vld.idx.msk [tilespmem:v1+s7+$0x0], $0xffff;
	_ =	sdelay $0x3  }
0x2e7: {  	_, v3, _ =	vpop (xrf1)  }
0x2e8: {  	v2 =	vadd.s32 v3, v2  }
0x2e9: {  	[tilespmem:v1+s7+$0x0] =	vst.idx.add.s32.msk $0xffff, v0;
	v1 =	vadd.s32 $0xFFFFFFFF, v2  }
0x2ea: {  	[tilespmem:s8+$0xF4B0] =	vst v1  }
0x2eb: {  	v1 =	vld [tilespmem:s10+$0x40];
	_ =	sdelay $0x4  }
0x2ec: {  	v1 =	vshrl.u32 v1, $0xB  }
0x2ed: {  	v1 =	vand.u32 $0x7FF, v1  }
0x2ee: {  	(xrf1) =	vunique.msk.u32 $0xffff, v1;
	_ =	sdelay $0x9  }
0x2ef: {  	v2 =	vld.idx.msk [tilespmem:v1+s7+$0x0], $0xffff;
	_ =	sdelay $0x3  }
0x2f0: {  	_, v3, _ =	vpop (xrf1)  }
0x2f1: {  	v2 =	vadd.s32 v3, v2  }
0x2f2: {  	[tilespmem:v1+s7+$0x0] =	vst.idx.add.s32.msk $0xffff, v0;
	v1 =	vadd.s32 $0xFFFFFFFF, v2  }
0x2f3: {  	[tilespmem:s8+$0xF4C0] =	vst v1  }
0x2f4: {  	v1 =	vld [tilespmem:s10+$0x50];
	_ =	sdelay $0x4  }
0x2f5: {  	v1 =	vshrl.u32 v1, $0xB  }
0x2f6: {  	v1 =	vand.u32 $0x7FF, v1  }
0x2f7: {  	(xrf1) =	vunique.msk.u32 $0xffff, v1;
	_ =	sdelay $0x9  }
0x2f8: {  	v2 =	vld.idx.msk [tilespmem:v1+s7+$0x0], $0xffff;
	_ =	sdelay $0x3  }
0x2f9: {  	_, v3, _ =	vpop (xrf1)  }
0x2fa: {  	v2 =	vadd.s32 v3, v2  }
0x2fb: {  	[tilespmem:v1+s7+$0x0] =	vst.idx.add.s32.msk $0xffff, v0;
	v1 =	vadd.s32 $0xFFFFFFFF, v2  }
0x2fc: {  	[tilespmem:s8+$0xF4D0] =	vst v1  }
0x2fd: {  	v1 =	vld [tilespmem:s10+$0x60];
	_ =	sdelay $0x4  }
0x2fe: {  	v1 =	vshrl.u32 v1, $0xB  }
0x2ff: {  	v1 =	vand.u32 $0x7FF, v1  }
0x300: {  	(xrf1) =	vunique.msk.u32 $0xffff, v1;
	_ =	sdelay $0x9  }
0x301: {  	v2 =	vld.idx.msk [tilespmem:v1+s7+$0x0], $0xffff;
	_ =	sdelay $0x3  }
0x302: {  	_, v3, _ =	vpop (xrf1)  }
0x303: {  	v2 =	vadd.s32 v3, v2  }
0x304: {  	[tilespmem:v1+s7+$0x0] =	vst.idx.add.s32.msk $0xffff, v0;
	v1 =	vadd.s32 $0xFFFFFFFF, v2  }
0x305: {  	[tilespmem:s8+$0xF4E0] =	vst v1  }
0x306: {  	v1 =	vld [tilespmem:s10+$0x70];
	_ =	sdelay $0x4  }
0x307: {  	v1 =	vshrl.u32 v1, $0xB  }
0x308: {  	v1 =	vand.u32 $0x7FF, v1  }
0x309: {  	(xrf1) =	vunique.msk.u32 $0xffff, v1;
	_ =	sdelay $0x9  }
0x30a: {  	v2 =	vld.idx.msk [tilespmem:v1+s7+$0x0], $0xffff;
	_ =	sdelay $0x3  }
0x30b: {  	_, v3, _ =	vpop (xrf1)  }
0x30c: {  	v2 =	vadd.s32 v3, v2  }
0x30d: {  	[tilespmem:v1+s7+$0x0] =	vst.idx.add.s32.msk $0xffff, v0;
	v0 =	vadd.s32 $0xFFFFFFFF, v2  }
0x30e: {  	s30 =	simm.s32 $0x1;
	s29 =	sadd.s32 $0xF480, s8;
	[tilespmem:s8+$0xF4F0] =	vst v0  }
0x30f: {  	[hbm4b:s5+s9] =	stream.indirect.scatter [tilespmem:s10], [sflag:$0x1], $0x1, s29, s9, $0xb8;
	[tilespmem:$0x12C80] =	vst v63  }
0x310: {  	_ =	swait.ge [sflag:s30], $0x80  }
0x311: {  	[sflag:s30] =	ssyncset.done $0x0  }
0x312: {  	[sflag:s30] =	ssyncadd.s32 $0xFFFFFF80  }
0x313: {  	_ =	swait.ge [sflag:s30], $0x80  }
0x314: {  	[sflag:s30] =	ssyncset.done $0x0  }
0x315: {  	[sflag:s30] =	ssyncadd.s32 $0xFFFFFF80  }
0x316: {  	_ =	swait.ge [sflag:s30], $0x80  }
0x317: {  	[sflag:s30] =	ssyncset.done $0x0  }
0x318: {  	[sflag:s30] =	ssyncadd.s32 $0xFFFFFF80  }
0x319: {  	_ =	swait.ge [sflag:s30], $0x80  }
0x31a: {  	[sflag:s30] =	ssyncset.done $0x0  }
0x31b: {  	[sflag:s30] =	ssyncadd.s32 $0xFFFFFF80  }
0x31c: {  	_ =	swait.ge [sflag:s30], $0x80  }
0x31d: {  	[sflag:s30] =	ssyncset.done $0x0  }
0x31e: {  	[sflag:s30] =	ssyncadd.s32 $0xFFFFFF80  }
0x31f: {  	_ =	swait.ge [sflag:s30], $0x80  }
0x320: {  	[sflag:s30] =	ssyncset.done $0x0  }
0x321: {  	[sflag:s30] =	ssyncadd.s32 $0xFFFFFF80  }
0x322: {  	_ =	swait.ge [sflag:s30], $0x80  }
0x323: {  	[sflag:s30] =	ssyncset.done $0x0  }
0x324: {  	[sflag:s30] =	ssyncadd.s32 $0xFFFFFF80  }
0x325: {  	_ =	swait.ge [sflag:s30], $0x80  }
0x326: {  	[sflag:s30] =	ssyncset.done $0x0  }
0x327: {  	[sflag:s30] =	ssyncadd.s32 $0xFFFFFF80  }
0x328: {  	_ =	swait.ge [sflag:s30], $0x80  }
0x329: {  	[sflag:s30] =	ssyncset.done $0x0  }
0x32a: {  	[sflag:s30] =	ssyncadd.s32 $0xFFFFFF80  }
0x32b: {  	_ =	swait.ge [sflag:s30], $0x80  }
0x32c: {  	[sflag:s30] =	ssyncset.done $0x0  }
0x32d: {  	[sflag:s30] =	ssyncadd.s32 $0xFFFFFF80  }
0x32e: {  	_ =	swait.ge [sflag:s30], $0x80  }
0x32f: {  	[sflag:s30] =	ssyncset.done $0x0  }
0x330: {  	[sflag:s30] =	ssyncadd.s32 $0xFFFFFF80  }
0x331: {  	_ =	swait.ge [sflag:s30], $0x80  }
0x332: {  	[sflag:s30] =	ssyncset.done $0x0  }
0x333: {  	[sflag:s30] =	ssyncadd.s32 $0xFFFFFF80  }
0x334: {  	_ =	swait.ge [sflag:s30], $0x80  }
0x335: {  	[sflag:s30] =	ssyncset.done $0x0  }
0x336: {  	[sflag:s30] =	ssyncadd.s32 $0xFFFFFF80  }
0x337: {  	_ =	swait.ge [sflag:s30], $0x80  }
0x338: {  	[sflag:s30] =	ssyncset.done $0x0  }
0x339: {  	[sflag:s30] =	ssyncadd.s32 $0xFFFFFF80  }
0x33a: {  	_ =	swait.ge [sflag:s30], $0x80  }
0x33b: {  	[sflag:s30] =	ssyncset.done $0x0  }
0x33c: {  	[sflag:s30] =	ssyncadd.s32 $0xFFFFFF80  }
0x33d: {  	_ =	swait.ge [sflag:s30], $0x80  }
0x33e: {  	[sflag:s30] =	ssyncset.done $0x0  }
0x33f: {  	s6 =	sadd.s32 s6, s5;
	[sflag:s30] =	ssyncadd.s32 $0xFFFFFF80  }
0x340: {  	s31 =	simm.s32 $0x2;
	s5 =	simm.s32 $0x0;
	[bflag:$0x0] =	sbarrier.arrive $0xFFFF  }
0x341: {  	[tilespmem:s5], [sflag:$0x2] =	stream.linear.gather [hbm4b:s6+s5], $0xF480, $0x38;
	[tilespmem:$0x12C80] =	vst v63  }
0x342: {  	_ =	swait.ge [sflag:s31], $0xF480  }
0x343: {  	[sflag:s31] =	ssyncset.done $0x0  }
0x344: {  	v0 =	vimm.s32 $0x0;
	[sflag:s31] =	ssyncadd.s32 $0xFFFF0B80  }
.LBB2_29:
0x345: {  	p0 =	sne.s32 s5, $0x1FC0  }
.Ltmp14:
0x346: {  	_ = 	snop;
	(pc) =	sbr.rel @p0 .LBB2_29-.Ltmp14, $3  }
0x347: {  	_ =	sdelay $0x1  }
0x348: {  	s6 =	sshra.s32 s5, $0x2  }
0x349: {  	s5 =	sadd.s32 $0x40, s5;
	[tilespmem:s6+$0x10480] =	vst v0  }
0x34a: {  	v0 =	vimm.s32 $0x1;
	s5 =	simm.s32 $0x10480;
	s7 =	simm.s32 $0x0;
	s6 =	simm.s32 $0x40  }
.LBB2_31:
0x34b: {  	p0 =	sne.s32 s6, $0x3D1C0;
	v1 =	vld [tilespmem:s7+$0x0];
	_ =	sdelay $0x4  }
0x34c: {  	v1 =	vshrl.u32 v1, $0x16  }
.Ltmp15:
0x34d: {  	(pc) =	sbr.rel @p0 .LBB2_31-.Ltmp15, $2  }
0x34e: {  	_ =	sdelay $0x2  }
0x34f: {  	s7 =	sshra.s32 s6, $0x2;
	s6 =	sadd.s32 $0x40, s6;
	[tilespmem:v1+s5+$0x0] =	vst.idx.add.s32.msk $0xffff, v0  }
0x350: {  	v1 =	vld [tilespmem:s7+$0x0];
	_ =	sdelay $0x4  }
0x351: {  	v1 =	vshrl.u32 v1, $0x16;
	_ =	sdelay $0x3  }
0x352: {  	s29 =	simm.s32 $0x80  }
0x353: {  	s6 =	simm.s32 $0x400;
	s30 =	simm.s32 $0x10480;
	s31 =	simm.s32 $0x2;
	[tilespmem:v1+s5+$0x0] =	vst.idx.add.s32.msk $0xffff, v0  }
0x354: {  	[spmem:s4] =	stream.strided.scatter [tilespmem:s30], [sflag:$0x2], $0x800, s6, s29, $0x38;
	[tilespmem:$0x12C80] =	vst v63  }
0x355: {  	_ =	swait.ge [sflag:s31], $0x800  }
0x356: {  	[sflag:s31] =	ssyncset.done $0x0  }
0x357: {  	[sflag:s31] =	ssyncadd.s32 $0xFFFFF800  }
0x358: {  	v0 =	vimm.s32 $0x0;
	s5 =	simm.s32 $0x0;
	s4 =	simm.s32 $0x0;
	[bflag:$0x0] =	sbarrier.arrive $0xFFFF  }
.LBB2_33:
0x359: {  	p0 =	sne.s32 s5, $0x1FC0  }
.Ltmp16:
0x35a: {  	_ = 	snop;
	(pc) =	sbr.rel @p0 .LBB2_33-.Ltmp16, $4  }
0x35b: {  	_ = 	snop  }
0x35c: {  	s6 =	sshra.s32 s5, $0x2  }
0x35d: {  	[tilespmem:s6+$0x11480] =	vst v0  }
0x35e: {  	s5 =	sadd.s32 $0x40, s5;
	[tilespmem:s6+$0x11C80] =	vst v0  }
0x35f: {  	s5 =	simm.s32 $0x80  }
0x360: {  	s6 =	simm.s32 $0x400;
	s7 =	simm.s32 $0xFC80;
	s8 =	simm.s32 $0x2  }
.LBB2_35:
0x361: {  	s9 =	sshll.u32 s4, $0xB  }
0x362: {  	s10 =	sshll.u32 s4, $0x7;
	s9 =	sand.u32 $0x4000, s9  }
0x363: {  	s10 =	sand.u32 $0x380, s10;
	s9 =	sadd.s32 s9, s3  }
0x364: {  	s9 =	sadd.s32 s10, s9  }
0x365: {  	[tilespmem:s7], [sflag:$0x2] =	stream.strided.gather [spmem:s9], $0x800, s6, s5, $0x38;
	[tilespmem:$0x12C80] =	vst v63  }
0x366: {  	_ =	swait.ge [sflag:s8], $0x800  }
0x367: {  	[sflag:s8] =	ssyncset.done $0x0  }
0x368: {  	s9 =	simm.s32 $0x0;
	[sflag:s8] =	ssyncadd.s32 $0xFFFFF800  }
0x369: {  	v3 =	vld [tilespmem:s9+$0xFC80]  }
0x36a: {  	v4 =	vld [tilespmem:s9+$0x11480]  }
0x36b: {  	p0 =	slt.u32 s4, s1;
	s10 =	simm.s32 $0x1;
	v1 =	vld [tilespmem:s9+$0x11C80]  }
0x36c: {  	s10 =	simm.s32 @!p0 $0x0  }
0x36d: {  	v0 =	vmov s10  }
0x36e: {  	v2 =	vmul.u32 v0, v3  }
0x36f: {  	s11 =	simm.s32 $0x80;
	s10 =	simm.s32 $0x10;
	v3 =	vadd.s32 v3, v4  }
.LBB2_36:
0x370: {  	p0 =	sne.s32 s11, $0x1FC0;
	v4 =	vld [tilespmem:s10+$0xFC80];
	[tilespmem:s9+$0x11480] =	vst v3;
	v1 =	vadd.s32 v2, v1  }
0x371: {  	v3 =	vld [tilespmem:s10+$0x11480];
	[tilespmem:s9+$0x11C80] =	vst v1;
	s9 =	smov.u32 s10  }
.Ltmp17:
0x372: {  	v1 =	vld [tilespmem:s9+$0x11C80];
	(pc) =	sbr.rel @p0 .LBB2_36-.Ltmp17, $3  }
0x373: {  	_ =	sdelay $0x1  }
0x374: {  	v2 =	vmul.u32 v0, v4  }
0x375: {  	s10 =	sshra.s32 s11, $0x2;
	s11 =	sadd.s32 $0x40, s11;
	v3 =	vadd.s32 v4, v3  }
0x376: {  	v4 =	vld [tilespmem:s10+$0xFC80];
	[tilespmem:s9+$0x11480] =	vst v3;
	v1 =	vadd.s32 v2, v1  }
0x377: {  	v63 =	vld [tilespmem:s10+$0x11480];
	[tilespmem:s9+$0x11C80] =	vst v1  }
0x378: {  	s4 =	sadd.s32 $0x1, s4;
	v1 =	vld [tilespmem:s10+$0x11C80]  }
0x379: {  	p0 =	sne.s32 s4, $0x10  }
.Ltmp18:
0x37a: {  	_ = 	snop;
	(pc) =	sbr.rel @p0 .LBB2_35-.Ltmp18, $4  }
0x37b: {  	v0 =	vmul.u32 v0, v4  }
0x37c: {  	v2 =	vadd.s32 v4, v63  }
0x37d: {  	[tilespmem:s10+$0x11480] =	vst v2;
	v0 =	vadd.s32 v0, v1  }
0x37e: {  	[tilespmem:s10+$0x11C80] =	vst v0  }
0x37f: {  	s6 =	simm.s32 $0x0  }
0x380: {  	v13 =	vld [tilespmem:s6+$0x11480];
	_ =	sdelay $0x4  }
0x381: {  	s3 =	simm.s32 $0x10;
	(xrf0) =	vadd.scan.msk.s32 $0xffff, v13  }
0x382: {  	v1 =	vld [tilespmem:s3+$0x11480];
	_ =	sdelay $0x2  }
0x383: {  	s5 =	simm.s32 $0x20  }
0x384: {  	v0 =	vld [tilespmem:s5+$0x11480]  }
0x385: {  	v5, _, _ =	vpop (xrf0);
	(xrf0) =	vadd.scan.msk.s32 $0xffff, v1;
	_ =	sdelay $0x1  }
0x386: {  	v2 =	vxor.u32 $0x80000000, v5  }
0x387: {  	(xrf0) =	vmax.scan.msk.u32 $0xffff, v2  }
0x388: {  	(xrf0) =	vadd.scan.msk.s32 $0xffff, v0  }
0x389: {  	s4 =	simm.s32 $0x30  }
0x38a: {  	v4 =	vld [tilespmem:s4+$0x11480];
	v2, _, _ =	vpop (xrf0)  }
0x38b: {  	v3 =	vxor.u32 $0x80000000, v2;
	_ =	sdelay $0x1  }
0x38c: {  	v7, _, _ =	vpop (xrf0)  }
0x38d: {  	(xrf0) =	vmax.scan.msk.u32 $0xffff, v3;
	v3, _, _ =	vpop (xrf0)  }
0x38e: {  	(xrf0) =	vadd.scan.msk.s32 $0xffff, v4;
	v6 =	vxor.u32 $0x80000000, v3  }
0x38f: {  	(xrf0) =	vmax.scan.msk.u32 $0xffff, v6;
	_ =	sdelay $0x2  }
0x390: {  	(v2sf) =	vpush v7, $0xF  }
0x391: {  	v10, _, _ =	vpop (xrf0)  }
0x392: {  	v11, _, _ =	vpop (xrf0)  }
0x393: {  	s8 =	simm.s32 $0x40;
	(v2sf) =	vpush v10, $0xF;
	v16, _, _ =	vpop (xrf0)  }
0x394: {  	v6 =	vld [tilespmem:s8+$0x11480];
	(v2sf) =	vpush v16, $0xF;
	_ =	sdelay $0x2  }
0x395: {  	v14 =	vld [tilespmem:s6+$0x11C80]  }
0x396: {  	s7 =	simm.s32 $0x50;
	v12 =	vld [tilespmem:s3+$0x11C80]  }
0x397: {  	s9 =	simm.s32 $0x0;
	v10 =	vld [tilespmem:s7+$0x11C80];
	(xrf0) =	vadd.scan.msk.s32 $0xffff, v6  }
0x398: {  	v17 =	vsub.s32 s9, v13;
	v13 =	vld [tilespmem:s7+$0x11480];
	v15 =	vxor.u32 $0x80000000, v11  }
0x399: {  	v9 =	vld [tilespmem:s5+$0x11C80];
	(xrf0) =	vmax.scan.msk.u32 $0xffff, v15  }
0x39a: {  	v8 =	vld [tilespmem:s4+$0x11C80]  }
0x39b: {  	s10 =	simm.s32 $0x180;
	v14 =	vadd.s32 v14, v17;
	v7 =	vld [tilespmem:s8+$0x11C80]  }
.LBB2_39:
0x39c: {  	s11 =	sshra.s32 s10, $0x2;
	v14 =	vadd.s32 v5, v14;
	v15 =	vmovc v10;
	v5 =	vmovc v2;
	v2 =	vmov v3;
	v3 =	vmov v11;
	p0 =	sne.s32 s10, $0x1FC0  }
.Ltmp19:
0x39d: {  	s10 =	sadd.s32 $0x40, s10;
	v10 =	vld [tilespmem:s11+$0x11C80];
	(xrf0) =	vadd.scan.msk.s32 $0xffff, v13;
	v11, _, _ =	vpop (xrf0);
	[tilespmem:s6+$0x10C80] =	vst v14;
	s6 =	spop (v2sf);
	(pc) =	sbr.rel @p0 .LBB2_39-.Ltmp19, $4  }
0x39e: {  	v16 =	vmov v6;
	v6 =	vmov v13;
	v17 =	vxor.u32 $0x80000000, v11;
	s9 =	sadd.s32 s6, s9;
	v13 =	vld [tilespmem:s11+$0x11480];
	s6 =	smov.u32 s3;
	s3 =	smov.u32 s5  }
0x39f: {  	s5 =	smov.u32 s4;
	s4 =	smov.u32 s8;
	(xrf0) =	vmax.scan.msk.u32 $0xffff, v17;
	v14, _, _ =	vpop (xrf0);
	s9 =	sadd.s32 $0x80000000, s9  }
0x3a0: {  	s8 =	smov.u32 s7;
	s7 =	smov.u32 s11;
	(v2sf) =	vpush v14, $0xF;
	v14 =	vsub.s32 s9, v1;
	v1 =	vmovc v0;
	v0 =	vmovc v4;
	v4 =	vmov v16  }
0x3a1: {  	v14 =	vadd.s32 v12, v14;
	v12 =	vmovc v9;
	v9 =	vmovc v8;
	v8 =	vmov v7;
	v7 =	vmov v15  }
0x3a2: {  	_ = 	snop  }
0x3a3: {  	(xrf0) =	vadd.scan.msk.s32 $0xffff, v13;
	v15, _, _ =	vpop (xrf0)  }
0x3a4: {  	v16 =	vxor.u32 $0x80000000, v15  }
0x3a5: {  	(xrf0) =	vmax.scan.msk.u32 $0xffff, v16;
	_ =	sdelay $0x2  }
0x3a6: {  	v61, _, _ =	vpop (xrf0)  }
0x3a7: {  	v17, _, _ =	vpop (xrf0)  }
0x3a8: {  	(v2sf) =	vpush v61, $0xF;
	v18 =	vxor.u32 $0x80000000, v17  }
0x3a9: {  	(xrf0) =	vmax.scan.msk.u32 $0xffff, v18;
	v62, _, _ =	vpop (xrf0)  }
0x3aa: {  	(v2sf) =	vpush v62, $0xF;
	_ =	sdelay $0x4  }
0x3ab: {  	v63, _, _ =	vpop (xrf0)  }
0x3ac: {  	(v2sf) =	vpush v63, $0xF  }
0x3ad: {  	s10 =	spop (v2sf)  }
0x3ae: {  	s9 =	sadd.s32 s10, s9  }
0x3af: {  	s25 =	spop (v2sf);
	s9 =	sadd.s32 $0x80000000, s9  }
0x3b0: {  	s10 =	sadd.s32 s25, s9  }
0x3b1: {  	s10 =	sadd.s32 $0x80000000, s10;
	s11 =	spop (v2sf)  }
0x3b2: {  	s11 =	sadd.s32 s11, s10  }
0x3b3: {  	s11 =	sadd.s32 $0x80000000, s11;
	s12 =	spop (v2sf)  }
0x3b4: {  	v1 =	vsub.s32 s9, v1;
	s26 =	sadd.s32 s12, s11  }
0x3b5: {  	v5 =	vadd.s32 v5, v14;
	v1 =	vadd.s32 v12, v1;
	v0 =	vsub.s32 s10, v0;
	s9 =	sadd.s32 $0x80000000, s26;
	s28 =	spop (v2sf)  }
0x3b6: {  	[tilespmem:s6+$0x10C80] =	vst v5;
	v1 =	vadd.s32 v2, v1;
	v0 =	vadd.s32 v9, v0;
	v4 =	vsub.s32 s11, v4;
	s29 =	sadd.s32 s28, s9  }
0x3b7: {  	[tilespmem:s3+$0x10C80] =	vst v1;
	v0 =	vadd.s32 v3, v0;
	v1 =	vadd.s32 v8, v4;
	v2 =	vsub.s32 s9, v6;
	s30 =	sadd.s32 $0x80000000, s29  }
0x3b8: {  	[tilespmem:s5+$0x10C80] =	vst v0;
	v0 =	vadd.s32 v11, v1;
	v1 =	vadd.s32 v7, v2;
	v2 =	vsub.s32 s30, v13  }
0x3b9: {  	[tilespmem:s4+$0x10C80] =	vst v0;
	v0 =	vadd.s32 v15, v1;
	v1 =	vadd.s32 v10, v2  }
0x3ba: {  	s6 =	simm.s32 $0x0;
	s3 =	simm.s32 $0x0;
	s5 =	simm.s32 $0x80;
	[tilespmem:s8+$0x10C80] =	vst v0;
	v0 =	vadd.s32 v17, v1  }
0x3bb: {  	s4 =	simm.s32 $0x10C80;
	v1 =	vimm.s32 $0x80000000;
	s31 =	spop (v2sf);
	[tilespmem:s7+$0x10C80] =	vst v0;
	v0 =	vimm.s32 $0x1;
	s7 =	simm.s32 $0x0  }
.LBB2_41:
0x3bc: {  	p0 =	slt.u32 s7, $0x10  }
0x3bd: {  	s8 =	simm.s32 @!p0 $0x1  }
0x3be: {  	_ =	swait.ge @!p0 [sflag:s8], $0x80  }
0x3bf: {  	[sflag:s8] =	ssyncset.done @!p0 $0x0  }
0x3c0: {  	[sflag:s8] =	ssyncadd.s32 @!p0 $0xFFFFFF80  }
0x3c1: {  	v2 =	vld [tilespmem:s3+$0x0];
	_ =	sdelay $0x4  }
0x3c2: {  	vm0 =	vgt.s32 v2, $0xFFFFFFFF  }
0x3c3: {  	v3 =	vsel vm0, $0xFFFFFFFF, v1  }
0x3c4: {  	v3 =	vxor.u32 v2, v3  }
0x3c5: {  	v3 =	vsub.f32 $0.0e+00, v3;
	_ =	sdelay $0x1  }
0x3c6: {  	v3 =	vmul.f32 $1.442695020e+00, v3;
	_ =	sdelay $0x1  }
0x3c7: {  	(erf) = vpow2.f32 v3;
	_ =	sdelay $0x6  }
0x3c8: {  	v2 =	vshrl.u32 v2, $0x16  }
0x3c9: {  	(xrf1) =	vunique.msk.u32 $0xffff, v2  }
0x3ca: {  	v3 =	vpop (erf)  }
0x3cb: {  	v3 =	vadd.f32 $1.000000000e+00, v3;
	_ =	sdelay $0x1  }
0x3cc: {  	(erf) = vrcp.f32 v3;
	_ =	sdelay $0x5  }
0x3cd: {  	v3 =	vld.idx.msk [tilespmem:v2+s4+$0x0], $0xffff;
	_ =	sdelay $0x2  }
0x3ce: {  	v4 =	vpop (erf)  }
0x3cf: {  	_, v5, _ =	vpop (xrf1);
	v4 =	vmul.f32 $2.000000000e+01, v4  }
0x3d0: {  	v3 =	vadd.s32 v5, v3  }
0x3d1: {  	v3 =	vadd.s32 $0xFFFFFFFF, v3;
	v4 =	vadd.f32 $-1.000000000e+01, v4  }
0x3d2: {  	vm9 =	veq.s32 v3, $0x0  }
0x3d3: {  	vm10 =	vgt.s32 v3, $0xF423F;
	v4 =	vsel vm9, $0xC1200000, v4  }
0x3d4: {  	[tilespmem:v2+s4+$0x0] =	vst.idx.add.s32.msk $0xffff, v0;
	vm11 =	vlt.s32 v3, $0xF4240;
	v2 =	vsel vm10, $0x41200000, v4  }
0x3d5: {  	s31 =	sand.u32 $0x780, s6;
	v3 =	vnsel vm11, $0xF4240, v3;
	[tilespmem:s3+$0x0] =	vst v2  }
0x3d6: {  	[tilespmem:s31+$0xF480] =	vst v3  }
0x3d7: {  	v2 =	vld [tilespmem:s3+$0x10];
	_ =	sdelay $0x4  }
0x3d8: {  	vm12 =	vgt.s32 v2, $0xFFFFFFFF  }
0x3d9: {  	v3 =	vsel vm12, $0xFFFFFFFF, v1  }
0x3da: {  	v3 =	vxor.u32 v2, v3  }
0x3db: {  	v3 =	vsub.f32 $0.0e+00, v3;
	_ =	sdelay $0x1  }
0x3dc: {  	v3 =	vmul.f32 $1.442695020e+00, v3;
	_ =	sdelay $0x1  }
0x3dd: {  	(erf) = vpow2.f32 v3;
	_ =	sdelay $0x6  }
0x3de: {  	v2 =	vshrl.u32 v2, $0x16  }
0x3df: {  	(xrf1) =	vunique.msk.u32 $0xffff, v2  }
0x3e0: {  	v3 =	vpop (erf)  }
0x3e1: {  	v3 =	vadd.f32 $1.000000000e+00, v3;
	_ =	sdelay $0x1  }
0x3e2: {  	(erf) = vrcp.f32 v3;
	_ =	sdelay $0x5  }
0x3e3: {  	v3 =	vld.idx.msk [tilespmem:v2+s4+$0x0], $0xffff;
	_ =	sdelay $0x2  }
0x3e4: {  	v50 =	vpop (erf)  }
0x3e5: {  	_, v51, _ =	vpop (xrf1);
	v4 =	vmul.f32 $2.000000000e+01, v50  }
0x3e6: {  	v3 =	vadd.s32 v51, v3  }
0x3e7: {  	v3 =	vadd.s32 $0xFFFFFFFF, v3;
	v4 =	vadd.f32 $-1.000000000e+01, v4  }
0x3e8: {  	vm13 =	veq.s32 v3, $0x0  }
0x3e9: {  	vm14 =	vgt.s32 v3, $0xF423F;
	v4 =	vsel vm13, $0xC1200000, v4  }
0x3ea: {  	[tilespmem:v2+s4+$0x0] =	vst.idx.add.s32.msk $0xffff, v0;
	vm15 =	vlt.s32 v3, $0xF4240;
	v2 =	vsel vm14, $0x41200000, v4  }
0x3eb: {  	v3 =	vnsel vm15, $0xF4240, v3;
	[tilespmem:s3+$0x10] =	vst v2  }
0x3ec: {  	[tilespmem:s31+$0xF490] =	vst v3  }
0x3ed: {  	v2 =	vld [tilespmem:s3+$0x20];
	_ =	sdelay $0x4  }
0x3ee: {  	vm4 =	vgt.s32 v2, $0xFFFFFFFF  }
0x3ef: {  	v3 =	vsel vm4, $0xFFFFFFFF, v1  }
0x3f0: {  	v3 =	vxor.u32 v2, v3  }
0x3f1: {  	v3 =	vsub.f32 $0.0e+00, v3;
	_ =	sdelay $0x1  }
0x3f2: {  	v3 =	vmul.f32 $1.442695020e+00, v3;
	_ =	sdelay $0x1  }
0x3f3: {  	(erf) = vpow2.f32 v3;
	_ =	sdelay $0x6  }
0x3f4: {  	v2 =	vshrl.u32 v2, $0x16  }
0x3f5: {  	(xrf1) =	vunique.msk.u32 $0xffff, v2  }
0x3f6: {  	v3 =	vpop (erf)  }
0x3f7: {  	v3 =	vadd.f32 $1.000000000e+00, v3;
	_ =	sdelay $0x1  }
0x3f8: {  	(erf) = vrcp.f32 v3;
	_ =	sdelay $0x5  }
0x3f9: {  	v3 =	vld.idx.msk [tilespmem:v2+s4+$0x0], $0xffff;
	_ =	sdelay $0x2  }
0x3fa: {  	v52 =	vpop (erf)  }
0x3fb: {  	_, v53, _ =	vpop (xrf1);
	v4 =	vmul.f32 $2.000000000e+01, v52  }
0x3fc: {  	v3 =	vadd.s32 v53, v3  }
0x3fd: {  	v3 =	vadd.s32 $0xFFFFFFFF, v3;
	v4 =	vadd.f32 $-1.000000000e+01, v4  }
0x3fe: {  	vm5 =	veq.s32 v3, $0x0  }
0x3ff: {  	vm6 =	vgt.s32 v3, $0xF423F;
	v4 =	vsel vm5, $0xC1200000, v4  }
0x400: {  	[tilespmem:v2+s4+$0x0] =	vst.idx.add.s32.msk $0xffff, v0;
	vm7 =	vlt.s32 v3, $0xF4240;
	v2 =	vsel vm6, $0x41200000, v4  }
0x401: {  	v3 =	vnsel vm7, $0xF4240, v3;
	[tilespmem:s3+$0x20] =	vst v2  }
0x402: {  	[tilespmem:s31+$0xF4A0] =	vst v3  }
0x403: {  	v2 =	vld [tilespmem:s3+$0x30];
	_ =	sdelay $0x4  }
0x404: {  	vm8 =	vgt.s32 v2, $0xFFFFFFFF  }
0x405: {  	v3 =	vsel vm8, $0xFFFFFFFF, v1  }
0x406: {  	v3 =	vxor.u32 v2, v3  }
0x407: {  	v3 =	vsub.f32 $0.0e+00, v3;
	_ =	sdelay $0x1  }
0x408: {  	v3 =	vmul.f32 $1.442695020e+00, v3;
	_ =	sdelay $0x1  }
0x409: {  	(erf) = vpow2.f32 v3;
	_ =	sdelay $0x6  }
0x40a: {  	v2 =	vshrl.u32 v2, $0x16  }
0x40b: {  	(xrf1) =	vunique.msk.u32 $0xffff, v2  }
0x40c: {  	v3 =	vpop (erf)  }
0x40d: {  	v3 =	vadd.f32 $1.000000000e+00, v3;
	_ =	sdelay $0x1  }
0x40e: {  	(erf) = vrcp.f32 v3;
	_ =	sdelay $0x5  }
0x40f: {  	v3 =	vld.idx.msk [tilespmem:v2+s4+$0x0], $0xffff;
	_ =	sdelay $0x2  }
0x410: {  	v54 =	vpop (erf)  }
0x411: {  	_, v55, _ =	vpop (xrf1);
	v4 =	vmul.f32 $2.000000000e+01, v54  }
0x412: {  	v3 =	vadd.s32 v55, v3  }
0x413: {  	v3 =	vadd.s32 $0xFFFFFFFF, v3;
	v4 =	vadd.f32 $-1.000000000e+01, v4  }
0x414: {  	vm9 =	veq.s32 v3, $0x0  }
0x415: {  	vm10 =	vgt.s32 v3, $0xF423F;
	v4 =	vsel vm9, $0xC1200000, v4  }
0x416: {  	[tilespmem:v2+s4+$0x0] =	vst.idx.add.s32.msk $0xffff, v0;
	vm11 =	vlt.s32 v3, $0xF4240;
	v2 =	vsel vm10, $0x41200000, v4  }
0x417: {  	v3 =	vnsel vm11, $0xF4240, v3;
	[tilespmem:s3+$0x30] =	vst v2  }
0x418: {  	[tilespmem:s31+$0xF4B0] =	vst v3  }
0x419: {  	v2 =	vld [tilespmem:s3+$0x40];
	_ =	sdelay $0x4  }
0x41a: {  	vm12 =	vgt.s32 v2, $0xFFFFFFFF  }
0x41b: {  	v3 =	vsel vm12, $0xFFFFFFFF, v1  }
0x41c: {  	v3 =	vxor.u32 v2, v3  }
0x41d: {  	v3 =	vsub.f32 $0.0e+00, v3;
	_ =	sdelay $0x1  }
0x41e: {  	v3 =	vmul.f32 $1.442695020e+00, v3;
	_ =	sdelay $0x1  }
0x41f: {  	(erf) = vpow2.f32 v3;
	_ =	sdelay $0x6  }
0x420: {  	v2 =	vshrl.u32 v2, $0x16  }
0x421: {  	(xrf1) =	vunique.msk.u32 $0xffff, v2  }
0x422: {  	v3 =	vpop (erf)  }
0x423: {  	v3 =	vadd.f32 $1.000000000e+00, v3;
	_ =	sdelay $0x1  }
0x424: {  	(erf) = vrcp.f32 v3;
	_ =	sdelay $0x5  }
0x425: {  	v3 =	vld.idx.msk [tilespmem:v2+s4+$0x0], $0xffff;
	_ =	sdelay $0x2  }
0x426: {  	v56 =	vpop (erf)  }
0x427: {  	_, v57, _ =	vpop (xrf1);
	v4 =	vmul.f32 $2.000000000e+01, v56  }
0x428: {  	v3 =	vadd.s32 v57, v3  }
0x429: {  	v3 =	vadd.s32 $0xFFFFFFFF, v3;
	v4 =	vadd.f32 $-1.000000000e+01, v4  }
0x42a: {  	vm13 =	veq.s32 v3, $0x0  }
0x42b: {  	vm14 =	vgt.s32 v3, $0xF423F;
	v4 =	vsel vm13, $0xC1200000, v4  }
0x42c: {  	[tilespmem:v2+s4+$0x0] =	vst.idx.add.s32.msk $0xffff, v0;
	vm15 =	vlt.s32 v3, $0xF4240;
	v2 =	vsel vm14, $0x41200000, v4  }
0x42d: {  	v3 =	vnsel vm15, $0xF4240, v3;
	[tilespmem:s3+$0x40] =	vst v2  }
0x42e: {  	[tilespmem:s31+$0xF4C0] =	vst v3  }
0x42f: {  	v2 =	vld [tilespmem:s3+$0x50];
	_ =	sdelay $0x4  }
0x430: {  	vm4 =	vgt.s32 v2, $0xFFFFFFFF  }
0x431: {  	v3 =	vsel vm4, $0xFFFFFFFF, v1  }
0x432: {  	v3 =	vxor.u32 v2, v3  }
0x433: {  	v3 =	vsub.f32 $0.0e+00, v3;
	_ =	sdelay $0x1  }
0x434: {  	v3 =	vmul.f32 $1.442695020e+00, v3;
	_ =	sdelay $0x1  }
0x435: {  	(erf) = vpow2.f32 v3;
	_ =	sdelay $0x6  }
0x436: {  	v2 =	vshrl.u32 v2, $0x16  }
0x437: {  	(xrf1) =	vunique.msk.u32 $0xffff, v2  }
0x438: {  	v3 =	vpop (erf)  }
0x439: {  	v3 =	vadd.f32 $1.000000000e+00, v3;
	_ =	sdelay $0x1  }
0x43a: {  	(erf) = vrcp.f32 v3;
	_ =	sdelay $0x5  }
0x43b: {  	v3 =	vld.idx.msk [tilespmem:v2+s4+$0x0], $0xffff;
	_ =	sdelay $0x2  }
0x43c: {  	v58 =	vpop (erf)  }
0x43d: {  	_, v59, _ =	vpop (xrf1);
	v4 =	vmul.f32 $2.000000000e+01, v58  }
0x43e: {  	v3 =	vadd.s32 v59, v3  }
0x43f: {  	v3 =	vadd.s32 $0xFFFFFFFF, v3;
	v4 =	vadd.f32 $-1.000000000e+01, v4  }
0x440: {  	vm5 =	veq.s32 v3, $0x0  }
0x441: {  	vm6 =	vgt.s32 v3, $0xF423F;
	v4 =	vsel vm5, $0xC1200000, v4  }
0x442: {  	[tilespmem:v2+s4+$0x0] =	vst.idx.add.s32.msk $0xffff, v0;
	vm7 =	vlt.s32 v3, $0xF4240;
	v2 =	vsel vm6, $0x41200000, v4  }
0x443: {  	v3 =	vnsel vm7, $0xF4240, v3;
	[tilespmem:s3+$0x50] =	vst v2  }
0x444: {  	[tilespmem:s31+$0xF4D0] =	vst v3  }
0x445: {  	v2 =	vld [tilespmem:s3+$0x60];
	_ =	sdelay $0x4  }
0x446: {  	vm8 =	vgt.s32 v2, $0xFFFFFFFF  }
0x447: {  	v3 =	vsel vm8, $0xFFFFFFFF, v1  }
0x448: {  	v3 =	vxor.u32 v2, v3  }
0x449: {  	v3 =	vsub.f32 $0.0e+00, v3;
	_ =	sdelay $0x1  }
0x44a: {  	v3 =	vmul.f32 $1.442695020e+00, v3;
	_ =	sdelay $0x1  }
0x44b: {  	(erf) = vpow2.f32 v3;
	_ =	sdelay $0x6  }
0x44c: {  	v2 =	vshrl.u32 v2, $0x16  }
0x44d: {  	(xrf1) =	vunique.msk.u32 $0xffff, v2  }
0x44e: {  	v3 =	vpop (erf)  }
0x44f: {  	v3 =	vadd.f32 $1.000000000e+00, v3;
	_ =	sdelay $0x1  }
0x450: {  	(erf) = vrcp.f32 v3;
	_ =	sdelay $0x5  }
0x451: {  	v3 =	vld.idx.msk [tilespmem:v2+s4+$0x0], $0xffff;
	_ =	sdelay $0x2  }
0x452: {  	v60 =	vpop (erf)  }
0x453: {  	_, v61, _ =	vpop (xrf1);
	v4 =	vmul.f32 $2.000000000e+01, v60  }
0x454: {  	v3 =	vadd.s32 v61, v3  }
0x455: {  	v3 =	vadd.s32 $0xFFFFFFFF, v3;
	v4 =	vadd.f32 $-1.000000000e+01, v4  }
0x456: {  	vm9 =	veq.s32 v3, $0x0  }
0x457: {  	vm10 =	vgt.s32 v3, $0xF423F;
	v4 =	vsel vm9, $0xC1200000, v4  }
0x458: {  	[tilespmem:v2+s4+$0x0] =	vst.idx.add.s32.msk $0xffff, v0;
	vm11 =	vlt.s32 v3, $0xF4240;
	v2 =	vsel vm10, $0x41200000, v4  }
0x459: {  	v3 =	vnsel vm11, $0xF4240, v3;
	[tilespmem:s3+$0x60] =	vst v2  }
0x45a: {  	[tilespmem:s31+$0xF4E0] =	vst v3  }
0x45b: {  	v2 =	vld [tilespmem:s3+$0x70];
	_ =	sdelay $0x4  }
0x45c: {  	vm12 =	vgt.s32 v2, $0xFFFFFFFF  }
0x45d: {  	v3 =	vsel vm12, $0xFFFFFFFF, v1  }
0x45e: {  	v3 =	vxor.u32 v2, v3  }
0x45f: {  	v3 =	vsub.f32 $0.0e+00, v3;
	_ =	sdelay $0x1  }
0x460: {  	v3 =	vmul.f32 $1.442695020e+00, v3;
	_ =	sdelay $0x1  }
0x461: {  	(erf) = vpow2.f32 v3;
	_ =	sdelay $0x6  }
0x462: {  	v2 =	vshrl.u32 v2, $0x16  }
0x463: {  	(xrf1) =	vunique.msk.u32 $0xffff, v2  }
0x464: {  	v3 =	vpop (erf)  }
0x465: {  	v3 =	vadd.f32 $1.000000000e+00, v3;
	_ =	sdelay $0x1  }
0x466: {  	(erf) = vrcp.f32 v3;
	_ =	sdelay $0x5  }
0x467: {  	v3 =	vld.idx.msk [tilespmem:v2+s4+$0x0], $0xffff;
	_ =	sdelay $0x2  }
0x468: {  	v62 =	vpop (erf)  }
0x469: {  	_, v63, _ =	vpop (xrf1);
	v4 =	vmul.f32 $2.000000000e+01, v62  }
0x46a: {  	v3 =	vadd.s32 v63, v3  }
0x46b: {  	v3 =	vadd.s32 $0xFFFFFFFF, v3;
	v4 =	vadd.f32 $-1.000000000e+01, v4  }
0x46c: {  	s7 =	sadd.s32 $0x1, s7;
	vm13 =	veq.s32 v3, $0x0  }
0x46d: {  	p0 =	sne.s32 s7, $0x1E9;
	vm14 =	vgt.s32 v3, $0xF423F;
	v4 =	vsel vm13, $0xC1200000, v4  }
.Ltmp20:
0x46e: {  	[tilespmem:v2+s4+$0x0] =	vst.idx.add.s32.msk $0xffff, v0;
	vm15 =	vlt.s32 v3, $0xF4240;
	v2 =	vsel vm14, $0x41200000, v4;
	(pc) =	sbr.rel @p0 .LBB2_41-.Ltmp20, $4  }
0x46f: {  	v3 =	vnsel vm15, $0xF4240, v3;
	[tilespmem:s3+$0x70] =	vst v2  }
0x470: {  	s9 =	sadd.s32 $0xF480, s31;
	[tilespmem:s31+$0xF4F0] =	vst v3  }
0x471: {  	[hbm4b:s2+s5] =	stream.indirect.scatter [tilespmem:s3], [sflag:$0x1], $0x1, s9, s5, $0xb8;
	[tilespmem:$0x12C80] =	vst v63  }
0x472: {  	s6 =	sadd.s32 $0x80, s6;
	s3 =	sadd.s32 $0x80, s3  }
0x473: {  	s2 =	simm.s32 $0x1  }
0x474: {  	_ =	swait.ge [sflag:s2], $0x80  }
0x475: {  	[sflag:s2] =	ssyncset.done $0x0  }
0x476: {  	[sflag:s2] =	ssyncadd.s32 $0xFFFFFF80  }
0x477: {  	_ =	swait.ge [sflag:s2], $0x80  }
0x478: {  	[sflag:s2] =	ssyncset.done $0x0  }
0x479: {  	[sflag:s2] =	ssyncadd.s32 $0xFFFFFF80  }
0x47a: {  	_ =	swait.ge [sflag:s2], $0x80  }
0x47b: {  	[sflag:s2] =	ssyncset.done $0x0  }
0x47c: {  	[sflag:s2] =	ssyncadd.s32 $0xFFFFFF80  }
0x47d: {  	_ =	swait.ge [sflag:s2], $0x80  }
0x47e: {  	[sflag:s2] =	ssyncset.done $0x0  }
0x47f: {  	[sflag:s2] =	ssyncadd.s32 $0xFFFFFF80  }
0x480: {  	_ =	swait.ge [sflag:s2], $0x80  }
0x481: {  	[sflag:s2] =	ssyncset.done $0x0  }
0x482: {  	[sflag:s2] =	ssyncadd.s32 $0xFFFFFF80  }
0x483: {  	_ =	swait.ge [sflag:s2], $0x80  }
0x484: {  	[sflag:s2] =	ssyncset.done $0x0  }
0x485: {  	[sflag:s2] =	ssyncadd.s32 $0xFFFFFF80  }
0x486: {  	_ =	swait.ge [sflag:s2], $0x80  }
0x487: {  	[sflag:s2] =	ssyncset.done $0x0  }
0x488: {  	[sflag:s2] =	ssyncadd.s32 $0xFFFFFF80  }
0x489: {  	_ =	swait.ge [sflag:s2], $0x80  }
0x48a: {  	[sflag:s2] =	ssyncset.done $0x0  }
0x48b: {  	[sflag:s2] =	ssyncadd.s32 $0xFFFFFF80  }
0x48c: {  	_ =	swait.ge [sflag:s2], $0x80  }
0x48d: {  	[sflag:s2] =	ssyncset.done $0x0  }
0x48e: {  	[sflag:s2] =	ssyncadd.s32 $0xFFFFFF80  }
0x48f: {  	_ =	swait.ge [sflag:s2], $0x80  }
0x490: {  	[sflag:s2] =	ssyncset.done $0x0  }
0x491: {  	[sflag:s2] =	ssyncadd.s32 $0xFFFFFF80  }
0x492: {  	_ =	swait.ge [sflag:s2], $0x80  }
0x493: {  	[sflag:s2] =	ssyncset.done $0x0  }
0x494: {  	[sflag:s2] =	ssyncadd.s32 $0xFFFFFF80  }
0x495: {  	_ =	swait.ge [sflag:s2], $0x80  }
0x496: {  	[sflag:s2] =	ssyncset.done $0x0  }
0x497: {  	[sflag:s2] =	ssyncadd.s32 $0xFFFFFF80  }
0x498: {  	_ =	swait.ge [sflag:s2], $0x80  }
0x499: {  	[sflag:s2] =	ssyncset.done $0x0  }
0x49a: {  	[sflag:s2] =	ssyncadd.s32 $0xFFFFFF80  }
0x49b: {  	_ =	swait.ge [sflag:s2], $0x80  }
0x49c: {  	[sflag:s2] =	ssyncset.done $0x0  }
0x49d: {  	[sflag:s2] =	ssyncadd.s32 $0xFFFFFF80  }
0x49e: {  	_ =	swait.ge [sflag:s2], $0x80  }
0x49f: {  	[sflag:s2] =	ssyncset.done $0x0  }
0x4a0: {  	[sflag:s2] =	ssyncadd.s32 $0xFFFFFF80  }
0x4a1: {  	_ =	swait.ge [sflag:s2], $0x80  }
0x4a2: {  	[sflag:s2] =	ssyncset.done $0x0  }
0x4a3: {  	[sflag:s2] =	ssyncadd.s32 $0xFFFFFF80  }
0x4a4: {  	[bflag:$0x0] =	sbarrier.arrive $0xFFFF  }
0x4a5: {  	_ =	sfence.sel $0x180000  }
0x4a6: {  	[bflag:$0x0] =	sbarrier.arrive $0xFFFF  }
0x4a7: {  	p0 =	sne.s32 s1, $0x0;
	_ =	strace $0x90000047  }
0x4a8: {  	s0 =	sadd.s32 @!p0 $0x100000, s0;
	[bflag:$0x2] =	sbarrier.arrive $0xFFFF  }
0x4a9: {  	[sflag:s0] =	ssyncadd.tile.s32 @!p0 $0x1;
	_ =	shalt  }
.Lfunc_end2:
_tile_overlayer_lowered:
.L_overlay_start_2:
0x4aa: {  	(tag) =	ssettag $0x2  }
0x4ab: {  	s0 =	rddreg [dreg:$0x0];
	s2 =	stileid.u32  }
0x4ac: {  	s1 =	rddreg [dreg:$0x1];
	p0 =	sne.s32 s2, $0x0  }
0x4ad: {  	s3 =	rddreg [dreg:$0x2];
	[bflag:$0x3] =	sbarrier.arrive $0xFFFF;
	s2 =	simm.s32 @!p0 $0x1C02  }
0x4ae: {  	[timem:s3], [sflag:s2] =	dma.local @!p0 [hbm:s0], s1  }
0x4af: {  	s0 =	simm.s32 @!p0 $0x2  }
0x4b0: {  	_ =	swait.ge @!p0 [sflag:s0], s1  }
0x4b1: {  	s1 =	ssub.s32 @!p0 $0x0, s1;
	[sflag:s0] =	ssyncset.done @!p0 $0x0  }
0x4b2: {  	[sflag:s0] =	ssyncadd.s32 @!p0 s1  }
0x4b3: {  	[bflag:$0x3] =	sbarrier.arrive $0xFFFF  }
0x4b4: {  	_ =	shalt  }

</sc_bundles>
